<compile_context>
chip_gen: v7x
topology: tpu7x:2x2x1
jax: 0.10.2.dev20260603
libtpu: 0.0.44.dev20260713+nightly
codegen_flags: <defaults>
</compile_context>

<pallas_src>
import functools

import jax
import jax.numpy as jnp
from jax import lax
from jax.experimental import pallas as pl
from jax.experimental.pallas import tpu as pltpu
from jax.experimental.pallas import tpu_sc as plsc

N_NODES = 10000
N_EDGES = 320000
D_FEAT = 128
D_EDGE = 16

NC = 2
NS = 16
NW = NC * NS
NSPLIT = 1
ES = N_EDGES // NSPLIT
EW = ES // NW
C = 40
NCHUNK = EW // C
NBUF = 5
RZ = 40
NRC = N_NODES // RZ
NL = 16


def _edge_project(edge_attr, W_edge):
    BE = 16000

    def body(a_ref, w_ref, o_ref):
        o_ref[...] = jnp.dot(a_ref[...], w_ref[...],
                             preferred_element_type=jnp.float32)

    return pl.pallas_call(
        body,
        grid=(ES // BE,),
        in_specs=[
            pl.BlockSpec((BE, D_EDGE), lambda i: (i, 0)),
            pl.BlockSpec((D_EDGE, D_FEAT), lambda i: (0, 0)),
        ],
        out_specs=pl.BlockSpec((BE, D_FEAT), lambda i: (i, 0)),
        out_shape=jax.ShapeDtypeStruct((ES, D_FEAT), jnp.float32),
    )(edge_attr, W_edge)


def _sc_aggregate(x, src, dst, msg):
    mesh = plsc.VectorSubcoreMesh(core_axis_name="c", subcore_axis_name="s")

    @functools.partial(
        pl.kernel,
        out_type=jax.ShapeDtypeStruct((NC, N_NODES, D_FEAT), jnp.float32),
        mesh=mesh,
        scratch_types=[
            [pltpu.VMEM((C,), jnp.int32) for _ in range(NBUF)],
            [pltpu.VMEM((C,), jnp.int32) for _ in range(NBUF)],
            [pltpu.VMEM((C, D_FEAT), jnp.float32) for _ in range(NBUF)],
            pltpu.VMEM_SHARED((N_NODES, D_FEAT), jnp.float32),
            [pltpu.SemaphoreType.DMA for _ in range(NBUF)],
            [pltpu.SemaphoreType.DMA for _ in range(NBUF)],
            [pltpu.SemaphoreType.DMA for _ in range(NBUF)],
        ],
    )
    def agg_kernel(x_hbm, src_hbm, dst_hbm, msg_hbm, out_hbm,
                   sidx, didx, msgb, acc, sem_ld, sem_g, sem_sc):
        cid = lax.axis_index("c")
        sid = lax.axis_index("s")
        wid = sid * NC + cid
        wbase = wid * EW

        zb = msgb[0]
        def zrow(i, _):
            for j in range(D_FEAT // NL):
                zb[i, pl.ds(j * NL, NL)] = jnp.zeros((NL,), jnp.float32)
            return 0
        lax.fori_loop(0, RZ, zrow, 0)
        for r in range(-(-NRC // NS)):
            cidx = r * NS + sid
            @pl.when(cidx < NRC)
            def _():
                pltpu.sync_copy(zb, acc.at[pl.ds(cidx * RZ, RZ)])
        plsc.subcore_barrier()

        def loads_start(k, b):
            base = wbase + k * C
            pltpu.async_copy(src_hbm.at[pl.ds(base, C)], sidx[b], sem_ld[b])
            pltpu.async_copy(dst_hbm.at[pl.ds(base, C)], didx[b], sem_ld[b])
            pltpu.async_copy(msg_hbm.at[pl.ds(base, C)], msgb[b], sem_ld[b])

        def loads_wait(k, b):
            base = wbase + k * C
            pltpu.make_async_copy(src_hbm.at[pl.ds(base, C)], sidx[b], sem_ld[b]).wait()
            pltpu.make_async_copy(dst_hbm.at[pl.ds(base, C)], didx[b], sem_ld[b]).wait()
            pltpu.make_async_copy(msg_hbm.at[pl.ds(base, C)], msgb[b], sem_ld[b]).wait()

        def gather_start(b):
            pltpu.async_copy(x_hbm.at[sidx[b]], msgb[b], sem_g[b], add=True)

        def gather_wait(b):
            pltpu.make_async_copy(x_hbm.at[sidx[b]], msgb[b], sem_g[b]).wait()

        def scatter_start(b):
            pltpu.async_copy(msgb[b], acc.at[didx[b]], sem_sc[b], add=True)

        def scatter_wait(b):
            pltpu.make_async_copy(msgb[b], acc.at[didx[b]], sem_sc[b]).wait()

        for j in range(NBUF - 1):
            loads_start(j, j)
        for j in range(2):
            loads_wait(j, j)
            gather_start(j)

        def group(g, _):
            for b in range(NBUF):
                k = g * NBUF + b
                bn = (b + NBUF - 1) % NBUF

                @pl.when(k > 0)
                def _():
                    scatter_wait(bn)

                @pl.when(k + NBUF - 1 < NCHUNK)
                def _():
                    loads_start(k + NBUF - 1, bn)

                @pl.when(k + 2 < NCHUNK)
                def _():
                    loads_wait(k + 2, (b + 2) % NBUF)
                    gather_start((b + 2) % NBUF)

                gather_wait(b)

                def row(i, _):
                    for j in range(D_FEAT // NL):
                        s = pl.ds(j * NL, NL)
                        msgb[b][i, s] = jnp.maximum(msgb[b][i, s], 0.0)
                    return 0
                lax.fori_loop(0, C, row, 0)
                scatter_start(b)
            return 0
        lax.fori_loop(0, NCHUNK // NBUF, group, 0)
        scatter_wait((NCHUNK - 1) % NBUF)
        plsc.subcore_barrier()

        for r in range(-(-NRC // NS)):
            cidx = r * NS + sid
            @pl.when(cidx < NRC)
            def _():
                rows = pl.ds(cidx * RZ, RZ)
                pltpu.sync_copy(acc.at[rows], zb)
                pltpu.sync_copy(zb, out_hbm.at[cid].at[rows])

    return agg_kernel(x, src, dst, msg)


def _finish(partials, x, W_self, b2d):
    BN = 1000

    def body(*refs):
        p_refs = refs[:NSPLIT]
        x_ref, w_ref, b_ref, o_ref = refs[NSPLIT:]
        acc = p_refs[0][0] + p_refs[0][1]
        for p in p_refs[1:]:
            acc = acc + p[0] + p[1]
        o_ref[...] = (jnp.dot(acc, w_ref[...], preferred_element_type=jnp.float32)
                      + b_ref[...] - x_ref[...])

    return pl.pallas_call(
        body,
        grid=(N_NODES // BN,),
        in_specs=[pl.BlockSpec((NC, BN, D_FEAT), lambda i: (0, i, 0))
                  for _ in range(NSPLIT)] + [
            pl.BlockSpec((BN, D_FEAT), lambda i: (i, 0)),
            pl.BlockSpec((D_FEAT, D_FEAT), lambda i: (0, 0)),
            pl.BlockSpec((1, D_FEAT), lambda i: (0, 0)),
        ],
        out_specs=pl.BlockSpec((BN, D_FEAT), lambda i: (i, 0)),
        out_shape=jax.ShapeDtypeStruct((N_NODES, D_FEAT), jnp.float32),
    )(*partials, x, W_self, b2d)


def kernel(t, x, edge_index, edge_attr, W_edge, W_self, b):
    del t
    src = edge_index[0].astype(jnp.int32)
    dst = edge_index[1].astype(jnp.int32)
    partials = []
    for s in range(NSPLIT):
        sl = slice(s * ES, (s + 1) * ES)
        msg = _edge_project(edge_attr[sl], W_edge)
        partials.append(_sc_aggregate(x, src[sl], dst[sl], msg))
    return _finish(partials, x, W_self, b.reshape(1, D_FEAT))

# --- scband reference (transcript-rebuilt; emitter-appended) ---
"""Pipeline reference for scband-odefunc-77343771066973 (READ-ONLY COPY).

The authoritative reference and input builder live on the scoring server;
editing this copy changes nothing except your own understanding.
"""

import jax, jax.numpy as jnp
import numpy as np

N_NODES = 10000
N_EDGES = 320000
D_FEAT = 128
D_EDGE = 16


def setup_inputs(seed: int = 0) -> dict:
    key = jax.random.key(seed)
    k1, k2, k3, k4, k5, k6 = jax.random.split(key, 6)
    t = jax.random.uniform(k1, (1,), dtype=jnp.float32)
    x = jax.random.normal(k2, (N_NODES, D_FEAT), dtype=jnp.float32)
    edge_index = jax.random.randint(k3, (2, N_EDGES), 0, N_NODES, dtype=jnp.int64)
    edge_attr = jax.random.normal(k4, (N_EDGES, D_EDGE), dtype=jnp.float32)
    # Learned parameters of the wrapped GNN message-passing layer
    W_edge = jax.random.normal(k5, (D_EDGE, D_FEAT), dtype=jnp.float32) * 0.05
    W_self = jax.random.normal(k6, (D_FEAT, D_FEAT), dtype=jnp.float32) * 0.05
    b = jnp.zeros((D_FEAT,), dtype=jnp.float32)
    return {"t": t, "x": x, "edge_index": edge_index, "edge_attr": edge_attr,
            "W_edge": W_edge, "W_self": W_self, "b": b}


def reference(t, x, edge_index, edge_attr, W_edge, W_self, b):
    # ODEFunc.forward(t, x): dx/dt = gnn_layer(x, edge_index, edge_attr)
    # gnn_layer: gather src features, add projected edge features,
    # relu, scatter-add to dst nodes, node-wise linear + decay term.
    src = edge_index[0]
    dst = edge_index[1]
    msgs = jax.nn.relu(jnp.take(x, src, axis=0) + edge_attr @ W_edge)  # [E, D]
    agg = jax.ops.segment_sum(msgs, dst, num_segments=N_NODES)         # [N, D]
    dx_dt = agg @ W_self + b - x
    return dx_dt

if __name__ == "__main__":
    import jax
    _d = setup_inputs()
    print(jax.jit(kernel)(*tuple(_d.values())))

</pallas_src>

<mosaic_0001>
#map = affine_map<(d0, d1) -> (0, 0)>
#map1 = affine_map<(d0, d1) -> (0)>
#map2 = affine_map<(d0, d1) -> (0, 0, 0)>
module attributes {stable_mosaic.version = 14 : i64} {
  func.func @agg_kernel(%arg0: i32, %arg1: i32, %arg2: memref<10000x128xf32, #tpu.memory_space<hbm>>, %arg3: memref<320000xi32, #tpu.memory_space<hbm>>, %arg4: memref<320000xi32, #tpu.memory_space<hbm>>, %arg5: memref<320000x128xf32, #tpu.memory_space<hbm>>, %arg6: memref<2x10000x128xf32, #tpu.memory_space<hbm>>, %arg7: memref<40xi32, #tpu.memory_space<vmem>>, %arg8: memref<40xi32, #tpu.memory_space<vmem>>, %arg9: memref<40xi32, #tpu.memory_space<vmem>>, %arg10: memref<40xi32, #tpu.memory_space<vmem>>, %arg11: memref<40xi32, #tpu.memory_space<vmem>>, %arg12: memref<40xi32, #tpu.memory_space<vmem>>, %arg13: memref<40xi32, #tpu.memory_space<vmem>>, %arg14: memref<40xi32, #tpu.memory_space<vmem>>, %arg15: memref<40xi32, #tpu.memory_space<vmem>>, %arg16: memref<40xi32, #tpu.memory_space<vmem>>, %arg17: memref<40x128xf32, #tpu.memory_space<vmem>>, %arg18: memref<40x128xf32, #tpu.memory_space<vmem>>, %arg19: memref<40x128xf32, #tpu.memory_space<vmem>>, %arg20: memref<40x128xf32, #tpu.memory_space<vmem>>, %arg21: memref<40x128xf32, #tpu.memory_space<vmem>>, %arg22: memref<10000x128xf32, #tpu.memory_space<vmem_shared>>, %arg23: memref<!tpu.dma_semaphore, #tpu.memory_space<semaphore_mem>>, %arg24: memref<!tpu.dma_semaphore, #tpu.memory_space<semaphore_mem>>, %arg25: memref<!tpu.dma_semaphore, #tpu.memory_space<semaphore_mem>>, %arg26: memref<!tpu.dma_semaphore, #tpu.memory_space<semaphore_mem>>, %arg27: memref<!tpu.dma_semaphore, #tpu.memory_space<semaphore_mem>>, %arg28: memref<!tpu.dma_semaphore, #tpu.memory_space<semaphore_mem>>, %arg29: memref<!tpu.dma_semaphore, #tpu.memory_space<semaphore_mem>>, %arg30: memref<!tpu.dma_semaphore, #tpu.memory_space<semaphore_mem>>, %arg31: memref<!tpu.dma_semaphore, #tpu.memory_space<semaphore_mem>>, %arg32: memref<!tpu.dma_semaphore, #tpu.memory_space<semaphore_mem>>, %arg33: memref<!tpu.dma_semaphore, #tpu.memory_space<semaphore_mem>>, %arg34: memref<!tpu.dma_semaphore, #tpu.memory_space<semaphore_mem>>, %arg35: memref<!tpu.dma_semaphore, #tpu.memory_space<semaphore_mem>>, %arg36: memref<!tpu.dma_semaphore, #tpu.memory_space<semaphore_mem>>, %arg37: memref<!tpu.dma_semaphore, #tpu.memory_space<semaphore_mem>>) attributes {dimension_semantics = [#tpu.dimension_semantics<core_parallel>, #tpu.dimension_semantics<subcore_parallel>], iteration_bounds = array<i64: 2, 16>, scalar_prefetch = 0 : i64, scratch_operands = 31 : i64, tpu.core_type = #tpu.core_type<sc_vector_subcore>, window_params = [{transform_indices = #map}, {transform_indices = #map1}, {transform_indices = #map1}, {transform_indices = #map}, {transform_indices = #map2}]} {
    %mul3A = arith.constant 2 : i32
    %mul3A_0 = arith.muli %arg1, %mul3A : i32
    %add3A = arith.addi %mul3A_0, %arg0 : i32
    %mul3A_1 = arith.constant 10000 : i32
    %mul3A_2 = arith.muli %add3A, %mul3A_1 : i32
    %scan3A = arith.constant 0 : i32
    %scan3A_3 = arith.constant 0 : i32
    %scan3A_4 = arith.constant 40 : i32
    %scan3A_5 = arith.addi %scan3A_3, %scan3A_4 : i32
    %scan3A_6 = arith.constant 1 : i32
    %scan3A_7 = scf.for %scan3A_305 = %scan3A_3 to %scan3A_5 step %scan3A_6 iter_args(%scan3A_306 = %scan3A) -> (i32)  : i32 {
      %broadcast_in_dim3A = arith.constant 0.000000e+00 : f32
      %broadcast_in_dim3A_307 = vector.broadcast %broadcast_in_dim3A : f32 to vector<16xf32>
      %swap3A = arith.index_cast %scan3A_305 : i32 to index
      %swap3A_308 = arith.constant 0 : index
      %swap3A_309 = tpu.vector_load %arg17[%swap3A, %swap3A_308] {strides = array<i32>} : memref<40x128xf32, #tpu.memory_space<vmem>>, vector<1x16xf32>,
      %swap3A_310 = vector.shape_cast %swap3A_309 : vector<1x16xf32> to vector<16xf32>
      %swap3A_311 = vector.shape_cast %broadcast_in_dim3A_307 : vector<16xf32> to vector<1x16xf32>
      tpu.vector_store %arg17[%swap3A, %swap3A_308], %swap3A_311 {strides = array<i32>} : memref<40x128xf32, #tpu.memory_space<vmem>>, vector<1x16xf32>,
      %broadcast_in_dim3A_312 = arith.constant 0.000000e+00 : f32
      %broadcast_in_dim3A_313 = vector.broadcast %broadcast_in_dim3A_312 : f32 to vector<16xf32>
      %swap3A_314 = arith.index_cast %scan3A_305 : i32 to index
      %swap3A_315 = arith.constant 16 : index
      %swap3A_316 = tpu.vector_load %arg17[%swap3A_314, %swap3A_315] {strides = array<i32>} : memref<40x128xf32, #tpu.memory_space<vmem>>, vector<1x16xf32>,
      %swap3A_317 = vector.shape_cast %swap3A_316 : vector<1x16xf32> to vector<16xf32>
      %swap3A_318 = vector.shape_cast %broadcast_in_dim3A_313 : vector<16xf32> to vector<1x16xf32>
      tpu.vector_store %arg17[%swap3A_314, %swap3A_315], %swap3A_318 {strides = array<i32>} : memref<40x128xf32, #tpu.memory_space<vmem>>, vector<1x16xf32>,
      %broadcast_in_dim3A_319 = arith.constant 0.000000e+00 : f32
      %broadcast_in_dim3A_320 = vector.broadcast %broadcast_in_dim3A_319 : f32 to vector<16xf32>
      %swap3A_321 = arith.index_cast %scan3A_305 : i32 to index
      %swap3A_322 = arith.constant 32 : index
      %swap3A_323 = tpu.vector_load %arg17[%swap3A_321, %swap3A_322] {strides = array<i32>} : memref<40x128xf32, #tpu.memory_space<vmem>>, vector<1x16xf32>,
      %swap3A_324 = vector.shape_cast %swap3A_323 : vector<1x16xf32> to vector<16xf32>
      %swap3A_325 = vector.shape_cast %broadcast_in_dim3A_320 : vector<16xf32> to vector<1x16xf32>
      tpu.vector_store %arg17[%swap3A_321, %swap3A_322], %swap3A_325 {strides = array<i32>} : memref<40x128xf32, #tpu.memory_space<vmem>>, vector<1x16xf32>,
      %broadcast_in_dim3A_326 = arith.constant 0.000000e+00 : f32
      %broadcast_in_dim3A_327 = vector.broadcast %broadcast_in_dim3A_326 : f32 to vector<16xf32>
      %swap3A_328 = arith.index_cast %scan3A_305 : i32 to index
      %swap3A_329 = arith.constant 48 : index
      %swap3A_330 = tpu.vector_load %arg17[%swap3A_328, %swap3A_329] {strides = array<i32>} : memref<40x128xf32, #tpu.memory_space<vmem>>, vector<1x16xf32>,
      %swap3A_331 = vector.shape_cast %swap3A_330 : vector<1x16xf32> to vector<16xf32>
      %swap3A_332 = vector.shape_cast %broadcast_in_dim3A_327 : vector<16xf32> to vector<1x16xf32>
      tpu.vector_store %arg17[%swap3A_328, %swap3A_329], %swap3A_332 {strides = array<i32>} : memref<40x128xf32, #tpu.memory_space<vmem>>, vector<1x16xf32>,
      %broadcast_in_dim3A_333 = arith.constant 0.000000e+00 : f32
      %broadcast_in_dim3A_334 = vector.broadcast %broadcast_in_dim3A_333 : f32 to vector<16xf32>
      %swap3A_335 = arith.index_cast %scan3A_305 : i32 to index
      %swap3A_336 = arith.constant 64 : index
      %swap3A_337 = tpu.vector_load %arg17[%swap3A_335, %swap3A_336] {strides = array<i32>} : memref<40x128xf32, #tpu.memory_space<vmem>>, vector<1x16xf32>,
      %swap3A_338 = vector.shape_cast %swap3A_337 : vector<1x16xf32> to vector<16xf32>
      %swap3A_339 = vector.shape_cast %broadcast_in_dim3A_334 : vector<16xf32> to vector<1x16xf32>
      tpu.vector_store %arg17[%swap3A_335, %swap3A_336], %swap3A_339 {strides = array<i32>} : memref<40x128xf32, #tpu.memory_space<vmem>>, vector<1x16xf32>,
      %broadcast_in_dim3A_340 = arith.constant 0.000000e+00 : f32
      %broadcast_in_dim3A_341 = vector.broadcast %broadcast_in_dim3A_340 : f32 to vector<16xf32>
      %swap3A_342 = arith.index_cast %scan3A_305 : i32 to index
      %swap3A_343 = arith.constant 80 : index
      %swap3A_344 = tpu.vector_load %arg17[%swap3A_342, %swap3A_343] {strides = array<i32>} : memref<40x128xf32, #tpu.memory_space<vmem>>, vector<1x16xf32>,
      %swap3A_345 = vector.shape_cast %swap3A_344 : vector<1x16xf32> to vector<16xf32>
      %swap3A_346 = vector.shape_cast %broadcast_in_dim3A_341 : vector<16xf32> to vector<1x16xf32>
      tpu.vector_store %arg17[%swap3A_342, %swap3A_343], %swap3A_346 {strides = array<i32>} : memref<40x128xf32, #tpu.memory_space<vmem>>, vector<1x16xf32>,
      %broadcast_in_dim3A_347 = arith.constant 0.000000e+00 : f32
      %broadcast_in_dim3A_348 = vector.broadcast %broadcast_in_dim3A_347 : f32 to vector<16xf32>
      %swap3A_349 = arith.index_cast %scan3A_305 : i32 to index
      %swap3A_350 = arith.constant 96 : index
      %swap3A_351 = tpu.vector_load %arg17[%swap3A_349, %swap3A_350] {strides = array<i32>} : memref<40x128xf32, #tpu.memory_space<vmem>>, vector<1x16xf32>,
      %swap3A_352 = vector.shape_cast %swap3A_351 : vector<1x16xf32> to vector<16xf32>
      %swap3A_353 = vector.shape_cast %broadcast_in_dim3A_348 : vector<16xf32> to vector<1x16xf32>
      tpu.vector_store %arg17[%swap3A_349, %swap3A_350], %swap3A_353 {strides = array<i32>} : memref<40x128xf32, #tpu.memory_space<vmem>>, vector<1x16xf32>,
      %broadcast_in_dim3A_354 = arith.constant 0.000000e+00 : f32
      %broadcast_in_dim3A_355 = vector.broadcast %broadcast_in_dim3A_354 : f32 to vector<16xf32>
      %swap3A_356 = arith.index_cast %scan3A_305 : i32 to index
      %swap3A_357 = arith.constant 112 : index
      %swap3A_358 = tpu.vector_load %arg17[%swap3A_356, %swap3A_357] {strides = array<i32>} : memref<40x128xf32, #tpu.memory_space<vmem>>, vector<1x16xf32>,
      %swap3A_359 = vector.shape_cast %swap3A_358 : vector<1x16xf32> to vector<16xf32>
      %swap3A_360 = vector.shape_cast %broadcast_in_dim3A_355 : vector<16xf32> to vector<1x16xf32>
      tpu.vector_store %arg17[%swap3A_356, %swap3A_357], %swap3A_360 {strides = array<i32>} : memref<40x128xf32, #tpu.memory_space<vmem>>, vector<1x16xf32>,
      %scan3A_361 = arith.constant 0 : i32
      scf.yield %scan3A_361 : i32
    }
    %scan3A_8 = arith.constant 40 : i32
    %add3A_9 = arith.constant 0 : i32
    %add3A_10 = arith.addi %add3A_9, %arg1 : i32
    %lt3A = arith.constant 250 : i32
    %lt3A_11 = arith.cmpi slt, %add3A_10, %lt3A : i32
    %convert_element_type3A = arith.extui %lt3A_11 : i1 to i32
    %cond3A = arith.constant 0 : i32
    %cond3A_12 = arith.cmpi ne, %convert_element_type3A, %cond3A : i32
    scf.if %cond3A_12 {
      %mul3A_305 = arith.constant 40 : i32
      %mul3A_306 = arith.muli %add3A_10, %mul3A_305 : i32
      "tpu.region"() ({
        %run_scoped3A = tpu.sem_alloc : memref<!tpu.dma_semaphore, #tpu.memory_space<semaphore_mem>>
        %dma_start3A_307 = arith.constant 0 : i32
        %dma_start3A_308 = tpu.memref_slice %arg22[%mul3A_306, %dma_start3A_307] : memref<10000x128xf32, #tpu.memory_space<vmem_shared>> -> memref<40x128xf32, #tpu.memory_space<vmem_shared>>
        %dma_start3A_309 = arith.constant 0 : i32
        %dma_start3A_310 = tpu.memref_slice %arg22[%mul3A_306, %dma_start3A_309] : memref<10000x128xf32, #tpu.memory_space<vmem_shared>> -> memref<40x128xf32, #tpu.memory_space<vmem_shared>>
        tpu.enqueue_dma source(%arg17 : memref<40x128xf32, #tpu.memory_space<vmem>>) target(%dma_start3A_310 : memref<40x128xf32, #tpu.memory_space<vmem_shared>>) target_semaphore(%run_scoped3A : memref<!tpu.dma_semaphore, #tpu.memory_space<semaphore_mem>>)
        %dma_wait3A_311 = arith.constant 0 : i32
        %dma_wait3A_312 = tpu.memref_slice %arg22[%mul3A_306, %dma_wait3A_311] : memref<10000x128xf32, #tpu.memory_space<vmem_shared>> -> memref<40x128xf32, #tpu.memory_space<vmem_shared>>
        %dma_wait3A_313 = arith.constant 0 : i32
        %dma_wait3A_314 = tpu.memref_slice %arg22[%mul3A_306, %dma_wait3A_313] : memref<10000x128xf32, #tpu.memory_space<vmem_shared>> -> memref<40x128xf32, #tpu.memory_space<vmem_shared>>
        tpu.wait_dma2 semaphore(%run_scoped3A : memref<!tpu.dma_semaphore, #tpu.memory_space<semaphore_mem>>) src(%arg17 : memref<40x128xf32, #tpu.memory_space<vmem>>) dst(%dma_wait3A_314 : memref<40x128xf32, #tpu.memory_space<vmem_shared>>)
        tpu.yield
      }) : () -> ()
    } else {
    }
    %add3A_13 = arith.constant 16 : i32
    %add3A_14 = arith.addi %add3A_13, %arg1 : i32
    %lt3A_15 = arith.constant 250 : i32
    %lt3A_16 = arith.cmpi slt, %add3A_14, %lt3A_15 : i32
    %convert_element_type3A_17 = arith.extui %lt3A_16 : i1 to i32
    %cond3A_18 = arith.constant 0 : i32
    %cond3A_19 = arith.cmpi ne, %convert_element_type3A_17, %cond3A_18 : i32
    scf.if %cond3A_19 {
      %mul3A_305 = arith.constant 40 : i32
      %mul3A_306 = arith.muli %add3A_14, %mul3A_305 : i32
      "tpu.region"() ({
        %run_scoped3A = tpu.sem_alloc : memref<!tpu.dma_semaphore, #tpu.memory_space<semaphore_mem>>
        %dma_start3A_307 = arith.constant 0 : i32
        %dma_start3A_308 = tpu.memref_slice %arg22[%mul3A_306, %dma_start3A_307] : memref<10000x128xf32, #tpu.memory_space<vmem_shared>> -> memref<40x128xf32, #tpu.memory_space<vmem_shared>>
        %dma_start3A_309 = arith.constant 0 : i32
        %dma_start3A_310 = tpu.memref_slice %arg22[%mul3A_306, %dma_start3A_309] : memref<10000x128xf32, #tpu.memory_space<vmem_shared>> -> memref<40x128xf32, #tpu.memory_space<vmem_shared>>
        tpu.enqueue_dma source(%arg17 : memref<40x128xf32, #tpu.memory_space<vmem>>) target(%dma_start3A_310 : memref<40x128xf32, #tpu.memory_space<vmem_shared>>) target_semaphore(%run_scoped3A : memref<!tpu.dma_semaphore, #tpu.memory_space<semaphore_mem>>)
        %dma_wait3A_311 = arith.constant 0 : i32
        %dma_wait3A_312 = tpu.memref_slice %arg22[%mul3A_306, %dma_wait3A_311] : memref<10000x128xf32, #tpu.memory_space<vmem_shared>> -> memref<40x128xf32, #tpu.memory_space<vmem_shared>>
        %dma_wait3A_313 = arith.constant 0 : i32
        %dma_wait3A_314 = tpu.memref_slice %arg22[%mul3A_306, %dma_wait3A_313] : memref<10000x128xf32, #tpu.memory_space<vmem_shared>> -> memref<40x128xf32, #tpu.memory_space<vmem_shared>>
        tpu.wait_dma2 semaphore(%run_scoped3A : memref<!tpu.dma_semaphore, #tpu.memory_space<semaphore_mem>>) src(%arg17 : memref<40x128xf32, #tpu.memory_space<vmem>>) dst(%dma_wait3A_314 : memref<40x128xf32, #tpu.memory_space<vmem_shared>>)
        tpu.yield
      }) : () -> ()
    } else {
    }
    %add3A_20 = arith.constant 32 : i32
    %add3A_21 = arith.addi %add3A_20, %arg1 : i32
    %lt3A_22 = arith.constant 250 : i32
    %lt3A_23 = arith.cmpi slt, %add3A_21, %lt3A_22 : i32
    %convert_element_type3A_24 = arith.extui %lt3A_23 : i1 to i32
    %cond3A_25 = arith.constant 0 : i32
    %cond3A_26 = arith.cmpi ne, %convert_element_type3A_24, %cond3A_25 : i32
    scf.if %cond3A_26 {
      %mul3A_305 = arith.constant 40 : i32
      %mul3A_306 = arith.muli %add3A_21, %mul3A_305 : i32
      "tpu.region"() ({
        %run_scoped3A = tpu.sem_alloc : memref<!tpu.dma_semaphore, #tpu.memory_space<semaphore_mem>>
        %dma_start3A_307 = arith.constant 0 : i32
        %dma_start3A_308 = tpu.memref_slice %arg22[%mul3A_306, %dma_start3A_307] : memref<10000x128xf32, #tpu.memory_space<vmem_shared>> -> memref<40x128xf32, #tpu.memory_space<vmem_shared>>
        %dma_start3A_309 = arith.constant 0 : i32
        %dma_start3A_310 = tpu.memref_slice %arg22[%mul3A_306, %dma_start3A_309] : memref<10000x128xf32, #tpu.memory_space<vmem_shared>> -> memref<40x128xf32, #tpu.memory_space<vmem_shared>>
        tpu.enqueue_dma source(%arg17 : memref<40x128xf32, #tpu.memory_space<vmem>>) target(%dma_start3A_310 : memref<40x128xf32, #tpu.memory_space<vmem_shared>>) target_semaphore(%run_scoped3A : memref<!tpu.dma_semaphore, #tpu.memory_space<semaphore_mem>>)
        %dma_wait3A_311 = arith.constant 0 : i32
        %dma_wait3A_312 = tpu.memref_slice %arg22[%mul3A_306, %dma_wait3A_311] : memref<10000x128xf32, #tpu.memory_space<vmem_shared>> -> memref<40x128xf32, #tpu.memory_space<vmem_shared>>
        %dma_wait3A_313 = arith.constant 0 : i32
        %dma_wait3A_314 = tpu.memref_slice %arg22[%mul3A_306, %dma_wait3A_313] : memref<10000x128xf32, #tpu.memory_space<vmem_shared>> -> memref<40x128xf32, #tpu.memory_space<vmem_shared>>
        tpu.wait_dma2 semaphore(%run_scoped3A : memref<!tpu.dma_semaphore, #tpu.memory_space<semaphore_mem>>) src(%arg17 : memref<40x128xf32, #tpu.memory_space<vmem>>) dst(%dma_wait3A_314 : memref<40x128xf32, #tpu.memory_space<vmem_shared>>)
        tpu.yield
      }) : () -> ()
    } else {
    }
    %add3A_27 = arith.constant 48 : i32
    %add3A_28 = arith.addi %add3A_27, %arg1 : i32
    %lt3A_29 = arith.constant 250 : i32
    %lt3A_30 = arith.cmpi slt, %add3A_28, %lt3A_29 : i32
    %convert_element_type3A_31 = arith.extui %lt3A_30 : i1 to i32
    %cond3A_32 = arith.constant 0 : i32
    %cond3A_33 = arith.cmpi ne, %convert_element_type3A_31, %cond3A_32 : i32
    scf.if %cond3A_33 {
      %mul3A_305 = arith.constant 40 : i32
      %mul3A_306 = arith.muli %add3A_28, %mul3A_305 : i32
      "tpu.region"() ({
        %run_scoped3A = tpu.sem_alloc : memref<!tpu.dma_semaphore, #tpu.memory_space<semaphore_mem>>
        %dma_start3A_307 = arith.constant 0 : i32
        %dma_start3A_308 = tpu.memref_slice %arg22[%mul3A_306, %dma_start3A_307] : memref<10000x128xf32, #tpu.memory_space<vmem_shared>> -> memref<40x128xf32, #tpu.memory_space<vmem_shared>>
        %dma_start3A_309 = arith.constant 0 : i32
        %dma_start3A_310 = tpu.memref_slice %arg22[%mul3A_306, %dma_start3A_309] : memref<10000x128xf32, #tpu.memory_space<vmem_shared>> -> memref<40x128xf32, #tpu.memory_space<vmem_shared>>
        tpu.enqueue_dma source(%arg17 : memref<40x128xf32, #tpu.memory_space<vmem>>) target(%dma_start3A_310 : memref<40x128xf32, #tpu.memory_space<vmem_shared>>) target_semaphore(%run_scoped3A : memref<!tpu.dma_semaphore, #tpu.memory_space<semaphore_mem>>)
        %dma_wait3A_311 = arith.constant 0 : i32
        %dma_wait3A_312 = tpu.memref_slice %arg22[%mul3A_306, %dma_wait3A_311] : memref<10000x128xf32, #tpu.memory_space<vmem_shared>> -> memref<40x128xf32, #tpu.memory_space<vmem_shared>>
        %dma_wait3A_313 = arith.constant 0 : i32
        %dma_wait3A_314 = tpu.memref_slice %arg22[%mul3A_306, %dma_wait3A_313] : memref<10000x128xf32, #tpu.memory_space<vmem_shared>> -> memref<40x128xf32, #tpu.memory_space<vmem_shared>>
        tpu.wait_dma2 semaphore(%run_scoped3A : memref<!tpu.dma_semaphore, #tpu.memory_space<semaphore_mem>>) src(%arg17 : memref<40x128xf32, #tpu.memory_space<vmem>>) dst(%dma_wait3A_314 : memref<40x128xf32, #tpu.memory_space<vmem_shared>>)
        tpu.yield
      }) : () -> ()
    } else {
    }
    %add3A_34 = arith.constant 64 : i32
    %add3A_35 = arith.addi %add3A_34, %arg1 : i32
    %lt3A_36 = arith.constant 250 : i32
    %lt3A_37 = arith.cmpi slt, %add3A_35, %lt3A_36 : i32
    %convert_element_type3A_38 = arith.extui %lt3A_37 : i1 to i32
    %cond3A_39 = arith.constant 0 : i32
    %cond3A_40 = arith.cmpi ne, %convert_element_type3A_38, %cond3A_39 : i32
    scf.if %cond3A_40 {
      %mul3A_305 = arith.constant 40 : i32
      %mul3A_306 = arith.muli %add3A_35, %mul3A_305 : i32
      "tpu.region"() ({
        %run_scoped3A = tpu.sem_alloc : memref<!tpu.dma_semaphore, #tpu.memory_space<semaphore_mem>>
        %dma_start3A_307 = arith.constant 0 : i32
        %dma_start3A_308 = tpu.memref_slice %arg22[%mul3A_306, %dma_start3A_307] : memref<10000x128xf32, #tpu.memory_space<vmem_shared>> -> memref<40x128xf32, #tpu.memory_space<vmem_shared>>
        %dma_start3A_309 = arith.constant 0 : i32
        %dma_start3A_310 = tpu.memref_slice %arg22[%mul3A_306, %dma_start3A_309] : memref<10000x128xf32, #tpu.memory_space<vmem_shared>> -> memref<40x128xf32, #tpu.memory_space<vmem_shared>>
        tpu.enqueue_dma source(%arg17 : memref<40x128xf32, #tpu.memory_space<vmem>>) target(%dma_start3A_310 : memref<40x128xf32, #tpu.memory_space<vmem_shared>>) target_semaphore(%run_scoped3A : memref<!tpu.dma_semaphore, #tpu.memory_space<semaphore_mem>>)
        %dma_wait3A_311 = arith.constant 0 : i32
        %dma_wait3A_312 = tpu.memref_slice %arg22[%mul3A_306, %dma_wait3A_311] : memref<10000x128xf32, #tpu.memory_space<vmem_shared>> -> memref<40x128xf32, #tpu.memory_space<vmem_shared>>
        %dma_wait3A_313 = arith.constant 0 : i32
        %dma_wait3A_314 = tpu.memref_slice %arg22[%mul3A_306, %dma_wait3A_313] : memref<10000x128xf32, #tpu.memory_space<vmem_shared>> -> memref<40x128xf32, #tpu.memory_space<vmem_shared>>
        tpu.wait_dma2 semaphore(%run_scoped3A : memref<!tpu.dma_semaphore, #tpu.memory_space<semaphore_mem>>) src(%arg17 : memref<40x128xf32, #tpu.memory_space<vmem>>) dst(%dma_wait3A_314 : memref<40x128xf32, #tpu.memory_space<vmem_shared>>)
        tpu.yield
      }) : () -> ()
    } else {
    }
    %add3A_41 = arith.constant 80 : i32
    %add3A_42 = arith.addi %add3A_41, %arg1 : i32
    %lt3A_43 = arith.constant 250 : i32
    %lt3A_44 = arith.cmpi slt, %add3A_42, %lt3A_43 : i32
    %convert_element_type3A_45 = arith.extui %lt3A_44 : i1 to i32
    %cond3A_46 = arith.constant 0 : i32
    %cond3A_47 = arith.cmpi ne, %convert_element_type3A_45, %cond3A_46 : i32
    scf.if %cond3A_47 {
      %mul3A_305 = arith.constant 40 : i32
      %mul3A_306 = arith.muli %add3A_42, %mul3A_305 : i32
      "tpu.region"() ({
        %run_scoped3A = tpu.sem_alloc : memref<!tpu.dma_semaphore, #tpu.memory_space<semaphore_mem>>
        %dma_start3A_307 = arith.constant 0 : i32
        %dma_start3A_308 = tpu.memref_slice %arg22[%mul3A_306, %dma_start3A_307] : memref<10000x128xf32, #tpu.memory_space<vmem_shared>> -> memref<40x128xf32, #tpu.memory_space<vmem_shared>>
        %dma_start3A_309 = arith.constant 0 : i32
        %dma_start3A_310 = tpu.memref_slice %arg22[%mul3A_306, %dma_start3A_309] : memref<10000x128xf32, #tpu.memory_space<vmem_shared>> -> memref<40x128xf32, #tpu.memory_space<vmem_shared>>
        tpu.enqueue_dma source(%arg17 : memref<40x128xf32, #tpu.memory_space<vmem>>) target(%dma_start3A_310 : memref<40x128xf32, #tpu.memory_space<vmem_shared>>) target_semaphore(%run_scoped3A : memref<!tpu.dma_semaphore, #tpu.memory_space<semaphore_mem>>)
        %dma_wait3A_311 = arith.constant 0 : i32
        %dma_wait3A_312 = tpu.memref_slice %arg22[%mul3A_306, %dma_wait3A_311] : memref<10000x128xf32, #tpu.memory_space<vmem_shared>> -> memref<40x128xf32, #tpu.memory_space<vmem_shared>>
        %dma_wait3A_313 = arith.constant 0 : i32
        %dma_wait3A_314 = tpu.memref_slice %arg22[%mul3A_306, %dma_wait3A_313] : memref<10000x128xf32, #tpu.memory_space<vmem_shared>> -> memref<40x128xf32, #tpu.memory_space<vmem_shared>>
        tpu.wait_dma2 semaphore(%run_scoped3A : memref<!tpu.dma_semaphore, #tpu.memory_space<semaphore_mem>>) src(%arg17 : memref<40x128xf32, #tpu.memory_space<vmem>>) dst(%dma_wait3A_314 : memref<40x128xf32, #tpu.memory_space<vmem_shared>>)
        tpu.yield
      }) : () -> ()
    } else {
    }
    %add3A_48 = arith.constant 96 : i32
    %add3A_49 = arith.addi %add3A_48, %arg1 : i32
    %lt3A_50 = arith.constant 250 : i32
    %lt3A_51 = arith.cmpi slt, %add3A_49, %lt3A_50 : i32
    %convert_element_type3A_52 = arith.extui %lt3A_51 : i1 to i32
    %cond3A_53 = arith.constant 0 : i32
    %cond3A_54 = arith.cmpi ne, %convert_element_type3A_52, %cond3A_53 : i32
    scf.if %cond3A_54 {
      %mul3A_305 = arith.constant 40 : i32
      %mul3A_306 = arith.muli %add3A_49, %mul3A_305 : i32
      "tpu.region"() ({
        %run_scoped3A = tpu.sem_alloc : memref<!tpu.dma_semaphore, #tpu.memory_space<semaphore_mem>>
        %dma_start3A_307 = arith.constant 0 : i32
        %dma_start3A_308 = tpu.memref_slice %arg22[%mul3A_306, %dma_start3A_307] : memref<10000x128xf32, #tpu.memory_space<vmem_shared>> -> memref<40x128xf32, #tpu.memory_space<vmem_shared>>
        %dma_start3A_309 = arith.constant 0 : i32
        %dma_start3A_310 = tpu.memref_slice %arg22[%mul3A_306, %dma_start3A_309] : memref<10000x128xf32, #tpu.memory_space<vmem_shared>> -> memref<40x128xf32, #tpu.memory_space<vmem_shared>>
        tpu.enqueue_dma source(%arg17 : memref<40x128xf32, #tpu.memory_space<vmem>>) target(%dma_start3A_310 : memref<40x128xf32, #tpu.memory_space<vmem_shared>>) target_semaphore(%run_scoped3A : memref<!tpu.dma_semaphore, #tpu.memory_space<semaphore_mem>>)
        %dma_wait3A_311 = arith.constant 0 : i32
        %dma_wait3A_312 = tpu.memref_slice %arg22[%mul3A_306, %dma_wait3A_311] : memref<10000x128xf32, #tpu.memory_space<vmem_shared>> -> memref<40x128xf32, #tpu.memory_space<vmem_shared>>
        %dma_wait3A_313 = arith.constant 0 : i32
        %dma_wait3A_314 = tpu.memref_slice %arg22[%mul3A_306, %dma_wait3A_313] : memref<10000x128xf32, #tpu.memory_space<vmem_shared>> -> memref<40x128xf32, #tpu.memory_space<vmem_shared>>
        tpu.wait_dma2 semaphore(%run_scoped3A : memref<!tpu.dma_semaphore, #tpu.memory_space<semaphore_mem>>) src(%arg17 : memref<40x128xf32, #tpu.memory_space<vmem>>) dst(%dma_wait3A_314 : memref<40x128xf32, #tpu.memory_space<vmem_shared>>)
        tpu.yield
      }) : () -> ()
    } else {
    }
    %add3A_55 = arith.constant 112 : i32
    %add3A_56 = arith.addi %add3A_55, %arg1 : i32
    %lt3A_57 = arith.constant 250 : i32
    %lt3A_58 = arith.cmpi slt, %add3A_56, %lt3A_57 : i32
    %convert_element_type3A_59 = arith.extui %lt3A_58 : i1 to i32
    %cond3A_60 = arith.constant 0 : i32
    %cond3A_61 = arith.cmpi ne, %convert_element_type3A_59, %cond3A_60 : i32
    scf.if %cond3A_61 {
      %mul3A_305 = arith.constant 40 : i32
      %mul3A_306 = arith.muli %add3A_56, %mul3A_305 : i32
      "tpu.region"() ({
        %run_scoped3A = tpu.sem_alloc : memref<!tpu.dma_semaphore, #tpu.memory_space<semaphore_mem>>
        %dma_start3A_307 = arith.constant 0 : i32
        %dma_start3A_308 = tpu.memref_slice %arg22[%mul3A_306, %dma_start3A_307] : memref<10000x128xf32, #tpu.memory_space<vmem_shared>> -> memref<40x128xf32, #tpu.memory_space<vmem_shared>>
        %dma_start3A_309 = arith.constant 0 : i32
        %dma_start3A_310 = tpu.memref_slice %arg22[%mul3A_306, %dma_start3A_309] : memref<10000x128xf32, #tpu.memory_space<vmem_shared>> -> memref<40x128xf32, #tpu.memory_space<vmem_shared>>
        tpu.enqueue_dma source(%arg17 : memref<40x128xf32, #tpu.memory_space<vmem>>) target(%dma_start3A_310 : memref<40x128xf32, #tpu.memory_space<vmem_shared>>) target_semaphore(%run_scoped3A : memref<!tpu.dma_semaphore, #tpu.memory_space<semaphore_mem>>)
        %dma_wait3A_311 = arith.constant 0 : i32
        %dma_wait3A_312 = tpu.memref_slice %arg22[%mul3A_306, %dma_wait3A_311] : memref<10000x128xf32, #tpu.memory_space<vmem_shared>> -> memref<40x128xf32, #tpu.memory_space<vmem_shared>>
        %dma_wait3A_313 = arith.constant 0 : i32
        %dma_wait3A_314 = tpu.memref_slice %arg22[%mul3A_306, %dma_wait3A_313] : memref<10000x128xf32, #tpu.memory_space<vmem_shared>> -> memref<40x128xf32, #tpu.memory_space<vmem_shared>>
        tpu.wait_dma2 semaphore(%run_scoped3A : memref<!tpu.dma_semaphore, #tpu.memory_space<semaphore_mem>>) src(%arg17 : memref<40x128xf32, #tpu.memory_space<vmem>>) dst(%dma_wait3A_314 : memref<40x128xf32, #tpu.memory_space<vmem_shared>>)
        tpu.yield
      }) : () -> ()
    } else {
    }
    %add3A_62 = arith.constant 128 : i32
    %add3A_63 = arith.addi %add3A_62, %arg1 : i32
    %lt3A_64 = arith.constant 250 : i32
    %lt3A_65 = arith.cmpi slt, %add3A_63, %lt3A_64 : i32
    %convert_element_type3A_66 = arith.extui %lt3A_65 : i1 to i32
    %cond3A_67 = arith.constant 0 : i32
    %cond3A_68 = arith.cmpi ne, %convert_element_type3A_66, %cond3A_67 : i32
    scf.if %cond3A_68 {
      %mul3A_305 = arith.constant 40 : i32
      %mul3A_306 = arith.muli %add3A_63, %mul3A_305 : i32
      "tpu.region"() ({
        %run_scoped3A = tpu.sem_alloc : memref<!tpu.dma_semaphore, #tpu.memory_space<semaphore_mem>>
        %dma_start3A_307 = arith.constant 0 : i32
        %dma_start3A_308 = tpu.memref_slice %arg22[%mul3A_306, %dma_start3A_307] : memref<10000x128xf32, #tpu.memory_space<vmem_shared>> -> memref<40x128xf32, #tpu.memory_space<vmem_shared>>
        %dma_start3A_309 = arith.constant 0 : i32
        %dma_start3A_310 = tpu.memref_slice %arg22[%mul3A_306, %dma_start3A_309] : memref<10000x128xf32, #tpu.memory_space<vmem_shared>> -> memref<40x128xf32, #tpu.memory_space<vmem_shared>>
        tpu.enqueue_dma source(%arg17 : memref<40x128xf32, #tpu.memory_space<vmem>>) target(%dma_start3A_310 : memref<40x128xf32, #tpu.memory_space<vmem_shared>>) target_semaphore(%run_scoped3A : memref<!tpu.dma_semaphore, #tpu.memory_space<semaphore_mem>>)
        %dma_wait3A_311 = arith.constant 0 : i32
        %dma_wait3A_312 = tpu.memref_slice %arg22[%mul3A_306, %dma_wait3A_311] : memref<10000x128xf32, #tpu.memory_space<vmem_shared>> -> memref<40x128xf32, #tpu.memory_space<vmem_shared>>
        %dma_wait3A_313 = arith.constant 0 : i32
        %dma_wait3A_314 = tpu.memref_slice %arg22[%mul3A_306, %dma_wait3A_313] : memref<10000x128xf32, #tpu.memory_space<vmem_shared>> -> memref<40x128xf32, #tpu.memory_space<vmem_shared>>
        tpu.wait_dma2 semaphore(%run_scoped3A : memref<!tpu.dma_semaphore, #tpu.memory_space<semaphore_mem>>) src(%arg17 : memref<40x128xf32, #tpu.memory_space<vmem>>) dst(%dma_wait3A_314 : memref<40x128xf32, #tpu.memory_space<vmem_shared>>)
        tpu.yield
      }) : () -> ()
    } else {
    }
    %add3A_69 = arith.constant 144 : i32
    %add3A_70 = arith.addi %add3A_69, %arg1 : i32
    %lt3A_71 = arith.constant 250 : i32
    %lt3A_72 = arith.cmpi slt, %add3A_70, %lt3A_71 : i32
    %convert_element_type3A_73 = arith.extui %lt3A_72 : i1 to i32
    %cond3A_74 = arith.constant 0 : i32
    %cond3A_75 = arith.cmpi ne, %convert_element_type3A_73, %cond3A_74 : i32
    scf.if %cond3A_75 {
      %mul3A_305 = arith.constant 40 : i32
      %mul3A_306 = arith.muli %add3A_70, %mul3A_305 : i32
      "tpu.region"() ({
        %run_scoped3A = tpu.sem_alloc : memref<!tpu.dma_semaphore, #tpu.memory_space<semaphore_mem>>
        %dma_start3A_307 = arith.constant 0 : i32
        %dma_start3A_308 = tpu.memref_slice %arg22[%mul3A_306, %dma_start3A_307] : memref<10000x128xf32, #tpu.memory_space<vmem_shared>> -> memref<40x128xf32, #tpu.memory_space<vmem_shared>>
        %dma_start3A_309 = arith.constant 0 : i32
        %dma_start3A_310 = tpu.memref_slice %arg22[%mul3A_306, %dma_start3A_309] : memref<10000x128xf32, #tpu.memory_space<vmem_shared>> -> memref<40x128xf32, #tpu.memory_space<vmem_shared>>
        tpu.enqueue_dma source(%arg17 : memref<40x128xf32, #tpu.memory_space<vmem>>) target(%dma_start3A_310 : memref<40x128xf32, #tpu.memory_space<vmem_shared>>) target_semaphore(%run_scoped3A : memref<!tpu.dma_semaphore, #tpu.memory_space<semaphore_mem>>)
        %dma_wait3A_311 = arith.constant 0 : i32
        %dma_wait3A_312 = tpu.memref_slice %arg22[%mul3A_306, %dma_wait3A_311] : memref<10000x128xf32, #tpu.memory_space<vmem_shared>> -> memref<40x128xf32, #tpu.memory_space<vmem_shared>>
        %dma_wait3A_313 = arith.constant 0 : i32
        %dma_wait3A_314 = tpu.memref_slice %arg22[%mul3A_306, %dma_wait3A_313] : memref<10000x128xf32, #tpu.memory_space<vmem_shared>> -> memref<40x128xf32, #tpu.memory_space<vmem_shared>>
        tpu.wait_dma2 semaphore(%run_scoped3A : memref<!tpu.dma_semaphore, #tpu.memory_space<semaphore_mem>>) src(%arg17 : memref<40x128xf32, #tpu.memory_space<vmem>>) dst(%dma_wait3A_314 : memref<40x128xf32, #tpu.memory_space<vmem_shared>>)
        tpu.yield
      }) : () -> ()
    } else {
    }
    %add3A_76 = arith.constant 160 : i32
    %add3A_77 = arith.addi %add3A_76, %arg1 : i32
    %lt3A_78 = arith.constant 250 : i32
    %lt3A_79 = arith.cmpi slt, %add3A_77, %lt3A_78 : i32
    %convert_element_type3A_80 = arith.extui %lt3A_79 : i1 to i32
    %cond3A_81 = arith.constant 0 : i32
    %cond3A_82 = arith.cmpi ne, %convert_element_type3A_80, %cond3A_81 : i32
    scf.if %cond3A_82 {
      %mul3A_305 = arith.constant 40 : i32
      %mul3A_306 = arith.muli %add3A_77, %mul3A_305 : i32
      "tpu.region"() ({
        %run_scoped3A = tpu.sem_alloc : memref<!tpu.dma_semaphore, #tpu.memory_space<semaphore_mem>>
        %dma_start3A_307 = arith.constant 0 : i32
        %dma_start3A_308 = tpu.memref_slice %arg22[%mul3A_306, %dma_start3A_307] : memref<10000x128xf32, #tpu.memory_space<vmem_shared>> -> memref<40x128xf32, #tpu.memory_space<vmem_shared>>
        %dma_start3A_309 = arith.constant 0 : i32
        %dma_start3A_310 = tpu.memref_slice %arg22[%mul3A_306, %dma_start3A_309] : memref<10000x128xf32, #tpu.memory_space<vmem_shared>> -> memref<40x128xf32, #tpu.memory_space<vmem_shared>>
        tpu.enqueue_dma source(%arg17 : memref<40x128xf32, #tpu.memory_space<vmem>>) target(%dma_start3A_310 : memref<40x128xf32, #tpu.memory_space<vmem_shared>>) target_semaphore(%run_scoped3A : memref<!tpu.dma_semaphore, #tpu.memory_space<semaphore_mem>>)
        %dma_wait3A_311 = arith.constant 0 : i32
        %dma_wait3A_312 = tpu.memref_slice %arg22[%mul3A_306, %dma_wait3A_311] : memref<10000x128xf32, #tpu.memory_space<vmem_shared>> -> memref<40x128xf32, #tpu.memory_space<vmem_shared>>
        %dma_wait3A_313 = arith.constant 0 : i32
        %dma_wait3A_314 = tpu.memref_slice %arg22[%mul3A_306, %dma_wait3A_313] : memref<10000x128xf32, #tpu.memory_space<vmem_shared>> -> memref<40x128xf32, #tpu.memory_space<vmem_shared>>
        tpu.wait_dma2 semaphore(%run_scoped3A : memref<!tpu.dma_semaphore, #tpu.memory_space<semaphore_mem>>) src(%arg17 : memref<40x128xf32, #tpu.memory_space<vmem>>) dst(%dma_wait3A_314 : memref<40x128xf32, #tpu.memory_space<vmem_shared>>)
        tpu.yield
      }) : () -> ()
    } else {
    }
    %add3A_83 = arith.constant 176 : i32
    %add3A_84 = arith.addi %add3A_83, %arg1 : i32
    %lt3A_85 = arith.constant 250 : i32
    %lt3A_86 = arith.cmpi slt, %add3A_84, %lt3A_85 : i32
    %convert_element_type3A_87 = arith.extui %lt3A_86 : i1 to i32
    %cond3A_88 = arith.constant 0 : i32
    %cond3A_89 = arith.cmpi ne, %convert_element_type3A_87, %cond3A_88 : i32
    scf.if %cond3A_89 {
      %mul3A_305 = arith.constant 40 : i32
      %mul3A_306 = arith.muli %add3A_84, %mul3A_305 : i32
      "tpu.region"() ({
        %run_scoped3A = tpu.sem_alloc : memref<!tpu.dma_semaphore, #tpu.memory_space<semaphore_mem>>
        %dma_start3A_307 = arith.constant 0 : i32
        %dma_start3A_308 = tpu.memref_slice %arg22[%mul3A_306, %dma_start3A_307] : memref<10000x128xf32, #tpu.memory_space<vmem_shared>> -> memref<40x128xf32, #tpu.memory_space<vmem_shared>>
        %dma_start3A_309 = arith.constant 0 : i32
        %dma_start3A_310 = tpu.memref_slice %arg22[%mul3A_306, %dma_start3A_309] : memref<10000x128xf32, #tpu.memory_space<vmem_shared>> -> memref<40x128xf32, #tpu.memory_space<vmem_shared>>
        tpu.enqueue_dma source(%arg17 : memref<40x128xf32, #tpu.memory_space<vmem>>) target(%dma_start3A_310 : memref<40x128xf32, #tpu.memory_space<vmem_shared>>) target_semaphore(%run_scoped3A : memref<!tpu.dma_semaphore, #tpu.memory_space<semaphore_mem>>)
        %dma_wait3A_311 = arith.constant 0 : i32
        %dma_wait3A_312 = tpu.memref_slice %arg22[%mul3A_306, %dma_wait3A_311] : memref<10000x128xf32, #tpu.memory_space<vmem_shared>> -> memref<40x128xf32, #tpu.memory_space<vmem_shared>>
        %dma_wait3A_313 = arith.constant 0 : i32
        %dma_wait3A_314 = tpu.memref_slice %arg22[%mul3A_306, %dma_wait3A_313] : memref<10000x128xf32, #tpu.memory_space<vmem_shared>> -> memref<40x128xf32, #tpu.memory_space<vmem_shared>>
        tpu.wait_dma2 semaphore(%run_scoped3A : memref<!tpu.dma_semaphore, #tpu.memory_space<semaphore_mem>>) src(%arg17 : memref<40x128xf32, #tpu.memory_space<vmem>>) dst(%dma_wait3A_314 : memref<40x128xf32, #tpu.memory_space<vmem_shared>>)
        tpu.yield
      }) : () -> ()
    } else {
    }
    %add3A_90 = arith.constant 192 : i32
    %add3A_91 = arith.addi %add3A_90, %arg1 : i32
    %lt3A_92 = arith.constant 250 : i32
    %lt3A_93 = arith.cmpi slt, %add3A_91, %lt3A_92 : i32
    %convert_element_type3A_94 = arith.extui %lt3A_93 : i1 to i32
    %cond3A_95 = arith.constant 0 : i32
    %cond3A_96 = arith.cmpi ne, %convert_element_type3A_94, %cond3A_95 : i32
    scf.if %cond3A_96 {
      %mul3A_305 = arith.constant 40 : i32
      %mul3A_306 = arith.muli %add3A_91, %mul3A_305 : i32
      "tpu.region"() ({
        %run_scoped3A = tpu.sem_alloc : memref<!tpu.dma_semaphore, #tpu.memory_space<semaphore_mem>>
        %dma_start3A_307 = arith.constant 0 : i32
        %dma_start3A_308 = tpu.memref_slice %arg22[%mul3A_306, %dma_start3A_307] : memref<10000x128xf32, #tpu.memory_space<vmem_shared>> -> memref<40x128xf32, #tpu.memory_space<vmem_shared>>
        %dma_start3A_309 = arith.constant 0 : i32
        %dma_start3A_310 = tpu.memref_slice %arg22[%mul3A_306, %dma_start3A_309] : memref<10000x128xf32, #tpu.memory_space<vmem_shared>> -> memref<40x128xf32, #tpu.memory_space<vmem_shared>>
        tpu.enqueue_dma source(%arg17 : memref<40x128xf32, #tpu.memory_space<vmem>>) target(%dma_start3A_310 : memref<40x128xf32, #tpu.memory_space<vmem_shared>>) target_semaphore(%run_scoped3A : memref<!tpu.dma_semaphore, #tpu.memory_space<semaphore_mem>>)
        %dma_wait3A_311 = arith.constant 0 : i32
        %dma_wait3A_312 = tpu.memref_slice %arg22[%mul3A_306, %dma_wait3A_311] : memref<10000x128xf32, #tpu.memory_space<vmem_shared>> -> memref<40x128xf32, #tpu.memory_space<vmem_shared>>
        %dma_wait3A_313 = arith.constant 0 : i32
        %dma_wait3A_314 = tpu.memref_slice %arg22[%mul3A_306, %dma_wait3A_313] : memref<10000x128xf32, #tpu.memory_space<vmem_shared>> -> memref<40x128xf32, #tpu.memory_space<vmem_shared>>
        tpu.wait_dma2 semaphore(%run_scoped3A : memref<!tpu.dma_semaphore, #tpu.memory_space<semaphore_mem>>) src(%arg17 : memref<40x128xf32, #tpu.memory_space<vmem>>) dst(%dma_wait3A_314 : memref<40x128xf32, #tpu.memory_space<vmem_shared>>)
        tpu.yield
      }) : () -> ()
    } else {
    }
    %add3A_97 = arith.constant 208 : i32
    %add3A_98 = arith.addi %add3A_97, %arg1 : i32
    %lt3A_99 = arith.constant 250 : i32
    %lt3A_100 = arith.cmpi slt, %add3A_98, %lt3A_99 : i32
    %convert_element_type3A_101 = arith.extui %lt3A_100 : i1 to i32
    %cond3A_102 = arith.constant 0 : i32
    %cond3A_103 = arith.cmpi ne, %convert_element_type3A_101, %cond3A_102 : i32
    scf.if %cond3A_103 {
      %mul3A_305 = arith.constant 40 : i32
      %mul3A_306 = arith.muli %add3A_98, %mul3A_305 : i32
      "tpu.region"() ({
        %run_scoped3A = tpu.sem_alloc : memref<!tpu.dma_semaphore, #tpu.memory_space<semaphore_mem>>
        %dma_start3A_307 = arith.constant 0 : i32
        %dma_start3A_308 = tpu.memref_slice %arg22[%mul3A_306, %dma_start3A_307] : memref<10000x128xf32, #tpu.memory_space<vmem_shared>> -> memref<40x128xf32, #tpu.memory_space<vmem_shared>>
        %dma_start3A_309 = arith.constant 0 : i32
        %dma_start3A_310 = tpu.memref_slice %arg22[%mul3A_306, %dma_start3A_309] : memref<10000x128xf32, #tpu.memory_space<vmem_shared>> -> memref<40x128xf32, #tpu.memory_space<vmem_shared>>
        tpu.enqueue_dma source(%arg17 : memref<40x128xf32, #tpu.memory_space<vmem>>) target(%dma_start3A_310 : memref<40x128xf32, #tpu.memory_space<vmem_shared>>) target_semaphore(%run_scoped3A : memref<!tpu.dma_semaphore, #tpu.memory_space<semaphore_mem>>)
        %dma_wait3A_311 = arith.constant 0 : i32
        %dma_wait3A_312 = tpu.memref_slice %arg22[%mul3A_306, %dma_wait3A_311] : memref<10000x128xf32, #tpu.memory_space<vmem_shared>> -> memref<40x128xf32, #tpu.memory_space<vmem_shared>>
        %dma_wait3A_313 = arith.constant 0 : i32
        %dma_wait3A_314 = tpu.memref_slice %arg22[%mul3A_306, %dma_wait3A_313] : memref<10000x128xf32, #tpu.memory_space<vmem_shared>> -> memref<40x128xf32, #tpu.memory_space<vmem_shared>>
        tpu.wait_dma2 semaphore(%run_scoped3A : memref<!tpu.dma_semaphore, #tpu.memory_space<semaphore_mem>>) src(%arg17 : memref<40x128xf32, #tpu.memory_space<vmem>>) dst(%dma_wait3A_314 : memref<40x128xf32, #tpu.memory_space<vmem_shared>>)
        tpu.yield
      }) : () -> ()
    } else {
    }
    %add3A_104 = arith.constant 224 : i32
    %add3A_105 = arith.addi %add3A_104, %arg1 : i32
    %lt3A_106 = arith.constant 250 : i32
    %lt3A_107 = arith.cmpi slt, %add3A_105, %lt3A_106 : i32
    %convert_element_type3A_108 = arith.extui %lt3A_107 : i1 to i32
    %cond3A_109 = arith.constant 0 : i32
    %cond3A_110 = arith.cmpi ne, %convert_element_type3A_108, %cond3A_109 : i32
    scf.if %cond3A_110 {
      %mul3A_305 = arith.constant 40 : i32
      %mul3A_306 = arith.muli %add3A_105, %mul3A_305 : i32
      "tpu.region"() ({
        %run_scoped3A = tpu.sem_alloc : memref<!tpu.dma_semaphore, #tpu.memory_space<semaphore_mem>>
        %dma_start3A_307 = arith.constant 0 : i32
        %dma_start3A_308 = tpu.memref_slice %arg22[%mul3A_306, %dma_start3A_307] : memref<10000x128xf32, #tpu.memory_space<vmem_shared>> -> memref<40x128xf32, #tpu.memory_space<vmem_shared>>
        %dma_start3A_309 = arith.constant 0 : i32
        %dma_start3A_310 = tpu.memref_slice %arg22[%mul3A_306, %dma_start3A_309] : memref<10000x128xf32, #tpu.memory_space<vmem_shared>> -> memref<40x128xf32, #tpu.memory_space<vmem_shared>>
        tpu.enqueue_dma source(%arg17 : memref<40x128xf32, #tpu.memory_space<vmem>>) target(%dma_start3A_310 : memref<40x128xf32, #tpu.memory_space<vmem_shared>>) target_semaphore(%run_scoped3A : memref<!tpu.dma_semaphore, #tpu.memory_space<semaphore_mem>>)
        %dma_wait3A_311 = arith.constant 0 : i32
        %dma_wait3A_312 = tpu.memref_slice %arg22[%mul3A_306, %dma_wait3A_311] : memref<10000x128xf32, #tpu.memory_space<vmem_shared>> -> memref<40x128xf32, #tpu.memory_space<vmem_shared>>
        %dma_wait3A_313 = arith.constant 0 : i32
        %dma_wait3A_314 = tpu.memref_slice %arg22[%mul3A_306, %dma_wait3A_313] : memref<10000x128xf32, #tpu.memory_space<vmem_shared>> -> memref<40x128xf32, #tpu.memory_space<vmem_shared>>
        tpu.wait_dma2 semaphore(%run_scoped3A : memref<!tpu.dma_semaphore, #tpu.memory_space<semaphore_mem>>) src(%arg17 : memref<40x128xf32, #tpu.memory_space<vmem>>) dst(%dma_wait3A_314 : memref<40x128xf32, #tpu.memory_space<vmem_shared>>)
        tpu.yield
      }) : () -> ()
    } else {
    }
    %add3A_111 = arith.constant 240 : i32
    %add3A_112 = arith.addi %add3A_111, %arg1 : i32
    %lt3A_113 = arith.constant 250 : i32
    %lt3A_114 = arith.cmpi slt, %add3A_112, %lt3A_113 : i32
    %convert_element_type3A_115 = arith.extui %lt3A_114 : i1 to i32
    %cond3A_116 = arith.constant 0 : i32
    %cond3A_117 = arith.cmpi ne, %convert_element_type3A_115, %cond3A_116 : i32
    scf.if %cond3A_117 {
      %mul3A_305 = arith.constant 40 : i32
      %mul3A_306 = arith.muli %add3A_112, %mul3A_305 : i32
      "tpu.region"() ({
        %run_scoped3A = tpu.sem_alloc : memref<!tpu.dma_semaphore, #tpu.memory_space<semaphore_mem>>
        %dma_start3A_307 = arith.constant 0 : i32
        %dma_start3A_308 = tpu.memref_slice %arg22[%mul3A_306, %dma_start3A_307] : memref<10000x128xf32, #tpu.memory_space<vmem_shared>> -> memref<40x128xf32, #tpu.memory_space<vmem_shared>>
        %dma_start3A_309 = arith.constant 0 : i32
        %dma_start3A_310 = tpu.memref_slice %arg22[%mul3A_306, %dma_start3A_309] : memref<10000x128xf32, #tpu.memory_space<vmem_shared>> -> memref<40x128xf32, #tpu.memory_space<vmem_shared>>
        tpu.enqueue_dma source(%arg17 : memref<40x128xf32, #tpu.memory_space<vmem>>) target(%dma_start3A_310 : memref<40x128xf32, #tpu.memory_space<vmem_shared>>) target_semaphore(%run_scoped3A : memref<!tpu.dma_semaphore, #tpu.memory_space<semaphore_mem>>)
        %dma_wait3A_311 = arith.constant 0 : i32
        %dma_wait3A_312 = tpu.memref_slice %arg22[%mul3A_306, %dma_wait3A_311] : memref<10000x128xf32, #tpu.memory_space<vmem_shared>> -> memref<40x128xf32, #tpu.memory_space<vmem_shared>>
        %dma_wait3A_313 = arith.constant 0 : i32
        %dma_wait3A_314 = tpu.memref_slice %arg22[%mul3A_306, %dma_wait3A_313] : memref<10000x128xf32, #tpu.memory_space<vmem_shared>> -> memref<40x128xf32, #tpu.memory_space<vmem_shared>>
        tpu.wait_dma2 semaphore(%run_scoped3A : memref<!tpu.dma_semaphore, #tpu.memory_space<semaphore_mem>>) src(%arg17 : memref<40x128xf32, #tpu.memory_space<vmem>>) dst(%dma_wait3A_314 : memref<40x128xf32, #tpu.memory_space<vmem_shared>>)
        tpu.yield
      }) : () -> ()
    } else {
    }
    %barrier3A = arith.constant 0 : index
    tpu.barrier barrier_id(%barrier3A)
    %add3A_118 = arith.constant 0 : i32
    %add3A_119 = arith.addi %mul3A_2, %add3A_118 : i32
    %dma_start3A = tpu.memref_slice %arg3[%add3A_119] : memref<320000xi32, #tpu.memory_space<hbm>> -> memref<40xi32, #tpu.memory_space<hbm>>
    %dma_start3A_120 = tpu.memref_slice %arg3[%add3A_119] : memref<320000xi32, #tpu.memory_space<hbm>> -> memref<40xi32, #tpu.memory_space<hbm>>
    tpu.enqueue_dma source(%dma_start3A_120 : memref<40xi32, #tpu.memory_space<hbm>>) target(%arg7 : memref<40xi32, #tpu.memory_space<vmem>>) target_semaphore(%arg23 : memref<!tpu.dma_semaphore, #tpu.memory_space<semaphore_mem>>)
    %dma_start3A_121 = tpu.memref_slice %arg4[%add3A_119] : memref<320000xi32, #tpu.memory_space<hbm>> -> memref<40xi32, #tpu.memory_space<hbm>>
    %dma_start3A_122 = tpu.memref_slice %arg4[%add3A_119] : memref<320000xi32, #tpu.memory_space<hbm>> -> memref<40xi32, #tpu.memory_space<hbm>>
    tpu.enqueue_dma source(%dma_start3A_122 : memref<40xi32, #tpu.memory_space<hbm>>) target(%arg12 : memref<40xi32, #tpu.memory_space<vmem>>) target_semaphore(%arg23 : memref<!tpu.dma_semaphore, #tpu.memory_space<semaphore_mem>>)
    %dma_start3A_123 = arith.constant 0 : i32
    %dma_start3A_124 = tpu.memref_slice %arg5[%add3A_119, %dma_start3A_123] : memref<320000x128xf32, #tpu.memory_space<hbm>> -> memref<40x128xf32, #tpu.memory_space<hbm>>
    %dma_start3A_125 = arith.constant 0 : i32
    %dma_start3A_126 = tpu.memref_slice %arg5[%add3A_119, %dma_start3A_125] : memref<320000x128xf32, #tpu.memory_space<hbm>> -> memref<40x128xf32, #tpu.memory_space<hbm>>
    tpu.enqueue_dma source(%dma_start3A_126 : memref<40x128xf32, #tpu.memory_space<hbm>>) target(%arg17 : memref<40x128xf32, #tpu.memory_space<vmem>>) target_semaphore(%arg23 : memref<!tpu.dma_semaphore, #tpu.memory_space<semaphore_mem>>)
    %add3A_127 = arith.constant 40 : i32
    %add3A_128 = arith.addi %mul3A_2, %add3A_127 : i32
    %dma_start3A_129 = tpu.memref_slice %arg3[%add3A_128] : memref<320000xi32, #tpu.memory_space<hbm>> -> memref<40xi32, #tpu.memory_space<hbm>>
    %dma_start3A_130 = tpu.memref_slice %arg3[%add3A_128] : memref<320000xi32, #tpu.memory_space<hbm>> -> memref<40xi32, #tpu.memory_space<hbm>>
    tpu.enqueue_dma source(%dma_start3A_130 : memref<40xi32, #tpu.memory_space<hbm>>) target(%arg8 : memref<40xi32, #tpu.memory_space<vmem>>) target_semaphore(%arg24 : memref<!tpu.dma_semaphore, #tpu.memory_space<semaphore_mem>>)
    %dma_start3A_131 = tpu.memref_slice %arg4[%add3A_128] : memref<320000xi32, #tpu.memory_space<hbm>> -> memref<40xi32, #tpu.memory_space<hbm>>
    %dma_start3A_132 = tpu.memref_slice %arg4[%add3A_128] : memref<320000xi32, #tpu.memory_space<hbm>> -> memref<40xi32, #tpu.memory_space<hbm>>
    tpu.enqueue_dma source(%dma_start3A_132 : memref<40xi32, #tpu.memory_space<hbm>>) target(%arg13 : memref<40xi32, #tpu.memory_space<vmem>>) target_semaphore(%arg24 : memref<!tpu.dma_semaphore, #tpu.memory_space<semaphore_mem>>)
    %dma_start3A_133 = arith.constant 0 : i32
    %dma_start3A_134 = tpu.memref_slice %arg5[%add3A_128, %dma_start3A_133] : memref<320000x128xf32, #tpu.memory_space<hbm>> -> memref<40x128xf32, #tpu.memory_space<hbm>>
    %dma_start3A_135 = arith.constant 0 : i32
    %dma_start3A_136 = tpu.memref_slice %arg5[%add3A_128, %dma_start3A_135] : memref<320000x128xf32, #tpu.memory_space<hbm>> -> memref<40x128xf32, #tpu.memory_space<hbm>>
    tpu.enqueue_dma source(%dma_start3A_136 : memref<40x128xf32, #tpu.memory_space<hbm>>) target(%arg18 : memref<40x128xf32, #tpu.memory_space<vmem>>) target_semaphore(%arg24 : memref<!tpu.dma_semaphore, #tpu.memory_space<semaphore_mem>>)
    %add3A_137 = arith.constant 80 : i32
    %add3A_138 = arith.addi %mul3A_2, %add3A_137 : i32
    %dma_start3A_139 = tpu.memref_slice %arg3[%add3A_138] : memref<320000xi32, #tpu.memory_space<hbm>> -> memref<40xi32, #tpu.memory_space<hbm>>
    %dma_start3A_140 = tpu.memref_slice %arg3[%add3A_138] : memref<320000xi32, #tpu.memory_space<hbm>> -> memref<40xi32, #tpu.memory_space<hbm>>
    tpu.enqueue_dma source(%dma_start3A_140 : memref<40xi32, #tpu.memory_space<hbm>>) target(%arg9 : memref<40xi32, #tpu.memory_space<vmem>>) target_semaphore(%arg25 : memref<!tpu.dma_semaphore, #tpu.memory_space<semaphore_mem>>)
    %dma_start3A_141 = tpu.memref_slice %arg4[%add3A_138] : memref<320000xi32, #tpu.memory_space<hbm>> -> memref<40xi32, #tpu.memory_space<hbm>>
    %dma_start3A_142 = tpu.memref_slice %arg4[%add3A_138] : memref<320000xi32, #tpu.memory_space<hbm>> -> memref<40xi32, #tpu.memory_space<hbm>>
    tpu.enqueue_dma source(%dma_start3A_142 : memref<40xi32, #tpu.memory_space<hbm>>) target(%arg14 : memref<40xi32, #tpu.memory_space<vmem>>) target_semaphore(%arg25 : memref<!tpu.dma_semaphore, #tpu.memory_space<semaphore_mem>>)
    %dma_start3A_143 = arith.constant 0 : i32
    %dma_start3A_144 = tpu.memref_slice %arg5[%add3A_138, %dma_start3A_143] : memref<320000x128xf32, #tpu.memory_space<hbm>> -> memref<40x128xf32, #tpu.memory_space<hbm>>
    %dma_start3A_145 = arith.constant 0 : i32
    %dma_start3A_146 = tpu.memref_slice %arg5[%add3A_138, %dma_start3A_145] : memref<320000x128xf32, #tpu.memory_space<hbm>> -> memref<40x128xf32, #tpu.memory_space<hbm>>
    tpu.enqueue_dma source(%dma_start3A_146 : memref<40x128xf32, #tpu.memory_space<hbm>>) target(%arg19 : memref<40x128xf32, #tpu.memory_space<vmem>>) target_semaphore(%arg25 : memref<!tpu.dma_semaphore, #tpu.memory_space<semaphore_mem>>)
    %add3A_147 = arith.constant 120 : i32
    %add3A_148 = arith.addi %mul3A_2, %add3A_147 : i32
    %dma_start3A_149 = tpu.memref_slice %arg3[%add3A_148] : memref<320000xi32, #tpu.memory_space<hbm>> -> memref<40xi32, #tpu.memory_space<hbm>>
    %dma_start3A_150 = tpu.memref_slice %arg3[%add3A_148] : memref<320000xi32, #tpu.memory_space<hbm>> -> memref<40xi32, #tpu.memory_space<hbm>>
    tpu.enqueue_dma source(%dma_start3A_150 : memref<40xi32, #tpu.memory_space<hbm>>) target(%arg10 : memref<40xi32, #tpu.memory_space<vmem>>) target_semaphore(%arg26 : memref<!tpu.dma_semaphore, #tpu.memory_space<semaphore_mem>>)
    %dma_start3A_151 = tpu.memref_slice %arg4[%add3A_148] : memref<320000xi32, #tpu.memory_space<hbm>> -> memref<40xi32, #tpu.memory_space<hbm>>
    %dma_start3A_152 = tpu.memref_slice %arg4[%add3A_148] : memref<320000xi32, #tpu.memory_space<hbm>> -> memref<40xi32, #tpu.memory_space<hbm>>
    tpu.enqueue_dma source(%dma_start3A_152 : memref<40xi32, #tpu.memory_space<hbm>>) target(%arg15 : memref<40xi32, #tpu.memory_space<vmem>>) target_semaphore(%arg26 : memref<!tpu.dma_semaphore, #tpu.memory_space<semaphore_mem>>)
    %dma_start3A_153 = arith.constant 0 : i32
    %dma_start3A_154 = tpu.memref_slice %arg5[%add3A_148, %dma_start3A_153] : memref<320000x128xf32, #tpu.memory_space<hbm>> -> memref<40x128xf32, #tpu.memory_space<hbm>>
    %dma_start3A_155 = arith.constant 0 : i32
    %dma_start3A_156 = tpu.memref_slice %arg5[%add3A_148, %dma_start3A_155] : memref<320000x128xf32, #tpu.memory_space<hbm>> -> memref<40x128xf32, #tpu.memory_space<hbm>>
    tpu.enqueue_dma source(%dma_start3A_156 : memref<40x128xf32, #tpu.memory_space<hbm>>) target(%arg20 : memref<40x128xf32, #tpu.memory_space<vmem>>) target_semaphore(%arg26 : memref<!tpu.dma_semaphore, #tpu.memory_space<semaphore_mem>>)
    %add3A_157 = arith.constant 0 : i32
    %add3A_158 = arith.addi %mul3A_2, %add3A_157 : i32
    %dma_wait3A = tpu.memref_slice %arg3[%add3A_158] : memref<320000xi32, #tpu.memory_space<hbm>> -> memref<40xi32, #tpu.memory_space<hbm>>
    %dma_wait3A_159 = tpu.memref_slice %arg3[%add3A_158] : memref<320000xi32, #tpu.memory_space<hbm>> -> memref<40xi32, #tpu.memory_space<hbm>>
    tpu.wait_dma2 semaphore(%arg23 : memref<!tpu.dma_semaphore, #tpu.memory_space<semaphore_mem>>) src(%dma_wait3A_159 : memref<40xi32, #tpu.memory_space<hbm>>) dst(%arg7 : memref<40xi32, #tpu.memory_space<vmem>>)
    %dma_wait3A_160 = tpu.memref_slice %arg4[%add3A_158] : memref<320000xi32, #tpu.memory_space<hbm>> -> memref<40xi32, #tpu.memory_space<hbm>>
    %dma_wait3A_161 = tpu.memref_slice %arg4[%add3A_158] : memref<320000xi32, #tpu.memory_space<hbm>> -> memref<40xi32, #tpu.memory_space<hbm>>
    tpu.wait_dma2 semaphore(%arg23 : memref<!tpu.dma_semaphore, #tpu.memory_space<semaphore_mem>>) src(%dma_wait3A_161 : memref<40xi32, #tpu.memory_space<hbm>>) dst(%arg12 : memref<40xi32, #tpu.memory_space<vmem>>)
    %dma_wait3A_162 = arith.constant 0 : i32
    %dma_wait3A_163 = tpu.memref_slice %arg5[%add3A_158, %dma_wait3A_162] : memref<320000x128xf32, #tpu.memory_space<hbm>> -> memref<40x128xf32, #tpu.memory_space<hbm>>
    %dma_wait3A_164 = arith.constant 0 : i32
    %dma_wait3A_165 = tpu.memref_slice %arg5[%add3A_158, %dma_wait3A_164] : memref<320000x128xf32, #tpu.memory_space<hbm>> -> memref<40x128xf32, #tpu.memory_space<hbm>>
    tpu.wait_dma2 semaphore(%arg23 : memref<!tpu.dma_semaphore, #tpu.memory_space<semaphore_mem>>) src(%dma_wait3A_165 : memref<40x128xf32, #tpu.memory_space<hbm>>) dst(%arg17 : memref<40x128xf32, #tpu.memory_space<vmem>>)
    %dma_start3A_166 = arith.constant 0 : i32
    %dma_start3A_167 = arith.constant 0 : i32
    %dma_start3A_168 = tpu.memref_slice %arg2[%dma_start3A_166, %dma_start3A_167] : memref<10000x128xf32, #tpu.memory_space<hbm>> -> memref<10000x128xf32, #tpu.memory_space<hbm>>
    tpu.enqueue_indirect_dma source(%dma_start3A_168 : memref<10000x128xf32, #tpu.memory_space<hbm>>) target(%arg17 : memref<40x128xf32, #tpu.memory_space<vmem>>) offsets(%arg7 : memref<40xi32, #tpu.memory_space<vmem>>) semaphore(%arg28 : memref<!tpu.dma_semaphore, #tpu.memory_space<semaphore_mem>>) {add = true}
    %add3A_169 = arith.constant 40 : i32
    %add3A_170 = arith.addi %mul3A_2, %add3A_169 : i32
    %dma_wait3A_171 = tpu.memref_slice %arg3[%add3A_170] : memref<320000xi32, #tpu.memory_space<hbm>> -> memref<40xi32, #tpu.memory_space<hbm>>
    %dma_wait3A_172 = tpu.memref_slice %arg3[%add3A_170] : memref<320000xi32, #tpu.memory_space<hbm>> -> memref<40xi32, #tpu.memory_space<hbm>>
    tpu.wait_dma2 semaphore(%arg24 : memref<!tpu.dma_semaphore, #tpu.memory_space<semaphore_mem>>) src(%dma_wait3A_172 : memref<40xi32, #tpu.memory_space<hbm>>) dst(%arg8 : memref<40xi32, #tpu.memory_space<vmem>>)
    %dma_wait3A_173 = tpu.memref_slice %arg4[%add3A_170] : memref<320000xi32, #tpu.memory_space<hbm>> -> memref<40xi32, #tpu.memory_space<hbm>>
    %dma_wait3A_174 = tpu.memref_slice %arg4[%add3A_170] : memref<320000xi32, #tpu.memory_space<hbm>> -> memref<40xi32, #tpu.memory_space<hbm>>
    tpu.wait_dma2 semaphore(%arg24 : memref<!tpu.dma_semaphore, #tpu.memory_space<semaphore_mem>>) src(%dma_wait3A_174 : memref<40xi32, #tpu.memory_space<hbm>>) dst(%arg13 : memref<40xi32, #tpu.memory_space<vmem>>)
    %dma_wait3A_175 = arith.constant 0 : i32
    %dma_wait3A_176 = tpu.memref_slice %arg5[%add3A_170, %dma_wait3A_175] : memref<320000x128xf32, #tpu.memory_space<hbm>> -> memref<40x128xf32, #tpu.memory_space<hbm>>
    %dma_wait3A_177 = arith.constant 0 : i32
    %dma_wait3A_178 = tpu.memref_slice %arg5[%add3A_170, %dma_wait3A_177] : memref<320000x128xf32, #tpu.memory_space<hbm>> -> memref<40x128xf32, #tpu.memory_space<hbm>>
    tpu.wait_dma2 semaphore(%arg24 : memref<!tpu.dma_semaphore, #tpu.memory_space<semaphore_mem>>) src(%dma_wait3A_178 : memref<40x128xf32, #tpu.memory_space<hbm>>) dst(%arg18 : memref<40x128xf32, #tpu.memory_space<vmem>>)
    %dma_start3A_179 = arith.constant 0 : i32
    %dma_start3A_180 = arith.constant 0 : i32
    %dma_start3A_181 = tpu.memref_slice %arg2[%dma_start3A_179, %dma_start3A_180] : memref<10000x128xf32, #tpu.memory_space<hbm>> -> memref<10000x128xf32, #tpu.memory_space<hbm>>
    tpu.enqueue_indirect_dma source(%dma_start3A_181 : memref<10000x128xf32, #tpu.memory_space<hbm>>) target(%arg18 : memref<40x128xf32, #tpu.memory_space<vmem>>) offsets(%arg8 : memref<40xi32, #tpu.memory_space<vmem>>) semaphore(%arg29 : memref<!tpu.dma_semaphore, #tpu.memory_space<semaphore_mem>>) {add = true}
    %scan3A_182 = arith.constant 0 : i32
    %scan3A_183 = arith.constant 0 : i32
    %scan3A_184 = arith.constant 50 : i32
    %scan3A_185 = arith.addi %scan3A_183, %scan3A_184 : i32
    %scan3A_186 = arith.constant 1 : i32
    %scan3A_187 = scf.for %scan3A_305 = %scan3A_183 to %scan3A_185 step %scan3A_186 iter_args(%scan3A_306 = %scan3A_182) -> (i32)  : i32 {
      %mul3A_307 = arith.constant 5 : i32
      %mul3A_308 = arith.muli %scan3A_305, %mul3A_307 : i32
      %add3A_309 = arith.constant 0 : i32
      %add3A_310 = arith.addi %mul3A_308, %add3A_309 : i32
      %gt3A = arith.constant 0 : i32
      %gt3A_311 = arith.cmpi sgt, %add3A_310, %gt3A : i32
      %convert_element_type3A_312 = arith.extui %gt3A_311 : i1 to i32
      %cond3A_313 = arith.constant 0 : i32
      %cond3A_314 = arith.cmpi ne, %convert_element_type3A_312, %cond3A_313 : i32
      scf.if %cond3A_314 {
        %dma_wait3A_496 = arith.constant 0 : i32
        %dma_wait3A_497 = arith.constant 0 : i32
        %dma_wait3A_498 = tpu.memref_slice %arg22[%dma_wait3A_496, %dma_wait3A_497] : memref<10000x128xf32, #tpu.memory_space<vmem_shared>> -> memref<10000x128xf32, #tpu.memory_space<vmem_shared>>
        tpu.wait_indirect_dma semaphore(%arg37 : memref<!tpu.dma_semaphore, #tpu.memory_space<semaphore_mem>>) src(%arg21 : memref<40x128xf32, #tpu.memory_space<vmem>>) dst(%dma_wait3A_498 : memref<10000x128xf32, #tpu.memory_space<vmem_shared>>)
      } else {
      }
      %add3A_315 = arith.constant 5 : i32
      %add3A_316 = arith.addi %add3A_310, %add3A_315 : i32
      %sub3A = arith.constant 1 : i32
      %sub3A_317 = arith.subi %add3A_316, %sub3A : i32
      %lt3A_318 = arith.constant 250 : i32
      %lt3A_319 = arith.cmpi slt, %sub3A_317, %lt3A_318 : i32
      %convert_element_type3A_320 = arith.extui %lt3A_319 : i1 to i32
      %cond3A_321 = arith.constant 0 : i32
      %cond3A_322 = arith.cmpi ne, %convert_element_type3A_320, %cond3A_321 : i32
      scf.if %cond3A_322 {
        %add3A_496 = arith.constant 5 : i32
        %add3A_497 = arith.addi %add3A_310, %add3A_496 : i32
        %sub3A_498 = arith.constant 1 : i32
        %sub3A_499 = arith.subi %add3A_497, %sub3A_498 : i32
        %mul3A_500 = arith.constant 40 : i32
        %mul3A_501 = arith.muli %sub3A_499, %mul3A_500 : i32
        %add3A_502 = arith.addi %mul3A_2, %mul3A_501 : i32
        %dma_start3A_503 = tpu.memref_slice %arg3[%add3A_502] : memref<320000xi32, #tpu.memory_space<hbm>> -> memref<40xi32, #tpu.memory_space<hbm>>
        %dma_start3A_504 = tpu.memref_slice %arg3[%add3A_502] : memref<320000xi32, #tpu.memory_space<hbm>> -> memref<40xi32, #tpu.memory_space<hbm>>
        tpu.enqueue_dma source(%dma_start3A_504 : memref<40xi32, #tpu.memory_space<hbm>>) target(%arg11 : memref<40xi32, #tpu.memory_space<vmem>>) target_semaphore(%arg27 : memref<!tpu.dma_semaphore, #tpu.memory_space<semaphore_mem>>)
        %dma_start3A_505 = tpu.memref_slice %arg4[%add3A_502] : memref<320000xi32, #tpu.memory_space<hbm>> -> memref<40xi32, #tpu.memory_space<hbm>>
        %dma_start3A_506 = tpu.memref_slice %arg4[%add3A_502] : memref<320000xi32, #tpu.memory_space<hbm>> -> memref<40xi32, #tpu.memory_space<hbm>>
        tpu.enqueue_dma source(%dma_start3A_506 : memref<40xi32, #tpu.memory_space<hbm>>) target(%arg16 : memref<40xi32, #tpu.memory_space<vmem>>) target_semaphore(%arg27 : memref<!tpu.dma_semaphore, #tpu.memory_space<semaphore_mem>>)
        %dma_start3A_507 = arith.constant 0 : i32
        %dma_start3A_508 = tpu.memref_slice %arg5[%add3A_502, %dma_start3A_507] : memref<320000x128xf32, #tpu.memory_space<hbm>> -> memref<40x128xf32, #tpu.memory_space<hbm>>
        %dma_start3A_509 = arith.constant 0 : i32
        %dma_start3A_510 = tpu.memref_slice %arg5[%add3A_502, %dma_start3A_509] : memref<320000x128xf32, #tpu.memory_space<hbm>> -> memref<40x128xf32, #tpu.memory_space<hbm>>
        tpu.enqueue_dma source(%dma_start3A_510 : memref<40x128xf32, #tpu.memory_space<hbm>>) target(%arg21 : memref<40x128xf32, #tpu.memory_space<vmem>>) target_semaphore(%arg27 : memref<!tpu.dma_semaphore, #tpu.memory_space<semaphore_mem>>)
      } else {
      }
      %add3A_323 = arith.constant 2 : i32
      %add3A_324 = arith.addi %add3A_310, %add3A_323 : i32
      %lt3A_325 = arith.constant 250 : i32
      %lt3A_326 = arith.cmpi slt, %add3A_324, %lt3A_325 : i32
      %convert_element_type3A_327 = arith.extui %lt3A_326 : i1 to i32
      %cond3A_328 = arith.constant 0 : i32
      %cond3A_329 = arith.cmpi ne, %convert_element_type3A_327, %cond3A_328 : i32
      scf.if %cond3A_329 {
        %add3A_496 = arith.constant 2 : i32
        %add3A_497 = arith.addi %add3A_310, %add3A_496 : i32
        %mul3A_498 = arith.constant 40 : i32
        %mul3A_499 = arith.muli %add3A_497, %mul3A_498 : i32
        %add3A_500 = arith.addi %mul3A_2, %mul3A_499 : i32
        %dma_wait3A_501 = tpu.memref_slice %arg3[%add3A_500] : memref<320000xi32, #tpu.memory_space<hbm>> -> memref<40xi32, #tpu.memory_space<hbm>>
        %dma_wait3A_502 = tpu.memref_slice %arg3[%add3A_500] : memref<320000xi32, #tpu.memory_space<hbm>> -> memref<40xi32, #tpu.memory_space<hbm>>
        tpu.wait_dma2 semaphore(%arg25 : memref<!tpu.dma_semaphore, #tpu.memory_space<semaphore_mem>>) src(%dma_wait3A_502 : memref<40xi32, #tpu.memory_space<hbm>>) dst(%arg9 : memref<40xi32, #tpu.memory_space<vmem>>)
        %dma_wait3A_503 = tpu.memref_slice %arg4[%add3A_500] : memref<320000xi32, #tpu.memory_space<hbm>> -> memref<40xi32, #tpu.memory_space<hbm>>
        %dma_wait3A_504 = tpu.memref_slice %arg4[%add3A_500] : memref<320000xi32, #tpu.memory_space<hbm>> -> memref<40xi32, #tpu.memory_space<hbm>>
        tpu.wait_dma2 semaphore(%arg25 : memref<!tpu.dma_semaphore, #tpu.memory_space<semaphore_mem>>) src(%dma_wait3A_504 : memref<40xi32, #tpu.memory_space<hbm>>) dst(%arg14 : memref<40xi32, #tpu.memory_space<vmem>>)
        %dma_wait3A_505 = arith.constant 0 : i32
        %dma_wait3A_506 = tpu.memref_slice %arg5[%add3A_500, %dma_wait3A_505] : memref<320000x128xf32, #tpu.memory_space<hbm>> -> memref<40x128xf32, #tpu.memory_space<hbm>>
        %dma_wait3A_507 = arith.constant 0 : i32
        %dma_wait3A_508 = tpu.memref_slice %arg5[%add3A_500, %dma_wait3A_507] : memref<320000x128xf32, #tpu.memory_space<hbm>> -> memref<40x128xf32, #tpu.memory_space<hbm>>
        tpu.wait_dma2 semaphore(%arg25 : memref<!tpu.dma_semaphore, #tpu.memory_space<semaphore_mem>>) src(%dma_wait3A_508 : memref<40x128xf32, #tpu.memory_space<hbm>>) dst(%arg19 : memref<40x128xf32, #tpu.memory_space<vmem>>)
        %dma_start3A_509 = arith.constant 0 : i32
        %dma_start3A_510 = arith.constant 0 : i32
        %dma_start3A_511 = tpu.memref_slice %arg2[%dma_start3A_509, %dma_start3A_510] : memref<10000x128xf32, #tpu.memory_space<hbm>> -> memref<10000x128xf32, #tpu.memory_space<hbm>>
        tpu.enqueue_indirect_dma source(%dma_start3A_511 : memref<10000x128xf32, #tpu.memory_space<hbm>>) target(%arg19 : memref<40x128xf32, #tpu.memory_space<vmem>>) offsets(%arg9 : memref<40xi32, #tpu.memory_space<vmem>>) semaphore(%arg30 : memref<!tpu.dma_semaphore, #tpu.memory_space<semaphore_mem>>) {add = true}
      } else {
      }
      %dma_wait3A_330 = arith.constant 0 : i32
      %dma_wait3A_331 = arith.constant 0 : i32
      %dma_wait3A_332 = tpu.memref_slice %arg2[%dma_wait3A_330, %dma_wait3A_331] : memref<10000x128xf32, #tpu.memory_space<hbm>> -> memref<10000x128xf32, #tpu.memory_space<hbm>>
      tpu.wait_indirect_dma semaphore(%arg28 : memref<!tpu.dma_semaphore, #tpu.memory_space<semaphore_mem>>) src(%dma_wait3A_332 : memref<10000x128xf32, #tpu.memory_space<hbm>>) dst(%arg17 : memref<40x128xf32, #tpu.memory_space<vmem>>)
      %scan3A_333 = arith.constant 0 : i32
      %scan3A_334 = arith.constant 0 : i32
      %scan3A_335 = arith.constant 40 : i32
      %scan3A_336 = arith.addi %scan3A_334, %scan3A_335 : i32
      %scan3A_337 = arith.constant 1 : i32
      %scan3A_338 = scf.for %scan3A_496 = %scan3A_334 to %scan3A_336 step %scan3A_337 iter_args(%scan3A_497 = %scan3A_333) -> (i32)  : i32 {
        %get3A = arith.index_cast %scan3A_496 : i32 to index
        %get3A_498 = arith.constant 0 : index
        %get3A_499 = tpu.vector_load %arg17[%get3A, %get3A_498] {strides = array<i32>} : memref<40x128xf32, #tpu.memory_space<vmem>>, vector<1x16xf32>,
        %get3A_500 = vector.shape_cast %get3A_499 : vector<1x16xf32> to vector<16xf32>
        %max3A = arith.constant 0.000000e+00 : f32
        %max3A_501 = vector.broadcast %max3A : f32 to vector<16xf32>
        %max3A_502 = arith.maximumf %get3A_500, %max3A_501 : vector<16xf32>
        %swap3A = arith.index_cast %scan3A_496 : i32 to index
        %swap3A_503 = arith.constant 0 : index
        %swap3A_504 = tpu.vector_load %arg17[%swap3A, %swap3A_503] {strides = array<i32>} : memref<40x128xf32, #tpu.memory_space<vmem>>, vector<1x16xf32>,
        %swap3A_505 = vector.shape_cast %swap3A_504 : vector<1x16xf32> to vector<16xf32>
        %swap3A_506 = vector.shape_cast %max3A_502 : vector<16xf32> to vector<1x16xf32>
        tpu.vector_store %arg17[%swap3A, %swap3A_503], %swap3A_506 {strides = array<i32>} : memref<40x128xf32, #tpu.memory_space<vmem>>, vector<1x16xf32>,
        %get3A_507 = arith.index_cast %scan3A_496 : i32 to index
        %get3A_508 = arith.constant 16 : index
        %get3A_509 = tpu.vector_load %arg17[%get3A_507, %get3A_508] {strides = array<i32>} : memref<40x128xf32, #tpu.memory_space<vmem>>, vector<1x16xf32>,
        %get3A_510 = vector.shape_cast %get3A_509 : vector<1x16xf32> to vector<16xf32>
        %max3A_511 = arith.constant 0.000000e+00 : f32
        %max3A_512 = vector.broadcast %max3A_511 : f32 to vector<16xf32>
        %max3A_513 = arith.maximumf %get3A_510, %max3A_512 : vector<16xf32>
        %swap3A_514 = arith.index_cast %scan3A_496 : i32 to index
        %swap3A_515 = arith.constant 16 : index
        %swap3A_516 = tpu.vector_load %arg17[%swap3A_514, %swap3A_515] {strides = array<i32>} : memref<40x128xf32, #tpu.memory_space<vmem>>, vector<1x16xf32>,
        %swap3A_517 = vector.shape_cast %swap3A_516 : vector<1x16xf32> to vector<16xf32>
        %swap3A_518 = vector.shape_cast %max3A_513 : vector<16xf32> to vector<1x16xf32>
        tpu.vector_store %arg17[%swap3A_514, %swap3A_515], %swap3A_518 {strides = array<i32>} : memref<40x128xf32, #tpu.memory_space<vmem>>, vector<1x16xf32>,
        %get3A_519 = arith.index_cast %scan3A_496 : i32 to index
        %get3A_520 = arith.constant 32 : index
        %get3A_521 = tpu.vector_load %arg17[%get3A_519, %get3A_520] {strides = array<i32>} : memref<40x128xf32, #tpu.memory_space<vmem>>, vector<1x16xf32>,
        %get3A_522 = vector.shape_cast %get3A_521 : vector<1x16xf32> to vector<16xf32>
        %max3A_523 = arith.constant 0.000000e+00 : f32
        %max3A_524 = vector.broadcast %max3A_523 : f32 to vector<16xf32>
        %max3A_525 = arith.maximumf %get3A_522, %max3A_524 : vector<16xf32>
        %swap3A_526 = arith.index_cast %scan3A_496 : i32 to index
        %swap3A_527 = arith.constant 32 : index
        %swap3A_528 = tpu.vector_load %arg17[%swap3A_526, %swap3A_527] {strides = array<i32>} : memref<40x128xf32, #tpu.memory_space<vmem>>, vector<1x16xf32>,
        %swap3A_529 = vector.shape_cast %swap3A_528 : vector<1x16xf32> to vector<16xf32>
        %swap3A_530 = vector.shape_cast %max3A_525 : vector<16xf32> to vector<1x16xf32>
        tpu.vector_store %arg17[%swap3A_526, %swap3A_527], %swap3A_530 {strides = array<i32>} : memref<40x128xf32, #tpu.memory_space<vmem>>, vector<1x16xf32>,
        %get3A_531 = arith.index_cast %scan3A_496 : i32 to index
        %get3A_532 = arith.constant 48 : index
        %get3A_533 = tpu.vector_load %arg17[%get3A_531, %get3A_532] {strides = array<i32>} : memref<40x128xf32, #tpu.memory_space<vmem>>, vector<1x16xf32>,
        %get3A_534 = vector.shape_cast %get3A_533 : vector<1x16xf32> to vector<16xf32>
        %max3A_535 = arith.constant 0.000000e+00 : f32
        %max3A_536 = vector.broadcast %max3A_535 : f32 to vector<16xf32>
        %max3A_537 = arith.maximumf %get3A_534, %max3A_536 : vector<16xf32>
        %swap3A_538 = arith.index_cast %scan3A_496 : i32 to index
        %swap3A_539 = arith.constant 48 : index
        %swap3A_540 = tpu.vector_load %arg17[%swap3A_538, %swap3A_539] {strides = array<i32>} : memref<40x128xf32, #tpu.memory_space<vmem>>, vector<1x16xf32>,
        %swap3A_541 = vector.shape_cast %swap3A_540 : vector<1x16xf32> to vector<16xf32>
        %swap3A_542 = vector.shape_cast %max3A_537 : vector<16xf32> to vector<1x16xf32>
        tpu.vector_store %arg17[%swap3A_538, %swap3A_539], %swap3A_542 {strides = array<i32>} : memref<40x128xf32, #tpu.memory_space<vmem>>, vector<1x16xf32>,
        %get3A_543 = arith.index_cast %scan3A_496 : i32 to index
        %get3A_544 = arith.constant 64 : index
        %get3A_545 = tpu.vector_load %arg17[%get3A_543, %get3A_544] {strides = array<i32>} : memref<40x128xf32, #tpu.memory_space<vmem>>, vector<1x16xf32>,
        %get3A_546 = vector.shape_cast %get3A_545 : vector<1x16xf32> to vector<16xf32>
        %max3A_547 = arith.constant 0.000000e+00 : f32
        %max3A_548 = vector.broadcast %max3A_547 : f32 to vector<16xf32>
        %max3A_549 = arith.maximumf %get3A_546, %max3A_548 : vector<16xf32>
        %swap3A_550 = arith.index_cast %scan3A_496 : i32 to index
        %swap3A_551 = arith.constant 64 : index
        %swap3A_552 = tpu.vector_load %arg17[%swap3A_550, %swap3A_551] {strides = array<i32>} : memref<40x128xf32, #tpu.memory_space<vmem>>, vector<1x16xf32>,
        %swap3A_553 = vector.shape_cast %swap3A_552 : vector<1x16xf32> to vector<16xf32>
        %swap3A_554 = vector.shape_cast %max3A_549 : vector<16xf32> to vector<1x16xf32>
        tpu.vector_store %arg17[%swap3A_550, %swap3A_551], %swap3A_554 {strides = array<i32>} : memref<40x128xf32, #tpu.memory_space<vmem>>, vector<1x16xf32>,
        %get3A_555 = arith.index_cast %scan3A_496 : i32 to index
        %get3A_556 = arith.constant 80 : index
        %get3A_557 = tpu.vector_load %arg17[%get3A_555, %get3A_556] {strides = array<i32>} : memref<40x128xf32, #tpu.memory_space<vmem>>, vector<1x16xf32>,
        %get3A_558 = vector.shape_cast %get3A_557 : vector<1x16xf32> to vector<16xf32>
        %max3A_559 = arith.constant 0.000000e+00 : f32
        %max3A_560 = vector.broadcast %max3A_559 : f32 to vector<16xf32>
        %max3A_561 = arith.maximumf %get3A_558, %max3A_560 : vector<16xf32>
        %swap3A_562 = arith.index_cast %scan3A_496 : i32 to index
        %swap3A_563 = arith.constant 80 : index
        %swap3A_564 = tpu.vector_load %arg17[%swap3A_562, %swap3A_563] {strides = array<i32>} : memref<40x128xf32, #tpu.memory_space<vmem>>, vector<1x16xf32>,
        %swap3A_565 = vector.shape_cast %swap3A_564 : vector<1x16xf32> to vector<16xf32>
        %swap3A_566 = vector.shape_cast %max3A_561 : vector<16xf32> to vector<1x16xf32>
        tpu.vector_store %arg17[%swap3A_562, %swap3A_563], %swap3A_566 {strides = array<i32>} : memref<40x128xf32, #tpu.memory_space<vmem>>, vector<1x16xf32>,
        %get3A_567 = arith.index_cast %scan3A_496 : i32 to index
        %get3A_568 = arith.constant 96 : index
        %get3A_569 = tpu.vector_load %arg17[%get3A_567, %get3A_568] {strides = array<i32>} : memref<40x128xf32, #tpu.memory_space<vmem>>, vector<1x16xf32>,
        %get3A_570 = vector.shape_cast %get3A_569 : vector<1x16xf32> to vector<16xf32>
        %max3A_571 = arith.constant 0.000000e+00 : f32
        %max3A_572 = vector.broadcast %max3A_571 : f32 to vector<16xf32>
        %max3A_573 = arith.maximumf %get3A_570, %max3A_572 : vector<16xf32>
        %swap3A_574 = arith.index_cast %scan3A_496 : i32 to index
        %swap3A_575 = arith.constant 96 : index
        %swap3A_576 = tpu.vector_load %arg17[%swap3A_574, %swap3A_575] {strides = array<i32>} : memref<40x128xf32, #tpu.memory_space<vmem>>, vector<1x16xf32>,
        %swap3A_577 = vector.shape_cast %swap3A_576 : vector<1x16xf32> to vector<16xf32>
        %swap3A_578 = vector.shape_cast %max3A_573 : vector<16xf32> to vector<1x16xf32>
        tpu.vector_store %arg17[%swap3A_574, %swap3A_575], %swap3A_578 {strides = array<i32>} : memref<40x128xf32, #tpu.memory_space<vmem>>, vector<1x16xf32>,
        %get3A_579 = arith.index_cast %scan3A_496 : i32 to index
        %get3A_580 = arith.constant 112 : index
        %get3A_581 = tpu.vector_load %arg17[%get3A_579, %get3A_580] {strides = array<i32>} : memref<40x128xf32, #tpu.memory_space<vmem>>, vector<1x16xf32>,
        %get3A_582 = vector.shape_cast %get3A_581 : vector<1x16xf32> to vector<16xf32>
        %max3A_583 = arith.constant 0.000000e+00 : f32
        %max3A_584 = vector.broadcast %max3A_583 : f32 to vector<16xf32>
        %max3A_585 = arith.maximumf %get3A_582, %max3A_584 : vector<16xf32>
        %swap3A_586 = arith.index_cast %scan3A_496 : i32 to index
        %swap3A_587 = arith.constant 112 : index
        %swap3A_588 = tpu.vector_load %arg17[%swap3A_586, %swap3A_587] {strides = array<i32>} : memref<40x128xf32, #tpu.memory_space<vmem>>, vector<1x16xf32>,
        %swap3A_589 = vector.shape_cast %swap3A_588 : vector<1x16xf32> to vector<16xf32>
        %swap3A_590 = vector.shape_cast %max3A_585 : vector<16xf32> to vector<1x16xf32>
        tpu.vector_store %arg17[%swap3A_586, %swap3A_587], %swap3A_590 {strides = array<i32>} : memref<40x128xf32, #tpu.memory_space<vmem>>, vector<1x16xf32>,
        %scan3A_591 = arith.constant 0 : i32
        scf.yield %scan3A_591 : i32
      }
      %scan3A_339 = arith.constant 40 : i32
      %dma_start3A_340 = arith.constant 0 : i32
      %dma_start3A_341 = arith.constant 0 : i32
      %dma_start3A_342 = tpu.memref_slice %arg22[%dma_start3A_340, %dma_start3A_341] : memref<10000x128xf32, #tpu.memory_space<vmem_shared>> -> memref<10000x128xf32, #tpu.memory_space<vmem_shared>>
      tpu.enqueue_indirect_dma source(%arg17 : memref<40x128xf32, #tpu.memory_space<vmem>>) target(%dma_start3A_342 : memref<10000x128xf32, #tpu.memory_space<vmem_shared>>) offsets(%arg12 : memref<40xi32, #tpu.memory_space<vmem>>) semaphore(%arg33 : memref<!tpu.dma_semaphore, #tpu.memory_space<semaphore_mem>>) {add = true}
      %mul3A_343 = arith.constant 5 : i32
      %mul3A_344 = arith.muli %scan3A_305, %mul3A_343 : i32
      %add3A_345 = arith.constant 1 : i32
      %add3A_346 = arith.addi %mul3A_344, %add3A_345 : i32
      %gt3A_347 = arith.constant 0 : i32
      %gt3A_348 = arith.cmpi sgt, %add3A_346, %gt3A_347 : i32
      %convert_element_type3A_349 = arith.extui %gt3A_348 : i1 to i32
      %cond3A_350 = arith.constant 0 : i32
      %cond3A_351 = arith.cmpi ne, %convert_element_type3A_349, %cond3A_350 : i32
      scf.if %cond3A_351 {
        %dma_wait3A_496 = arith.constant 0 : i32
        %dma_wait3A_497 = arith.constant 0 : i32
        %dma_wait3A_498 = tpu.memref_slice %arg22[%dma_wait3A_496, %dma_wait3A_497] : memref<10000x128xf32, #tpu.memory_space<vmem_shared>> -> memref<10000x128xf32, #tpu.memory_space<vmem_shared>>
        tpu.wait_indirect_dma semaphore(%arg33 : memref<!tpu.dma_semaphore, #tpu.memory_space<semaphore_mem>>) src(%arg17 : memref<40x128xf32, #tpu.memory_space<vmem>>) dst(%dma_wait3A_498 : memref<10000x128xf32, #tpu.memory_space<vmem_shared>>)
      } else {
      }
      %add3A_352 = arith.constant 5 : i32
      %add3A_353 = arith.addi %add3A_346, %add3A_352 : i32
      %sub3A_354 = arith.constant 1 : i32
      %sub3A_355 = arith.subi %add3A_353, %sub3A_354 : i32
      %lt3A_356 = arith.constant 250 : i32
      %lt3A_357 = arith.cmpi slt, %sub3A_355, %lt3A_356 : i32
      %convert_element_type3A_358 = arith.extui %lt3A_357 : i1 to i32
      %cond3A_359 = arith.constant 0 : i32
      %cond3A_360 = arith.cmpi ne, %convert_element_type3A_358, %cond3A_359 : i32
      scf.if %cond3A_360 {
        %add3A_496 = arith.constant 5 : i32
        %add3A_497 = arith.addi %add3A_346, %add3A_496 : i32
        %sub3A_498 = arith.constant 1 : i32
        %sub3A_499 = arith.subi %add3A_497, %sub3A_498 : i32
        %mul3A_500 = arith.constant 40 : i32
        %mul3A_501 = arith.muli %sub3A_499, %mul3A_500 : i32
        %add3A_502 = arith.addi %mul3A_2, %mul3A_501 : i32
        %dma_start3A_503 = tpu.memref_slice %arg3[%add3A_502] : memref<320000xi32, #tpu.memory_space<hbm>> -> memref<40xi32, #tpu.memory_space<hbm>>
        %dma_start3A_504 = tpu.memref_slice %arg3[%add3A_502] : memref<320000xi32, #tpu.memory_space<hbm>> -> memref<40xi32, #tpu.memory_space<hbm>>
        tpu.enqueue_dma source(%dma_start3A_504 : memref<40xi32, #tpu.memory_space<hbm>>) target(%arg7 : memref<40xi32, #tpu.memory_space<vmem>>) target_semaphore(%arg23 : memref<!tpu.dma_semaphore, #tpu.memory_space<semaphore_mem>>)
        %dma_start3A_505 = tpu.memref_slice %arg4[%add3A_502] : memref<320000xi32, #tpu.memory_space<hbm>> -> memref<40xi32, #tpu.memory_space<hbm>>
        %dma_start3A_506 = tpu.memref_slice %arg4[%add3A_502] : memref<320000xi32, #tpu.memory_space<hbm>> -> memref<40xi32, #tpu.memory_space<hbm>>
        tpu.enqueue_dma source(%dma_start3A_506 : memref<40xi32, #tpu.memory_space<hbm>>) target(%arg12 : memref<40xi32, #tpu.memory_space<vmem>>) target_semaphore(%arg23 : memref<!tpu.dma_semaphore, #tpu.memory_space<semaphore_mem>>)
        %dma_start3A_507 = arith.constant 0 : i32
        %dma_start3A_508 = tpu.memref_slice %arg5[%add3A_502, %dma_start3A_507] : memref<320000x128xf32, #tpu.memory_space<hbm>> -> memref<40x128xf32, #tpu.memory_space<hbm>>
        %dma_start3A_509 = arith.constant 0 : i32
        %dma_start3A_510 = tpu.memref_slice %arg5[%add3A_502, %dma_start3A_509] : memref<320000x128xf32, #tpu.memory_space<hbm>> -> memref<40x128xf32, #tpu.memory_space<hbm>>
        tpu.enqueue_dma source(%dma_start3A_510 : memref<40x128xf32, #tpu.memory_space<hbm>>) target(%arg17 : memref<40x128xf32, #tpu.memory_space<vmem>>) target_semaphore(%arg23 : memref<!tpu.dma_semaphore, #tpu.memory_space<semaphore_mem>>)
      } else {
      }
      %add3A_361 = arith.constant 2 : i32
      %add3A_362 = arith.addi %add3A_346, %add3A_361 : i32
      %lt3A_363 = arith.constant 250 : i32
      %lt3A_364 = arith.cmpi slt, %add3A_362, %lt3A_363 : i32
      %convert_element_type3A_365 = arith.extui %lt3A_364 : i1 to i32
      %cond3A_366 = arith.constant 0 : i32
      %cond3A_367 = arith.cmpi ne, %convert_element_type3A_365, %cond3A_366 : i32
      scf.if %cond3A_367 {
        %add3A_496 = arith.constant 2 : i32
        %add3A_497 = arith.addi %add3A_346, %add3A_496 : i32
        %mul3A_498 = arith.constant 40 : i32
        %mul3A_499 = arith.muli %add3A_497, %mul3A_498 : i32
        %add3A_500 = arith.addi %mul3A_2, %mul3A_499 : i32
        %dma_wait3A_501 = tpu.memref_slice %arg3[%add3A_500] : memref<320000xi32, #tpu.memory_space<hbm>> -> memref<40xi32, #tpu.memory_space<hbm>>
        %dma_wait3A_502 = tpu.memref_slice %arg3[%add3A_500] : memref<320000xi32, #tpu.memory_space<hbm>> -> memref<40xi32, #tpu.memory_space<hbm>>
        tpu.wait_dma2 semaphore(%arg26 : memref<!tpu.dma_semaphore, #tpu.memory_space<semaphore_mem>>) src(%dma_wait3A_502 : memref<40xi32, #tpu.memory_space<hbm>>) dst(%arg10 : memref<40xi32, #tpu.memory_space<vmem>>)
        %dma_wait3A_503 = tpu.memref_slice %arg4[%add3A_500] : memref<320000xi32, #tpu.memory_space<hbm>> -> memref<40xi32, #tpu.memory_space<hbm>>
        %dma_wait3A_504 = tpu.memref_slice %arg4[%add3A_500] : memref<320000xi32, #tpu.memory_space<hbm>> -> memref<40xi32, #tpu.memory_space<hbm>>
        tpu.wait_dma2 semaphore(%arg26 : memref<!tpu.dma_semaphore, #tpu.memory_space<semaphore_mem>>) src(%dma_wait3A_504 : memref<40xi32, #tpu.memory_space<hbm>>) dst(%arg15 : memref<40xi32, #tpu.memory_space<vmem>>)
        %dma_wait3A_505 = arith.constant 0 : i32
        %dma_wait3A_506 = tpu.memref_slice %arg5[%add3A_500, %dma_wait3A_505] : memref<320000x128xf32, #tpu.memory_space<hbm>> -> memref<40x128xf32, #tpu.memory_space<hbm>>
        %dma_wait3A_507 = arith.constant 0 : i32
        %dma_wait3A_508 = tpu.memref_slice %arg5[%add3A_500, %dma_wait3A_507] : memref<320000x128xf32, #tpu.memory_space<hbm>> -> memref<40x128xf32, #tpu.memory_space<hbm>>
        tpu.wait_dma2 semaphore(%arg26 : memref<!tpu.dma_semaphore, #tpu.memory_space<semaphore_mem>>) src(%dma_wait3A_508 : memref<40x128xf32, #tpu.memory_space<hbm>>) dst(%arg20 : memref<40x128xf32, #tpu.memory_space<vmem>>)
        %dma_start3A_509 = arith.constant 0 : i32
        %dma_start3A_510 = arith.constant 0 : i32
        %dma_start3A_511 = tpu.memref_slice %arg2[%dma_start3A_509, %dma_start3A_510] : memref<10000x128xf32, #tpu.memory_space<hbm>> -> memref<10000x128xf32, #tpu.memory_space<hbm>>
        tpu.enqueue_indirect_dma source(%dma_start3A_511 : memref<10000x128xf32, #tpu.memory_space<hbm>>) target(%arg20 : memref<40x128xf32, #tpu.memory_space<vmem>>) offsets(%arg10 : memref<40xi32, #tpu.memory_space<vmem>>) semaphore(%arg31 : memref<!tpu.dma_semaphore, #tpu.memory_space<semaphore_mem>>) {add = true}
      } else {
      }
      %dma_wait3A_368 = arith.constant 0 : i32
      %dma_wait3A_369 = arith.constant 0 : i32
      %dma_wait3A_370 = tpu.memref_slice %arg2[%dma_wait3A_368, %dma_wait3A_369] : memref<10000x128xf32, #tpu.memory_space<hbm>> -> memref<10000x128xf32, #tpu.memory_space<hbm>>
      tpu.wait_indirect_dma semaphore(%arg29 : memref<!tpu.dma_semaphore, #tpu.memory_space<semaphore_mem>>) src(%dma_wait3A_370 : memref<10000x128xf32, #tpu.memory_space<hbm>>) dst(%arg18 : memref<40x128xf32, #tpu.memory_space<vmem>>)
      %scan3A_371 = arith.constant 0 : i32
      %scan3A_372 = arith.constant 0 : i32
      %scan3A_373 = arith.constant 40 : i32
      %scan3A_374 = arith.addi %scan3A_372, %scan3A_373 : i32
      %scan3A_375 = arith.constant 1 : i32
      %scan3A_376 = scf.for %scan3A_496 = %scan3A_372 to %scan3A_374 step %scan3A_375 iter_args(%scan3A_497 = %scan3A_371) -> (i32)  : i32 {
        %get3A = arith.index_cast %scan3A_496 : i32 to index
        %get3A_498 = arith.constant 0 : index
        %get3A_499 = tpu.vector_load %arg18[%get3A, %get3A_498] {strides = array<i32>} : memref<40x128xf32, #tpu.memory_space<vmem>>, vector<1x16xf32>,
        %get3A_500 = vector.shape_cast %get3A_499 : vector<1x16xf32> to vector<16xf32>
        %max3A = arith.constant 0.000000e+00 : f32
        %max3A_501 = vector.broadcast %max3A : f32 to vector<16xf32>
        %max3A_502 = arith.maximumf %get3A_500, %max3A_501 : vector<16xf32>
        %swap3A = arith.index_cast %scan3A_496 : i32 to index
        %swap3A_503 = arith.constant 0 : index
        %swap3A_504 = tpu.vector_load %arg18[%swap3A, %swap3A_503] {strides = array<i32>} : memref<40x128xf32, #tpu.memory_space<vmem>>, vector<1x16xf32>,
        %swap3A_505 = vector.shape_cast %swap3A_504 : vector<1x16xf32> to vector<16xf32>
        %swap3A_506 = vector.shape_cast %max3A_502 : vector<16xf32> to vector<1x16xf32>
        tpu.vector_store %arg18[%swap3A, %swap3A_503], %swap3A_506 {strides = array<i32>} : memref<40x128xf32, #tpu.memory_space<vmem>>, vector<1x16xf32>,
        %get3A_507 = arith.index_cast %scan3A_496 : i32 to index
        %get3A_508 = arith.constant 16 : index
        %get3A_509 = tpu.vector_load %arg18[%get3A_507, %get3A_508] {strides = array<i32>} : memref<40x128xf32, #tpu.memory_space<vmem>>, vector<1x16xf32>,
        %get3A_510 = vector.shape_cast %get3A_509 : vector<1x16xf32> to vector<16xf32>
        %max3A_511 = arith.constant 0.000000e+00 : f32
        %max3A_512 = vector.broadcast %max3A_511 : f32 to vector<16xf32>
        %max3A_513 = arith.maximumf %get3A_510, %max3A_512 : vector<16xf32>
        %swap3A_514 = arith.index_cast %scan3A_496 : i32 to index
        %swap3A_515 = arith.constant 16 : index
        %swap3A_516 = tpu.vector_load %arg18[%swap3A_514, %swap3A_515] {strides = array<i32>} : memref<40x128xf32, #tpu.memory_space<vmem>>, vector<1x16xf32>,
        %swap3A_517 = vector.shape_cast %swap3A_516 : vector<1x16xf32> to vector<16xf32>
        %swap3A_518 = vector.shape_cast %max3A_513 : vector<16xf32> to vector<1x16xf32>
        tpu.vector_store %arg18[%swap3A_514, %swap3A_515], %swap3A_518 {strides = array<i32>} : memref<40x128xf32, #tpu.memory_space<vmem>>, vector<1x16xf32>,
        %get3A_519 = arith.index_cast %scan3A_496 : i32 to index
        %get3A_520 = arith.constant 32 : index
        %get3A_521 = tpu.vector_load %arg18[%get3A_519, %get3A_520] {strides = array<i32>} : memref<40x128xf32, #tpu.memory_space<vmem>>, vector<1x16xf32>,
        %get3A_522 = vector.shape_cast %get3A_521 : vector<1x16xf32> to vector<16xf32>
        %max3A_523 = arith.constant 0.000000e+00 : f32
        %max3A_524 = vector.broadcast %max3A_523 : f32 to vector<16xf32>
        %max3A_525 = arith.maximumf %get3A_522, %max3A_524 : vector<16xf32>
        %swap3A_526 = arith.index_cast %scan3A_496 : i32 to index
        %swap3A_527 = arith.constant 32 : index
        %swap3A_528 = tpu.vector_load %arg18[%swap3A_526, %swap3A_527] {strides = array<i32>} : memref<40x128xf32, #tpu.memory_space<vmem>>, vector<1x16xf32>,
        %swap3A_529 = vector.shape_cast %swap3A_528 : vector<1x16xf32> to vector<16xf32>
        %swap3A_530 = vector.shape_cast %max3A_525 : vector<16xf32> to vector<1x16xf32>
        tpu.vector_store %arg18[%swap3A_526, %swap3A_527], %swap3A_530 {strides = array<i32>} : memref<40x128xf32, #tpu.memory_space<vmem>>, vector<1x16xf32>,
        %get3A_531 = arith.index_cast %scan3A_496 : i32 to index
        %get3A_532 = arith.constant 48 : index
        %get3A_533 = tpu.vector_load %arg18[%get3A_531, %get3A_532] {strides = array<i32>} : memref<40x128xf32, #tpu.memory_space<vmem>>, vector<1x16xf32>,
        %get3A_534 = vector.shape_cast %get3A_533 : vector<1x16xf32> to vector<16xf32>
        %max3A_535 = arith.constant 0.000000e+00 : f32
        %max3A_536 = vector.broadcast %max3A_535 : f32 to vector<16xf32>
        %max3A_537 = arith.maximumf %get3A_534, %max3A_536 : vector<16xf32>
        %swap3A_538 = arith.index_cast %scan3A_496 : i32 to index
        %swap3A_539 = arith.constant 48 : index
        %swap3A_540 = tpu.vector_load %arg18[%swap3A_538, %swap3A_539] {strides = array<i32>} : memref<40x128xf32, #tpu.memory_space<vmem>>, vector<1x16xf32>,
        %swap3A_541 = vector.shape_cast %swap3A_540 : vector<1x16xf32> to vector<16xf32>
        %swap3A_542 = vector.shape_cast %max3A_537 : vector<16xf32> to vector<1x16xf32>
        tpu.vector_store %arg18[%swap3A_538, %swap3A_539], %swap3A_542 {strides = array<i32>} : memref<40x128xf32, #tpu.memory_space<vmem>>, vector<1x16xf32>,
        %get3A_543 = arith.index_cast %scan3A_496 : i32 to index
        %get3A_544 = arith.constant 64 : index
        %get3A_545 = tpu.vector_load %arg18[%get3A_543, %get3A_544] {strides = array<i32>} : memref<40x128xf32, #tpu.memory_space<vmem>>, vector<1x16xf32>,
        %get3A_546 = vector.shape_cast %get3A_545 : vector<1x16xf32> to vector<16xf32>
        %max3A_547 = arith.constant 0.000000e+00 : f32
        %max3A_548 = vector.broadcast %max3A_547 : f32 to vector<16xf32>
        %max3A_549 = arith.maximumf %get3A_546, %max3A_548 : vector<16xf32>
        %swap3A_550 = arith.index_cast %scan3A_496 : i32 to index
        %swap3A_551 = arith.constant 64 : index
        %swap3A_552 = tpu.vector_load %arg18[%swap3A_550, %swap3A_551] {strides = array<i32>} : memref<40x128xf32, #tpu.memory_space<vmem>>, vector<1x16xf32>,
        %swap3A_553 = vector.shape_cast %swap3A_552 : vector<1x16xf32> to vector<16xf32>
        %swap3A_554 = vector.shape_cast %max3A_549 : vector<16xf32> to vector<1x16xf32>
        tpu.vector_store %arg18[%swap3A_550, %swap3A_551], %swap3A_554 {strides = array<i32>} : memref<40x128xf32, #tpu.memory_space<vmem>>, vector<1x16xf32>,
        %get3A_555 = arith.index_cast %scan3A_496 : i32 to index
        %get3A_556 = arith.constant 80 : index
        %get3A_557 = tpu.vector_load %arg18[%get3A_555, %get3A_556] {strides = array<i32>} : memref<40x128xf32, #tpu.memory_space<vmem>>, vector<1x16xf32>,
        %get3A_558 = vector.shape_cast %get3A_557 : vector<1x16xf32> to vector<16xf32>
        %max3A_559 = arith.constant 0.000000e+00 : f32
        %max3A_560 = vector.broadcast %max3A_559 : f32 to vector<16xf32>
        %max3A_561 = arith.maximumf %get3A_558, %max3A_560 : vector<16xf32>
        %swap3A_562 = arith.index_cast %scan3A_496 : i32 to index
        %swap3A_563 = arith.constant 80 : index
        %swap3A_564 = tpu.vector_load %arg18[%swap3A_562, %swap3A_563] {strides = array<i32>} : memref<40x128xf32, #tpu.memory_space<vmem>>, vector<1x16xf32>,
        %swap3A_565 = vector.shape_cast %swap3A_564 : vector<1x16xf32> to vector<16xf32>
        %swap3A_566 = vector.shape_cast %max3A_561 : vector<16xf32> to vector<1x16xf32>
        tpu.vector_store %arg18[%swap3A_562, %swap3A_563], %swap3A_566 {strides = array<i32>} : memref<40x128xf32, #tpu.memory_space<vmem>>, vector<1x16xf32>,
        %get3A_567 = arith.index_cast %scan3A_496 : i32 to index
        %get3A_568 = arith.constant 96 : index
        %get3A_569 = tpu.vector_load %arg18[%get3A_567, %get3A_568] {strides = array<i32>} : memref<40x128xf32, #tpu.memory_space<vmem>>, vector<1x16xf32>,
        %get3A_570 = vector.shape_cast %get3A_569 : vector<1x16xf32> to vector<16xf32>
        %max3A_571 = arith.constant 0.000000e+00 : f32
        %max3A_572 = vector.broadcast %max3A_571 : f32 to vector<16xf32>
        %max3A_573 = arith.maximumf %get3A_570, %max3A_572 : vector<16xf32>
        %swap3A_574 = arith.index_cast %scan3A_496 : i32 to index
        %swap3A_575 = arith.constant 96 : index
        %swap3A_576 = tpu.vector_load %arg18[%swap3A_574, %swap3A_575] {strides = array<i32>} : memref<40x128xf32, #tpu.memory_space<vmem>>, vector<1x16xf32>,
        %swap3A_577 = vector.shape_cast %swap3A_576 : vector<1x16xf32> to vector<16xf32>
        %swap3A_578 = vector.shape_cast %max3A_573 : vector<16xf32> to vector<1x16xf32>
        tpu.vector_store %arg18[%swap3A_574, %swap3A_575], %swap3A_578 {strides = array<i32>} : memref<40x128xf32, #tpu.memory_space<vmem>>, vector<1x16xf32>,
        %get3A_579 = arith.index_cast %scan3A_496 : i32 to index
        %get3A_580 = arith.constant 112 : index
        %get3A_581 = tpu.vector_load %arg18[%get3A_579, %get3A_580] {strides = array<i32>} : memref<40x128xf32, #tpu.memory_space<vmem>>, vector<1x16xf32>,
        %get3A_582 = vector.shape_cast %get3A_581 : vector<1x16xf32> to vector<16xf32>
        %max3A_583 = arith.constant 0.000000e+00 : f32
        %max3A_584 = vector.broadcast %max3A_583 : f32 to vector<16xf32>
        %max3A_585 = arith.maximumf %get3A_582, %max3A_584 : vector<16xf32>
        %swap3A_586 = arith.index_cast %scan3A_496 : i32 to index
        %swap3A_587 = arith.constant 112 : index
        %swap3A_588 = tpu.vector_load %arg18[%swap3A_586, %swap3A_587] {strides = array<i32>} : memref<40x128xf32, #tpu.memory_space<vmem>>, vector<1x16xf32>,
        %swap3A_589 = vector.shape_cast %swap3A_588 : vector<1x16xf32> to vector<16xf32>
        %swap3A_590 = vector.shape_cast %max3A_585 : vector<16xf32> to vector<1x16xf32>
        tpu.vector_store %arg18[%swap3A_586, %swap3A_587], %swap3A_590 {strides = array<i32>} : memref<40x128xf32, #tpu.memory_space<vmem>>, vector<1x16xf32>,
        %scan3A_591 = arith.constant 0 : i32
        scf.yield %scan3A_591 : i32
      }
      %scan3A_377 = arith.constant 40 : i32
      %dma_start3A_378 = arith.constant 0 : i32
      %dma_start3A_379 = arith.constant 0 : i32
      %dma_start3A_380 = tpu.memref_slice %arg22[%dma_start3A_378, %dma_start3A_379] : memref<10000x128xf32, #tpu.memory_space<vmem_shared>> -> memref<10000x128xf32, #tpu.memory_space<vmem_shared>>
      tpu.enqueue_indirect_dma source(%arg18 : memref<40x128xf32, #tpu.memory_space<vmem>>) target(%dma_start3A_380 : memref<10000x128xf32, #tpu.memory_space<vmem_shared>>) offsets(%arg13 : memref<40xi32, #tpu.memory_space<vmem>>) semaphore(%arg34 : memref<!tpu.dma_semaphore, #tpu.memory_space<semaphore_mem>>) {add = true}
      %mul3A_381 = arith.constant 5 : i32
      %mul3A_382 = arith.muli %scan3A_305, %mul3A_381 : i32
      %add3A_383 = arith.constant 2 : i32
      %add3A_384 = arith.addi %mul3A_382, %add3A_383 : i32
      %gt3A_385 = arith.constant 0 : i32
      %gt3A_386 = arith.cmpi sgt, %add3A_384, %gt3A_385 : i32
      %convert_element_type3A_387 = arith.extui %gt3A_386 : i1 to i32
      %cond3A_388 = arith.constant 0 : i32
      %cond3A_389 = arith.cmpi ne, %convert_element_type3A_387, %cond3A_388 : i32
      scf.if %cond3A_389 {
        %dma_wait3A_496 = arith.constant 0 : i32
        %dma_wait3A_497 = arith.constant 0 : i32
        %dma_wait3A_498 = tpu.memref_slice %arg22[%dma_wait3A_496, %dma_wait3A_497] : memref<10000x128xf32, #tpu.memory_space<vmem_shared>> -> memref<10000x128xf32, #tpu.memory_space<vmem_shared>>
        tpu.wait_indirect_dma semaphore(%arg34 : memref<!tpu.dma_semaphore, #tpu.memory_space<semaphore_mem>>) src(%arg18 : memref<40x128xf32, #tpu.memory_space<vmem>>) dst(%dma_wait3A_498 : memref<10000x128xf32, #tpu.memory_space<vmem_shared>>)
      } else {
      }
      %add3A_390 = arith.constant 5 : i32
      %add3A_391 = arith.addi %add3A_384, %add3A_390 : i32
      %sub3A_392 = arith.constant 1 : i32
      %sub3A_393 = arith.subi %add3A_391, %sub3A_392 : i32
      %lt3A_394 = arith.constant 250 : i32
      %lt3A_395 = arith.cmpi slt, %sub3A_393, %lt3A_394 : i32
      %convert_element_type3A_396 = arith.extui %lt3A_395 : i1 to i32
      %cond3A_397 = arith.constant 0 : i32
      %cond3A_398 = arith.cmpi ne, %convert_element_type3A_396, %cond3A_397 : i32
      scf.if %cond3A_398 {
        %add3A_496 = arith.constant 5 : i32
        %add3A_497 = arith.addi %add3A_384, %add3A_496 : i32
        %sub3A_498 = arith.constant 1 : i32
        %sub3A_499 = arith.subi %add3A_497, %sub3A_498 : i32
        %mul3A_500 = arith.constant 40 : i32
        %mul3A_501 = arith.muli %sub3A_499, %mul3A_500 : i32
        %add3A_502 = arith.addi %mul3A_2, %mul3A_501 : i32
        %dma_start3A_503 = tpu.memref_slice %arg3[%add3A_502] : memref<320000xi32, #tpu.memory_space<hbm>> -> memref<40xi32, #tpu.memory_space<hbm>>
        %dma_start3A_504 = tpu.memref_slice %arg3[%add3A_502] : memref<320000xi32, #tpu.memory_space<hbm>> -> memref<40xi32, #tpu.memory_space<hbm>>
        tpu.enqueue_dma source(%dma_start3A_504 : memref<40xi32, #tpu.memory_space<hbm>>) target(%arg8 : memref<40xi32, #tpu.memory_space<vmem>>) target_semaphore(%arg24 : memref<!tpu.dma_semaphore, #tpu.memory_space<semaphore_mem>>)
        %dma_start3A_505 = tpu.memref_slice %arg4[%add3A_502] : memref<320000xi32, #tpu.memory_space<hbm>> -> memref<40xi32, #tpu.memory_space<hbm>>
        %dma_start3A_506 = tpu.memref_slice %arg4[%add3A_502] : memref<320000xi32, #tpu.memory_space<hbm>> -> memref<40xi32, #tpu.memory_space<hbm>>
        tpu.enqueue_dma source(%dma_start3A_506 : memref<40xi32, #tpu.memory_space<hbm>>) target(%arg13 : memref<40xi32, #tpu.memory_space<vmem>>) target_semaphore(%arg24 : memref<!tpu.dma_semaphore, #tpu.memory_space<semaphore_mem>>)
        %dma_start3A_507 = arith.constant 0 : i32
        %dma_start3A_508 = tpu.memref_slice %arg5[%add3A_502, %dma_start3A_507] : memref<320000x128xf32, #tpu.memory_space<hbm>> -> memref<40x128xf32, #tpu.memory_space<hbm>>
        %dma_start3A_509 = arith.constant 0 : i32
        %dma_start3A_510 = tpu.memref_slice %arg5[%add3A_502, %dma_start3A_509] : memref<320000x128xf32, #tpu.memory_space<hbm>> -> memref<40x128xf32, #tpu.memory_space<hbm>>
        tpu.enqueue_dma source(%dma_start3A_510 : memref<40x128xf32, #tpu.memory_space<hbm>>) target(%arg18 : memref<40x128xf32, #tpu.memory_space<vmem>>) target_semaphore(%arg24 : memref<!tpu.dma_semaphore, #tpu.memory_space<semaphore_mem>>)
      } else {
      }
      %add3A_399 = arith.constant 2 : i32
      %add3A_400 = arith.addi %add3A_384, %add3A_399 : i32
      %lt3A_401 = arith.constant 250 : i32
      %lt3A_402 = arith.cmpi slt, %add3A_400, %lt3A_401 : i32
      %convert_element_type3A_403 = arith.extui %lt3A_402 : i1 to i32
      %cond3A_404 = arith.constant 0 : i32
      %cond3A_405 = arith.cmpi ne, %convert_element_type3A_403, %cond3A_404 : i32
      scf.if %cond3A_405 {
        %add3A_496 = arith.constant 2 : i32
        %add3A_497 = arith.addi %add3A_384, %add3A_496 : i32
        %mul3A_498 = arith.constant 40 : i32
        %mul3A_499 = arith.muli %add3A_497, %mul3A_498 : i32
        %add3A_500 = arith.addi %mul3A_2, %mul3A_499 : i32
        %dma_wait3A_501 = tpu.memref_slice %arg3[%add3A_500] : memref<320000xi32, #tpu.memory_space<hbm>> -> memref<40xi32, #tpu.memory_space<hbm>>
        %dma_wait3A_502 = tpu.memref_slice %arg3[%add3A_500] : memref<320000xi32, #tpu.memory_space<hbm>> -> memref<40xi32, #tpu.memory_space<hbm>>
        tpu.wait_dma2 semaphore(%arg27 : memref<!tpu.dma_semaphore, #tpu.memory_space<semaphore_mem>>) src(%dma_wait3A_502 : memref<40xi32, #tpu.memory_space<hbm>>) dst(%arg11 : memref<40xi32, #tpu.memory_space<vmem>>)
        %dma_wait3A_503 = tpu.memref_slice %arg4[%add3A_500] : memref<320000xi32, #tpu.memory_space<hbm>> -> memref<40xi32, #tpu.memory_space<hbm>>
        %dma_wait3A_504 = tpu.memref_slice %arg4[%add3A_500] : memref<320000xi32, #tpu.memory_space<hbm>> -> memref<40xi32, #tpu.memory_space<hbm>>
        tpu.wait_dma2 semaphore(%arg27 : memref<!tpu.dma_semaphore, #tpu.memory_space<semaphore_mem>>) src(%dma_wait3A_504 : memref<40xi32, #tpu.memory_space<hbm>>) dst(%arg16 : memref<40xi32, #tpu.memory_space<vmem>>)
        %dma_wait3A_505 = arith.constant 0 : i32
        %dma_wait3A_506 = tpu.memref_slice %arg5[%add3A_500, %dma_wait3A_505] : memref<320000x128xf32, #tpu.memory_space<hbm>> -> memref<40x128xf32, #tpu.memory_space<hbm>>
        %dma_wait3A_507 = arith.constant 0 : i32
        %dma_wait3A_508 = tpu.memref_slice %arg5[%add3A_500, %dma_wait3A_507] : memref<320000x128xf32, #tpu.memory_space<hbm>> -> memref<40x128xf32, #tpu.memory_space<hbm>>
        tpu.wait_dma2 semaphore(%arg27 : memref<!tpu.dma_semaphore, #tpu.memory_space<semaphore_mem>>) src(%dma_wait3A_508 : memref<40x128xf32, #tpu.memory_space<hbm>>) dst(%arg21 : memref<40x128xf32, #tpu.memory_space<vmem>>)
        %dma_start3A_509 = arith.constant 0 : i32
        %dma_start3A_510 = arith.constant 0 : i32
        %dma_start3A_511 = tpu.memref_slice %arg2[%dma_start3A_509, %dma_start3A_510] : memref<10000x128xf32, #tpu.memory_space<hbm>> -> memref<10000x128xf32, #tpu.memory_space<hbm>>
        tpu.enqueue_indirect_dma source(%dma_start3A_511 : memref<10000x128xf32, #tpu.memory_space<hbm>>) target(%arg21 : memref<40x128xf32, #tpu.memory_space<vmem>>) offsets(%arg11 : memref<40xi32, #tpu.memory_space<vmem>>) semaphore(%arg32 : memref<!tpu.dma_semaphore, #tpu.memory_space<semaphore_mem>>) {add = true}
      } else {
      }
      %dma_wait3A_406 = arith.constant 0 : i32
      %dma_wait3A_407 = arith.constant 0 : i32
      %dma_wait3A_408 = tpu.memref_slice %arg2[%dma_wait3A_406, %dma_wait3A_407] : memref<10000x128xf32, #tpu.memory_space<hbm>> -> memref<10000x128xf32, #tpu.memory_space<hbm>>
      tpu.wait_indirect_dma semaphore(%arg30 : memref<!tpu.dma_semaphore, #tpu.memory_space<semaphore_mem>>) src(%dma_wait3A_408 : memref<10000x128xf32, #tpu.memory_space<hbm>>) dst(%arg19 : memref<40x128xf32, #tpu.memory_space<vmem>>)
      %scan3A_409 = arith.constant 0 : i32
      %scan3A_410 = arith.constant 0 : i32
      %scan3A_411 = arith.constant 40 : i32
      %scan3A_412 = arith.addi %scan3A_410, %scan3A_411 : i32
      %scan3A_413 = arith.constant 1 : i32
      %scan3A_414 = scf.for %scan3A_496 = %scan3A_410 to %scan3A_412 step %scan3A_413 iter_args(%scan3A_497 = %scan3A_409) -> (i32)  : i32 {
        %get3A = arith.index_cast %scan3A_496 : i32 to index
        %get3A_498 = arith.constant 0 : index
        %get3A_499 = tpu.vector_load %arg19[%get3A, %get3A_498] {strides = array<i32>} : memref<40x128xf32, #tpu.memory_space<vmem>>, vector<1x16xf32>,
        %get3A_500 = vector.shape_cast %get3A_499 : vector<1x16xf32> to vector<16xf32>
        %max3A = arith.constant 0.000000e+00 : f32
        %max3A_501 = vector.broadcast %max3A : f32 to vector<16xf32>
        %max3A_502 = arith.maximumf %get3A_500, %max3A_501 : vector<16xf32>
        %swap3A = arith.index_cast %scan3A_496 : i32 to index
        %swap3A_503 = arith.constant 0 : index
        %swap3A_504 = tpu.vector_load %arg19[%swap3A, %swap3A_503] {strides = array<i32>} : memref<40x128xf32, #tpu.memory_space<vmem>>, vector<1x16xf32>,
        %swap3A_505 = vector.shape_cast %swap3A_504 : vector<1x16xf32> to vector<16xf32>
        %swap3A_506 = vector.shape_cast %max3A_502 : vector<16xf32> to vector<1x16xf32>
        tpu.vector_store %arg19[%swap3A, %swap3A_503], %swap3A_506 {strides = array<i32>} : memref<40x128xf32, #tpu.memory_space<vmem>>, vector<1x16xf32>,
        %get3A_507 = arith.index_cast %scan3A_496 : i32 to index
        %get3A_508 = arith.constant 16 : index
        %get3A_509 = tpu.vector_load %arg19[%get3A_507, %get3A_508] {strides = array<i32>} : memref<40x128xf32, #tpu.memory_space<vmem>>, vector<1x16xf32>,
        %get3A_510 = vector.shape_cast %get3A_509 : vector<1x16xf32> to vector<16xf32>
        %max3A_511 = arith.constant 0.000000e+00 : f32
        %max3A_512 = vector.broadcast %max3A_511 : f32 to vector<16xf32>
        %max3A_513 = arith.maximumf %get3A_510, %max3A_512 : vector<16xf32>
        %swap3A_514 = arith.index_cast %scan3A_496 : i32 to index
        %swap3A_515 = arith.constant 16 : index
        %swap3A_516 = tpu.vector_load %arg19[%swap3A_514, %swap3A_515] {strides = array<i32>} : memref<40x128xf32, #tpu.memory_space<vmem>>, vector<1x16xf32>,
        %swap3A_517 = vector.shape_cast %swap3A_516 : vector<1x16xf32> to vector<16xf32>
        %swap3A_518 = vector.shape_cast %max3A_513 : vector<16xf32> to vector<1x16xf32>
        tpu.vector_store %arg19[%swap3A_514, %swap3A_515], %swap3A_518 {strides = array<i32>} : memref<40x128xf32, #tpu.memory_space<vmem>>, vector<1x16xf32>,
        %get3A_519 = arith.index_cast %scan3A_496 : i32 to index
        %get3A_520 = arith.constant 32 : index
        %get3A_521 = tpu.vector_load %arg19[%get3A_519, %get3A_520] {strides = array<i32>} : memref<40x128xf32, #tpu.memory_space<vmem>>, vector<1x16xf32>,
        %get3A_522 = vector.shape_cast %get3A_521 : vector<1x16xf32> to vector<16xf32>
        %max3A_523 = arith.constant 0.000000e+00 : f32
        %max3A_524 = vector.broadcast %max3A_523 : f32 to vector<16xf32>
        %max3A_525 = arith.maximumf %get3A_522, %max3A_524 : vector<16xf32>
        %swap3A_526 = arith.index_cast %scan3A_496 : i32 to index
        %swap3A_527 = arith.constant 32 : index
        %swap3A_528 = tpu.vector_load %arg19[%swap3A_526, %swap3A_527] {strides = array<i32>} : memref<40x128xf32, #tpu.memory_space<vmem>>, vector<1x16xf32>,
        %swap3A_529 = vector.shape_cast %swap3A_528 : vector<1x16xf32> to vector<16xf32>
        %swap3A_530 = vector.shape_cast %max3A_525 : vector<16xf32> to vector<1x16xf32>
        tpu.vector_store %arg19[%swap3A_526, %swap3A_527], %swap3A_530 {strides = array<i32>} : memref<40x128xf32, #tpu.memory_space<vmem>>, vector<1x16xf32>,
        %get3A_531 = arith.index_cast %scan3A_496 : i32 to index
        %get3A_532 = arith.constant 48 : index
        %get3A_533 = tpu.vector_load %arg19[%get3A_531, %get3A_532] {strides = array<i32>} : memref<40x128xf32, #tpu.memory_space<vmem>>, vector<1x16xf32>,
        %get3A_534 = vector.shape_cast %get3A_533 : vector<1x16xf32> to vector<16xf32>
        %max3A_535 = arith.constant 0.000000e+00 : f32
        %max3A_536 = vector.broadcast %max3A_535 : f32 to vector<16xf32>
        %max3A_537 = arith.maximumf %get3A_534, %max3A_536 : vector<16xf32>
        %swap3A_538 = arith.index_cast %scan3A_496 : i32 to index
        %swap3A_539 = arith.constant 48 : index
        %swap3A_540 = tpu.vector_load %arg19[%swap3A_538, %swap3A_539] {strides = array<i32>} : memref<40x128xf32, #tpu.memory_space<vmem>>, vector<1x16xf32>,
        %swap3A_541 = vector.shape_cast %swap3A_540 : vector<1x16xf32> to vector<16xf32>
        %swap3A_542 = vector.shape_cast %max3A_537 : vector<16xf32> to vector<1x16xf32>
        tpu.vector_store %arg19[%swap3A_538, %swap3A_539], %swap3A_542 {strides = array<i32>} : memref<40x128xf32, #tpu.memory_space<vmem>>, vector<1x16xf32>,
        %get3A_543 = arith.index_cast %scan3A_496 : i32 to index
        %get3A_544 = arith.constant 64 : index
        %get3A_545 = tpu.vector_load %arg19[%get3A_543, %get3A_544] {strides = array<i32>} : memref<40x128xf32, #tpu.memory_space<vmem>>, vector<1x16xf32>,
        %get3A_546 = vector.shape_cast %get3A_545 : vector<1x16xf32> to vector<16xf32>
        %max3A_547 = arith.constant 0.000000e+00 : f32
        %max3A_548 = vector.broadcast %max3A_547 : f32 to vector<16xf32>
        %max3A_549 = arith.maximumf %get3A_546, %max3A_548 : vector<16xf32>
        %swap3A_550 = arith.index_cast %scan3A_496 : i32 to index
        %swap3A_551 = arith.constant 64 : index
        %swap3A_552 = tpu.vector_load %arg19[%swap3A_550, %swap3A_551] {strides = array<i32>} : memref<40x128xf32, #tpu.memory_space<vmem>>, vector<1x16xf32>,
        %swap3A_553 = vector.shape_cast %swap3A_552 : vector<1x16xf32> to vector<16xf32>
        %swap3A_554 = vector.shape_cast %max3A_549 : vector<16xf32> to vector<1x16xf32>
        tpu.vector_store %arg19[%swap3A_550, %swap3A_551], %swap3A_554 {strides = array<i32>} : memref<40x128xf32, #tpu.memory_space<vmem>>, vector<1x16xf32>,
        %get3A_555 = arith.index_cast %scan3A_496 : i32 to index
        %get3A_556 = arith.constant 80 : index
        %get3A_557 = tpu.vector_load %arg19[%get3A_555, %get3A_556] {strides = array<i32>} : memref<40x128xf32, #tpu.memory_space<vmem>>, vector<1x16xf32>,
        %get3A_558 = vector.shape_cast %get3A_557 : vector<1x16xf32> to vector<16xf32>
        %max3A_559 = arith.constant 0.000000e+00 : f32
        %max3A_560 = vector.broadcast %max3A_559 : f32 to vector<16xf32>
        %max3A_561 = arith.maximumf %get3A_558, %max3A_560 : vector<16xf32>
        %swap3A_562 = arith.index_cast %scan3A_496 : i32 to index
        %swap3A_563 = arith.constant 80 : index
        %swap3A_564 = tpu.vector_load %arg19[%swap3A_562, %swap3A_563] {strides = array<i32>} : memref<40x128xf32, #tpu.memory_space<vmem>>, vector<1x16xf32>,
        %swap3A_565 = vector.shape_cast %swap3A_564 : vector<1x16xf32> to vector<16xf32>
        %swap3A_566 = vector.shape_cast %max3A_561 : vector<16xf32> to vector<1x16xf32>
        tpu.vector_store %arg19[%swap3A_562, %swap3A_563], %swap3A_566 {strides = array<i32>} : memref<40x128xf32, #tpu.memory_space<vmem>>, vector<1x16xf32>,
        %get3A_567 = arith.index_cast %scan3A_496 : i32 to index
        %get3A_568 = arith.constant 96 : index
        %get3A_569 = tpu.vector_load %arg19[%get3A_567, %get3A_568] {strides = array<i32>} : memref<40x128xf32, #tpu.memory_space<vmem>>, vector<1x16xf32>,
        %get3A_570 = vector.shape_cast %get3A_569 : vector<1x16xf32> to vector<16xf32>
        %max3A_571 = arith.constant 0.000000e+00 : f32
        %max3A_572 = vector.broadcast %max3A_571 : f32 to vector<16xf32>
        %max3A_573 = arith.maximumf %get3A_570, %max3A_572 : vector<16xf32>
        %swap3A_574 = arith.index_cast %scan3A_496 : i32 to index
        %swap3A_575 = arith.constant 96 : index
        %swap3A_576 = tpu.vector_load %arg19[%swap3A_574, %swap3A_575] {strides = array<i32>} : memref<40x128xf32, #tpu.memory_space<vmem>>, vector<1x16xf32>,
        %swap3A_577 = vector.shape_cast %swap3A_576 : vector<1x16xf32> to vector<16xf32>
        %swap3A_578 = vector.shape_cast %max3A_573 : vector<16xf32> to vector<1x16xf32>
        tpu.vector_store %arg19[%swap3A_574, %swap3A_575], %swap3A_578 {strides = array<i32>} : memref<40x128xf32, #tpu.memory_space<vmem>>, vector<1x16xf32>,
        %get3A_579 = arith.index_cast %scan3A_496 : i32 to index
        %get3A_580 = arith.constant 112 : index
        %get3A_581 = tpu.vector_load %arg19[%get3A_579, %get3A_580] {strides = array<i32>} : memref<40x128xf32, #tpu.memory_space<vmem>>, vector<1x16xf32>,
        %get3A_582 = vector.shape_cast %get3A_581 : vector<1x16xf32> to vector<16xf32>
        %max3A_583 = arith.constant 0.000000e+00 : f32
        %max3A_584 = vector.broadcast %max3A_583 : f32 to vector<16xf32>
        %max3A_585 = arith.maximumf %get3A_582, %max3A_584 : vector<16xf32>
        %swap3A_586 = arith.index_cast %scan3A_496 : i32 to index
        %swap3A_587 = arith.constant 112 : index
        %swap3A_588 = tpu.vector_load %arg19[%swap3A_586, %swap3A_587] {strides = array<i32>} : memref<40x128xf32, #tpu.memory_space<vmem>>, vector<1x16xf32>,
        %swap3A_589 = vector.shape_cast %swap3A_588 : vector<1x16xf32> to vector<16xf32>
        %swap3A_590 = vector.shape_cast %max3A_585 : vector<16xf32> to vector<1x16xf32>
        tpu.vector_store %arg19[%swap3A_586, %swap3A_587], %swap3A_590 {strides = array<i32>} : memref<40x128xf32, #tpu.memory_space<vmem>>, vector<1x16xf32>,
        %scan3A_591 = arith.constant 0 : i32
        scf.yield %scan3A_591 : i32
      }
      %scan3A_415 = arith.constant 40 : i32
      %dma_start3A_416 = arith.constant 0 : i32
      %dma_start3A_417 = arith.constant 0 : i32
      %dma_start3A_418 = tpu.memref_slice %arg22[%dma_start3A_416, %dma_start3A_417] : memref<10000x128xf32, #tpu.memory_space<vmem_shared>> -> memref<10000x128xf32, #tpu.memory_space<vmem_shared>>
      tpu.enqueue_indirect_dma source(%arg19 : memref<40x128xf32, #tpu.memory_space<vmem>>) target(%dma_start3A_418 : memref<10000x128xf32, #tpu.memory_space<vmem_shared>>) offsets(%arg14 : memref<40xi32, #tpu.memory_space<vmem>>) semaphore(%arg35 : memref<!tpu.dma_semaphore, #tpu.memory_space<semaphore_mem>>) {add = true}
      %mul3A_419 = arith.constant 5 : i32
      %mul3A_420 = arith.muli %scan3A_305, %mul3A_419 : i32
      %add3A_421 = arith.constant 3 : i32
      %add3A_422 = arith.addi %mul3A_420, %add3A_421 : i32
      %gt3A_423 = arith.constant 0 : i32
      %gt3A_424 = arith.cmpi sgt, %add3A_422, %gt3A_423 : i32
      %convert_element_type3A_425 = arith.extui %gt3A_424 : i1 to i32
      %cond3A_426 = arith.constant 0 : i32
      %cond3A_427 = arith.cmpi ne, %convert_element_type3A_425, %cond3A_426 : i32
      scf.if %cond3A_427 {
        %dma_wait3A_496 = arith.constant 0 : i32
        %dma_wait3A_497 = arith.constant 0 : i32
        %dma_wait3A_498 = tpu.memref_slice %arg22[%dma_wait3A_496, %dma_wait3A_497] : memref<10000x128xf32, #tpu.memory_space<vmem_shared>> -> memref<10000x128xf32, #tpu.memory_space<vmem_shared>>
        tpu.wait_indirect_dma semaphore(%arg35 : memref<!tpu.dma_semaphore, #tpu.memory_space<semaphore_mem>>) src(%arg19 : memref<40x128xf32, #tpu.memory_space<vmem>>) dst(%dma_wait3A_498 : memref<10000x128xf32, #tpu.memory_space<vmem_shared>>)
      } else {
      }
      %add3A_428 = arith.constant 5 : i32
      %add3A_429 = arith.addi %add3A_422, %add3A_428 : i32
      %sub3A_430 = arith.constant 1 : i32
      %sub3A_431 = arith.subi %add3A_429, %sub3A_430 : i32
      %lt3A_432 = arith.constant 250 : i32
      %lt3A_433 = arith.cmpi slt, %sub3A_431, %lt3A_432 : i32
      %convert_element_type3A_434 = arith.extui %lt3A_433 : i1 to i32
      %cond3A_435 = arith.constant 0 : i32
      %cond3A_436 = arith.cmpi ne, %convert_element_type3A_434, %cond3A_435 : i32
      scf.if %cond3A_436 {
        %add3A_496 = arith.constant 5 : i32
        %add3A_497 = arith.addi %add3A_422, %add3A_496 : i32
        %sub3A_498 = arith.constant 1 : i32
        %sub3A_499 = arith.subi %add3A_497, %sub3A_498 : i32
        %mul3A_500 = arith.constant 40 : i32
        %mul3A_501 = arith.muli %sub3A_499, %mul3A_500 : i32
        %add3A_502 = arith.addi %mul3A_2, %mul3A_501 : i32
        %dma_start3A_503 = tpu.memref_slice %arg3[%add3A_502] : memref<320000xi32, #tpu.memory_space<hbm>> -> memref<40xi32, #tpu.memory_space<hbm>>
        %dma_start3A_504 = tpu.memref_slice %arg3[%add3A_502] : memref<320000xi32, #tpu.memory_space<hbm>> -> memref<40xi32, #tpu.memory_space<hbm>>
        tpu.enqueue_dma source(%dma_start3A_504 : memref<40xi32, #tpu.memory_space<hbm>>) target(%arg9 : memref<40xi32, #tpu.memory_space<vmem>>) target_semaphore(%arg25 : memref<!tpu.dma_semaphore, #tpu.memory_space<semaphore_mem>>)
        %dma_start3A_505 = tpu.memref_slice %arg4[%add3A_502] : memref<320000xi32, #tpu.memory_space<hbm>> -> memref<40xi32, #tpu.memory_space<hbm>>
        %dma_start3A_506 = tpu.memref_slice %arg4[%add3A_502] : memref<320000xi32, #tpu.memory_space<hbm>> -> memref<40xi32, #tpu.memory_space<hbm>>
        tpu.enqueue_dma source(%dma_start3A_506 : memref<40xi32, #tpu.memory_space<hbm>>) target(%arg14 : memref<40xi32, #tpu.memory_space<vmem>>) target_semaphore(%arg25 : memref<!tpu.dma_semaphore, #tpu.memory_space<semaphore_mem>>)
        %dma_start3A_507 = arith.constant 0 : i32
        %dma_start3A_508 = tpu.memref_slice %arg5[%add3A_502, %dma_start3A_507] : memref<320000x128xf32, #tpu.memory_space<hbm>> -> memref<40x128xf32, #tpu.memory_space<hbm>>
        %dma_start3A_509 = arith.constant 0 : i32
        %dma_start3A_510 = tpu.memref_slice %arg5[%add3A_502, %dma_start3A_509] : memref<320000x128xf32, #tpu.memory_space<hbm>> -> memref<40x128xf32, #tpu.memory_space<hbm>>
        tpu.enqueue_dma source(%dma_start3A_510 : memref<40x128xf32, #tpu.memory_space<hbm>>) target(%arg19 : memref<40x128xf32, #tpu.memory_space<vmem>>) target_semaphore(%arg25 : memref<!tpu.dma_semaphore, #tpu.memory_space<semaphore_mem>>)
      } else {
      }
      %add3A_437 = arith.constant 2 : i32
      %add3A_438 = arith.addi %add3A_422, %add3A_437 : i32
      %lt3A_439 = arith.constant 250 : i32
      %lt3A_440 = arith.cmpi slt, %add3A_438, %lt3A_439 : i32
      %convert_element_type3A_441 = arith.extui %lt3A_440 : i1 to i32
      %cond3A_442 = arith.constant 0 : i32
      %cond3A_443 = arith.cmpi ne, %convert_element_type3A_441, %cond3A_442 : i32
      scf.if %cond3A_443 {
        %add3A_496 = arith.constant 2 : i32
        %add3A_497 = arith.addi %add3A_422, %add3A_496 : i32
        %mul3A_498 = arith.constant 40 : i32
        %mul3A_499 = arith.muli %add3A_497, %mul3A_498 : i32
        %add3A_500 = arith.addi %mul3A_2, %mul3A_499 : i32
        %dma_wait3A_501 = tpu.memref_slice %arg3[%add3A_500] : memref<320000xi32, #tpu.memory_space<hbm>> -> memref<40xi32, #tpu.memory_space<hbm>>
        %dma_wait3A_502 = tpu.memref_slice %arg3[%add3A_500] : memref<320000xi32, #tpu.memory_space<hbm>> -> memref<40xi32, #tpu.memory_space<hbm>>
        tpu.wait_dma2 semaphore(%arg23 : memref<!tpu.dma_semaphore, #tpu.memory_space<semaphore_mem>>) src(%dma_wait3A_502 : memref<40xi32, #tpu.memory_space<hbm>>) dst(%arg7 : memref<40xi32, #tpu.memory_space<vmem>>)
        %dma_wait3A_503 = tpu.memref_slice %arg4[%add3A_500] : memref<320000xi32, #tpu.memory_space<hbm>> -> memref<40xi32, #tpu.memory_space<hbm>>
        %dma_wait3A_504 = tpu.memref_slice %arg4[%add3A_500] : memref<320000xi32, #tpu.memory_space<hbm>> -> memref<40xi32, #tpu.memory_space<hbm>>
        tpu.wait_dma2 semaphore(%arg23 : memref<!tpu.dma_semaphore, #tpu.memory_space<semaphore_mem>>) src(%dma_wait3A_504 : memref<40xi32, #tpu.memory_space<hbm>>) dst(%arg12 : memref<40xi32, #tpu.memory_space<vmem>>)
        %dma_wait3A_505 = arith.constant 0 : i32
        %dma_wait3A_506 = tpu.memref_slice %arg5[%add3A_500, %dma_wait3A_505] : memref<320000x128xf32, #tpu.memory_space<hbm>> -> memref<40x128xf32, #tpu.memory_space<hbm>>
        %dma_wait3A_507 = arith.constant 0 : i32
        %dma_wait3A_508 = tpu.memref_slice %arg5[%add3A_500, %dma_wait3A_507] : memref<320000x128xf32, #tpu.memory_space<hbm>> -> memref<40x128xf32, #tpu.memory_space<hbm>>
        tpu.wait_dma2 semaphore(%arg23 : memref<!tpu.dma_semaphore, #tpu.memory_space<semaphore_mem>>) src(%dma_wait3A_508 : memref<40x128xf32, #tpu.memory_space<hbm>>) dst(%arg17 : memref<40x128xf32, #tpu.memory_space<vmem>>)
        %dma_start3A_509 = arith.constant 0 : i32
        %dma_start3A_510 = arith.constant 0 : i32
        %dma_start3A_511 = tpu.memref_slice %arg2[%dma_start3A_509, %dma_start3A_510] : memref<10000x128xf32, #tpu.memory_space<hbm>> -> memref<10000x128xf32, #tpu.memory_space<hbm>>
        tpu.enqueue_indirect_dma source(%dma_start3A_511 : memref<10000x128xf32, #tpu.memory_space<hbm>>) target(%arg17 : memref<40x128xf32, #tpu.memory_space<vmem>>) offsets(%arg7 : memref<40xi32, #tpu.memory_space<vmem>>) semaphore(%arg28 : memref<!tpu.dma_semaphore, #tpu.memory_space<semaphore_mem>>) {add = true}
      } else {
      }
      %dma_wait3A_444 = arith.constant 0 : i32
      %dma_wait3A_445 = arith.constant 0 : i32
      %dma_wait3A_446 = tpu.memref_slice %arg2[%dma_wait3A_444, %dma_wait3A_445] : memref<10000x128xf32, #tpu.memory_space<hbm>> -> memref<10000x128xf32, #tpu.memory_space<hbm>>
      tpu.wait_indirect_dma semaphore(%arg31 : memref<!tpu.dma_semaphore, #tpu.memory_space<semaphore_mem>>) src(%dma_wait3A_446 : memref<10000x128xf32, #tpu.memory_space<hbm>>) dst(%arg20 : memref<40x128xf32, #tpu.memory_space<vmem>>)
      %scan3A_447 = arith.constant 0 : i32
      %scan3A_448 = arith.constant 0 : i32
      %scan3A_449 = arith.constant 40 : i32
      %scan3A_450 = arith.addi %scan3A_448, %scan3A_449 : i32
      %scan3A_451 = arith.constant 1 : i32
      %scan3A_452 = scf.for %scan3A_496 = %scan3A_448 to %scan3A_450 step %scan3A_451 iter_args(%scan3A_497 = %scan3A_447) -> (i32)  : i32 {
        %get3A = arith.index_cast %scan3A_496 : i32 to index
        %get3A_498 = arith.constant 0 : index
        %get3A_499 = tpu.vector_load %arg20[%get3A, %get3A_498] {strides = array<i32>} : memref<40x128xf32, #tpu.memory_space<vmem>>, vector<1x16xf32>,
        %get3A_500 = vector.shape_cast %get3A_499 : vector<1x16xf32> to vector<16xf32>
        %max3A = arith.constant 0.000000e+00 : f32
        %max3A_501 = vector.broadcast %max3A : f32 to vector<16xf32>
        %max3A_502 = arith.maximumf %get3A_500, %max3A_501 : vector<16xf32>
        %swap3A = arith.index_cast %scan3A_496 : i32 to index
        %swap3A_503 = arith.constant 0 : index
        %swap3A_504 = tpu.vector_load %arg20[%swap3A, %swap3A_503] {strides = array<i32>} : memref<40x128xf32, #tpu.memory_space<vmem>>, vector<1x16xf32>,
        %swap3A_505 = vector.shape_cast %swap3A_504 : vector<1x16xf32> to vector<16xf32>
        %swap3A_506 = vector.shape_cast %max3A_502 : vector<16xf32> to vector<1x16xf32>
        tpu.vector_store %arg20[%swap3A, %swap3A_503], %swap3A_506 {strides = array<i32>} : memref<40x128xf32, #tpu.memory_space<vmem>>, vector<1x16xf32>,
        %get3A_507 = arith.index_cast %scan3A_496 : i32 to index
        %get3A_508 = arith.constant 16 : index
        %get3A_509 = tpu.vector_load %arg20[%get3A_507, %get3A_508] {strides = array<i32>} : memref<40x128xf32, #tpu.memory_space<vmem>>, vector<1x16xf32>,
        %get3A_510 = vector.shape_cast %get3A_509 : vector<1x16xf32> to vector<16xf32>
        %max3A_511 = arith.constant 0.000000e+00 : f32
        %max3A_512 = vector.broadcast %max3A_511 : f32 to vector<16xf32>
        %max3A_513 = arith.maximumf %get3A_510, %max3A_512 : vector<16xf32>
        %swap3A_514 = arith.index_cast %scan3A_496 : i32 to index
        %swap3A_515 = arith.constant 16 : index
        %swap3A_516 = tpu.vector_load %arg20[%swap3A_514, %swap3A_515] {strides = array<i32>} : memref<40x128xf32, #tpu.memory_space<vmem>>, vector<1x16xf32>,
        %swap3A_517 = vector.shape_cast %swap3A_516 : vector<1x16xf32> to vector<16xf32>
        %swap3A_518 = vector.shape_cast %max3A_513 : vector<16xf32> to vector<1x16xf32>
        tpu.vector_store %arg20[%swap3A_514, %swap3A_515], %swap3A_518 {strides = array<i32>} : memref<40x128xf32, #tpu.memory_space<vmem>>, vector<1x16xf32>,
        %get3A_519 = arith.index_cast %scan3A_496 : i32 to index
        %get3A_520 = arith.constant 32 : index
        %get3A_521 = tpu.vector_load %arg20[%get3A_519, %get3A_520] {strides = array<i32>} : memref<40x128xf32, #tpu.memory_space<vmem>>, vector<1x16xf32>,
        %get3A_522 = vector.shape_cast %get3A_521 : vector<1x16xf32> to vector<16xf32>
        %max3A_523 = arith.constant 0.000000e+00 : f32
        %max3A_524 = vector.broadcast %max3A_523 : f32 to vector<16xf32>
        %max3A_525 = arith.maximumf %get3A_522, %max3A_524 : vector<16xf32>
        %swap3A_526 = arith.index_cast %scan3A_496 : i32 to index
        %swap3A_527 = arith.constant 32 : index
        %swap3A_528 = tpu.vector_load %arg20[%swap3A_526, %swap3A_527] {strides = array<i32>} : memref<40x128xf32, #tpu.memory_space<vmem>>, vector<1x16xf32>,
        %swap3A_529 = vector.shape_cast %swap3A_528 : vector<1x16xf32> to vector<16xf32>
        %swap3A_530 = vector.shape_cast %max3A_525 : vector<16xf32> to vector<1x16xf32>
        tpu.vector_store %arg20[%swap3A_526, %swap3A_527], %swap3A_530 {strides = array<i32>} : memref<40x128xf32, #tpu.memory_space<vmem>>, vector<1x16xf32>,
        %get3A_531 = arith.index_cast %scan3A_496 : i32 to index
        %get3A_532 = arith.constant 48 : index
        %get3A_533 = tpu.vector_load %arg20[%get3A_531, %get3A_532] {strides = array<i32>} : memref<40x128xf32, #tpu.memory_space<vmem>>, vector<1x16xf32>,
        %get3A_534 = vector.shape_cast %get3A_533 : vector<1x16xf32> to vector<16xf32>
        %max3A_535 = arith.constant 0.000000e+00 : f32
        %max3A_536 = vector.broadcast %max3A_535 : f32 to vector<16xf32>
        %max3A_537 = arith.maximumf %get3A_534, %max3A_536 : vector<16xf32>
        %swap3A_538 = arith.index_cast %scan3A_496 : i32 to index
        %swap3A_539 = arith.constant 48 : index
        %swap3A_540 = tpu.vector_load %arg20[%swap3A_538, %swap3A_539] {strides = array<i32>} : memref<40x128xf32, #tpu.memory_space<vmem>>, vector<1x16xf32>,
        %swap3A_541 = vector.shape_cast %swap3A_540 : vector<1x16xf32> to vector<16xf32>
        %swap3A_542 = vector.shape_cast %max3A_537 : vector<16xf32> to vector<1x16xf32>
        tpu.vector_store %arg20[%swap3A_538, %swap3A_539], %swap3A_542 {strides = array<i32>} : memref<40x128xf32, #tpu.memory_space<vmem>>, vector<1x16xf32>,
        %get3A_543 = arith.index_cast %scan3A_496 : i32 to index
        %get3A_544 = arith.constant 64 : index
        %get3A_545 = tpu.vector_load %arg20[%get3A_543, %get3A_544] {strides = array<i32>} : memref<40x128xf32, #tpu.memory_space<vmem>>, vector<1x16xf32>,
        %get3A_546 = vector.shape_cast %get3A_545 : vector<1x16xf32> to vector<16xf32>
        %max3A_547 = arith.constant 0.000000e+00 : f32
        %max3A_548 = vector.broadcast %max3A_547 : f32 to vector<16xf32>
        %max3A_549 = arith.maximumf %get3A_546, %max3A_548 : vector<16xf32>
        %swap3A_550 = arith.index_cast %scan3A_496 : i32 to index
        %swap3A_551 = arith.constant 64 : index
        %swap3A_552 = tpu.vector_load %arg20[%swap3A_550, %swap3A_551] {strides = array<i32>} : memref<40x128xf32, #tpu.memory_space<vmem>>, vector<1x16xf32>,
        %swap3A_553 = vector.shape_cast %swap3A_552 : vector<1x16xf32> to vector<16xf32>
        %swap3A_554 = vector.shape_cast %max3A_549 : vector<16xf32> to vector<1x16xf32>
        tpu.vector_store %arg20[%swap3A_550, %swap3A_551], %swap3A_554 {strides = array<i32>} : memref<40x128xf32, #tpu.memory_space<vmem>>, vector<1x16xf32>,
        %get3A_555 = arith.index_cast %scan3A_496 : i32 to index
        %get3A_556 = arith.constant 80 : index
        %get3A_557 = tpu.vector_load %arg20[%get3A_555, %get3A_556] {strides = array<i32>} : memref<40x128xf32, #tpu.memory_space<vmem>>, vector<1x16xf32>,
        %get3A_558 = vector.shape_cast %get3A_557 : vector<1x16xf32> to vector<16xf32>
        %max3A_559 = arith.constant 0.000000e+00 : f32
        %max3A_560 = vector.broadcast %max3A_559 : f32 to vector<16xf32>
        %max3A_561 = arith.maximumf %get3A_558, %max3A_560 : vector<16xf32>
        %swap3A_562 = arith.index_cast %scan3A_496 : i32 to index
        %swap3A_563 = arith.constant 80 : index
        %swap3A_564 = tpu.vector_load %arg20[%swap3A_562, %swap3A_563] {strides = array<i32>} : memref<40x128xf32, #tpu.memory_space<vmem>>, vector<1x16xf32>,
        %swap3A_565 = vector.shape_cast %swap3A_564 : vector<1x16xf32> to vector<16xf32>
        %swap3A_566 = vector.shape_cast %max3A_561 : vector<16xf32> to vector<1x16xf32>
        tpu.vector_store %arg20[%swap3A_562, %swap3A_563], %swap3A_566 {strides = array<i32>} : memref<40x128xf32, #tpu.memory_space<vmem>>, vector<1x16xf32>,
        %get3A_567 = arith.index_cast %scan3A_496 : i32 to index
        %get3A_568 = arith.constant 96 : index
        %get3A_569 = tpu.vector_load %arg20[%get3A_567, %get3A_568] {strides = array<i32>} : memref<40x128xf32, #tpu.memory_space<vmem>>, vector<1x16xf32>,
        %get3A_570 = vector.shape_cast %get3A_569 : vector<1x16xf32> to vector<16xf32>
        %max3A_571 = arith.constant 0.000000e+00 : f32
        %max3A_572 = vector.broadcast %max3A_571 : f32 to vector<16xf32>
        %max3A_573 = arith.maximumf %get3A_570, %max3A_572 : vector<16xf32>
        %swap3A_574 = arith.index_cast %scan3A_496 : i32 to index
        %swap3A_575 = arith.constant 96 : index
        %swap3A_576 = tpu.vector_load %arg20[%swap3A_574, %swap3A_575] {strides = array<i32>} : memref<40x128xf32, #tpu.memory_space<vmem>>, vector<1x16xf32>,
        %swap3A_577 = vector.shape_cast %swap3A_576 : vector<1x16xf32> to vector<16xf32>
        %swap3A_578 = vector.shape_cast %max3A_573 : vector<16xf32> to vector<1x16xf32>
        tpu.vector_store %arg20[%swap3A_574, %swap3A_575], %swap3A_578 {strides = array<i32>} : memref<40x128xf32, #tpu.memory_space<vmem>>, vector<1x16xf32>,
        %get3A_579 = arith.index_cast %scan3A_496 : i32 to index
        %get3A_580 = arith.constant 112 : index
        %get3A_581 = tpu.vector_load %arg20[%get3A_579, %get3A_580] {strides = array<i32>} : memref<40x128xf32, #tpu.memory_space<vmem>>, vector<1x16xf32>,
        %get3A_582 = vector.shape_cast %get3A_581 : vector<1x16xf32> to vector<16xf32>
        %max3A_583 = arith.constant 0.000000e+00 : f32
        %max3A_584 = vector.broadcast %max3A_583 : f32 to vector<16xf32>
        %max3A_585 = arith.maximumf %get3A_582, %max3A_584 : vector<16xf32>
        %swap3A_586 = arith.index_cast %scan3A_496 : i32 to index
        %swap3A_587 = arith.constant 112 : index
        %swap3A_588 = tpu.vector_load %arg20[%swap3A_586, %swap3A_587] {strides = array<i32>} : memref<40x128xf32, #tpu.memory_space<vmem>>, vector<1x16xf32>,
        %swap3A_589 = vector.shape_cast %swap3A_588 : vector<1x16xf32> to vector<16xf32>
        %swap3A_590 = vector.shape_cast %max3A_585 : vector<16xf32> to vector<1x16xf32>
        tpu.vector_store %arg20[%swap3A_586, %swap3A_587], %swap3A_590 {strides = array<i32>} : memref<40x128xf32, #tpu.memory_space<vmem>>, vector<1x16xf32>,
        %scan3A_591 = arith.constant 0 : i32
        scf.yield %scan3A_591 : i32
      }
      %scan3A_453 = arith.constant 40 : i32
      %dma_start3A_454 = arith.constant 0 : i32
      %dma_start3A_455 = arith.constant 0 : i32
      %dma_start3A_456 = tpu.memref_slice %arg22[%dma_start3A_454, %dma_start3A_455] : memref<10000x128xf32, #tpu.memory_space<vmem_shared>> -> memref<10000x128xf32, #tpu.memory_space<vmem_shared>>
      tpu.enqueue_indirect_dma source(%arg20 : memref<40x128xf32, #tpu.memory_space<vmem>>) target(%dma_start3A_456 : memref<10000x128xf32, #tpu.memory_space<vmem_shared>>) offsets(%arg15 : memref<40xi32, #tpu.memory_space<vmem>>) semaphore(%arg36 : memref<!tpu.dma_semaphore, #tpu.memory_space<semaphore_mem>>) {add = true}
      %mul3A_457 = arith.constant 5 : i32
      %mul3A_458 = arith.muli %scan3A_305, %mul3A_457 : i32
      %add3A_459 = arith.constant 4 : i32
      %add3A_460 = arith.addi %mul3A_458, %add3A_459 : i32
      %gt3A_461 = arith.constant 0 : i32
      %gt3A_462 = arith.cmpi sgt, %add3A_460, %gt3A_461 : i32
      %convert_element_type3A_463 = arith.extui %gt3A_462 : i1 to i32
      %cond3A_464 = arith.constant 0 : i32
      %cond3A_465 = arith.cmpi ne, %convert_element_type3A_463, %cond3A_464 : i32
      scf.if %cond3A_465 {
        %dma_wait3A_496 = arith.constant 0 : i32
        %dma_wait3A_497 = arith.constant 0 : i32
        %dma_wait3A_498 = tpu.memref_slice %arg22[%dma_wait3A_496, %dma_wait3A_497] : memref<10000x128xf32, #tpu.memory_space<vmem_shared>> -> memref<10000x128xf32, #tpu.memory_space<vmem_shared>>
        tpu.wait_indirect_dma semaphore(%arg36 : memref<!tpu.dma_semaphore, #tpu.memory_space<semaphore_mem>>) src(%arg20 : memref<40x128xf32, #tpu.memory_space<vmem>>) dst(%dma_wait3A_498 : memref<10000x128xf32, #tpu.memory_space<vmem_shared>>)
      } else {
      }
      %add3A_466 = arith.constant 5 : i32
      %add3A_467 = arith.addi %add3A_460, %add3A_466 : i32
      %sub3A_468 = arith.constant 1 : i32
      %sub3A_469 = arith.subi %add3A_467, %sub3A_468 : i32
      %lt3A_470 = arith.constant 250 : i32
      %lt3A_471 = arith.cmpi slt, %sub3A_469, %lt3A_470 : i32
      %convert_element_type3A_472 = arith.extui %lt3A_471 : i1 to i32
      %cond3A_473 = arith.constant 0 : i32
      %cond3A_474 = arith.cmpi ne, %convert_element_type3A_472, %cond3A_473 : i32
      scf.if %cond3A_474 {
        %add3A_496 = arith.constant 5 : i32
        %add3A_497 = arith.addi %add3A_460, %add3A_496 : i32
        %sub3A_498 = arith.constant 1 : i32
        %sub3A_499 = arith.subi %add3A_497, %sub3A_498 : i32
        %mul3A_500 = arith.constant 40 : i32
        %mul3A_501 = arith.muli %sub3A_499, %mul3A_500 : i32
        %add3A_502 = arith.addi %mul3A_2, %mul3A_501 : i32
        %dma_start3A_503 = tpu.memref_slice %arg3[%add3A_502] : memref<320000xi32, #tpu.memory_space<hbm>> -> memref<40xi32, #tpu.memory_space<hbm>>
        %dma_start3A_504 = tpu.memref_slice %arg3[%add3A_502] : memref<320000xi32, #tpu.memory_space<hbm>> -> memref<40xi32, #tpu.memory_space<hbm>>
        tpu.enqueue_dma source(%dma_start3A_504 : memref<40xi32, #tpu.memory_space<hbm>>) target(%arg10 : memref<40xi32, #tpu.memory_space<vmem>>) target_semaphore(%arg26 : memref<!tpu.dma_semaphore, #tpu.memory_space<semaphore_mem>>)
        %dma_start3A_505 = tpu.memref_slice %arg4[%add3A_502] : memref<320000xi32, #tpu.memory_space<hbm>> -> memref<40xi32, #tpu.memory_space<hbm>>
        %dma_start3A_506 = tpu.memref_slice %arg4[%add3A_502] : memref<320000xi32, #tpu.memory_space<hbm>> -> memref<40xi32, #tpu.memory_space<hbm>>
        tpu.enqueue_dma source(%dma_start3A_506 : memref<40xi32, #tpu.memory_space<hbm>>) target(%arg15 : memref<40xi32, #tpu.memory_space<vmem>>) target_semaphore(%arg26 : memref<!tpu.dma_semaphore, #tpu.memory_space<semaphore_mem>>)
        %dma_start3A_507 = arith.constant 0 : i32
        %dma_start3A_508 = tpu.memref_slice %arg5[%add3A_502, %dma_start3A_507] : memref<320000x128xf32, #tpu.memory_space<hbm>> -> memref<40x128xf32, #tpu.memory_space<hbm>>
        %dma_start3A_509 = arith.constant 0 : i32
        %dma_start3A_510 = tpu.memref_slice %arg5[%add3A_502, %dma_start3A_509] : memref<320000x128xf32, #tpu.memory_space<hbm>> -> memref<40x128xf32, #tpu.memory_space<hbm>>
        tpu.enqueue_dma source(%dma_start3A_510 : memref<40x128xf32, #tpu.memory_space<hbm>>) target(%arg20 : memref<40x128xf32, #tpu.memory_space<vmem>>) target_semaphore(%arg26 : memref<!tpu.dma_semaphore, #tpu.memory_space<semaphore_mem>>)
      } else {
      }
      %add3A_475 = arith.constant 2 : i32
      %add3A_476 = arith.addi %add3A_460, %add3A_475 : i32
      %lt3A_477 = arith.constant 250 : i32
      %lt3A_478 = arith.cmpi slt, %add3A_476, %lt3A_477 : i32
      %convert_element_type3A_479 = arith.extui %lt3A_478 : i1 to i32
      %cond3A_480 = arith.constant 0 : i32
      %cond3A_481 = arith.cmpi ne, %convert_element_type3A_479, %cond3A_480 : i32
      scf.if %cond3A_481 {
        %add3A_496 = arith.constant 2 : i32
        %add3A_497 = arith.addi %add3A_460, %add3A_496 : i32
        %mul3A_498 = arith.constant 40 : i32
        %mul3A_499 = arith.muli %add3A_497, %mul3A_498 : i32
        %add3A_500 = arith.addi %mul3A_2, %mul3A_499 : i32
        %dma_wait3A_501 = tpu.memref_slice %arg3[%add3A_500] : memref<320000xi32, #tpu.memory_space<hbm>> -> memref<40xi32, #tpu.memory_space<hbm>>
        %dma_wait3A_502 = tpu.memref_slice %arg3[%add3A_500] : memref<320000xi32, #tpu.memory_space<hbm>> -> memref<40xi32, #tpu.memory_space<hbm>>
        tpu.wait_dma2 semaphore(%arg24 : memref<!tpu.dma_semaphore, #tpu.memory_space<semaphore_mem>>) src(%dma_wait3A_502 : memref<40xi32, #tpu.memory_space<hbm>>) dst(%arg8 : memref<40xi32, #tpu.memory_space<vmem>>)
        %dma_wait3A_503 = tpu.memref_slice %arg4[%add3A_500] : memref<320000xi32, #tpu.memory_space<hbm>> -> memref<40xi32, #tpu.memory_space<hbm>>
        %dma_wait3A_504 = tpu.memref_slice %arg4[%add3A_500] : memref<320000xi32, #tpu.memory_space<hbm>> -> memref<40xi32, #tpu.memory_space<hbm>>
        tpu.wait_dma2 semaphore(%arg24 : memref<!tpu.dma_semaphore, #tpu.memory_space<semaphore_mem>>) src(%dma_wait3A_504 : memref<40xi32, #tpu.memory_space<hbm>>) dst(%arg13 : memref<40xi32, #tpu.memory_space<vmem>>)
        %dma_wait3A_505 = arith.constant 0 : i32
        %dma_wait3A_506 = tpu.memref_slice %arg5[%add3A_500, %dma_wait3A_505] : memref<320000x128xf32, #tpu.memory_space<hbm>> -> memref<40x128xf32, #tpu.memory_space<hbm>>
        %dma_wait3A_507 = arith.constant 0 : i32
        %dma_wait3A_508 = tpu.memref_slice %arg5[%add3A_500, %dma_wait3A_507] : memref<320000x128xf32, #tpu.memory_space<hbm>> -> memref<40x128xf32, #tpu.memory_space<hbm>>
        tpu.wait_dma2 semaphore(%arg24 : memref<!tpu.dma_semaphore, #tpu.memory_space<semaphore_mem>>) src(%dma_wait3A_508 : memref<40x128xf32, #tpu.memory_space<hbm>>) dst(%arg18 : memref<40x128xf32, #tpu.memory_space<vmem>>)
        %dma_start3A_509 = arith.constant 0 : i32
        %dma_start3A_510 = arith.constant 0 : i32
        %dma_start3A_511 = tpu.memref_slice %arg2[%dma_start3A_509, %dma_start3A_510] : memref<10000x128xf32, #tpu.memory_space<hbm>> -> memref<10000x128xf32, #tpu.memory_space<hbm>>
        tpu.enqueue_indirect_dma source(%dma_start3A_511 : memref<10000x128xf32, #tpu.memory_space<hbm>>) target(%arg18 : memref<40x128xf32, #tpu.memory_space<vmem>>) offsets(%arg8 : memref<40xi32, #tpu.memory_space<vmem>>) semaphore(%arg29 : memref<!tpu.dma_semaphore, #tpu.memory_space<semaphore_mem>>) {add = true}
      } else {
      }
      %dma_wait3A_482 = arith.constant 0 : i32
      %dma_wait3A_483 = arith.constant 0 : i32
      %dma_wait3A_484 = tpu.memref_slice %arg2[%dma_wait3A_482, %dma_wait3A_483] : memref<10000x128xf32, #tpu.memory_space<hbm>> -> memref<10000x128xf32, #tpu.memory_space<hbm>>
      tpu.wait_indirect_dma semaphore(%arg32 : memref<!tpu.dma_semaphore, #tpu.memory_space<semaphore_mem>>) src(%dma_wait3A_484 : memref<10000x128xf32, #tpu.memory_space<hbm>>) dst(%arg21 : memref<40x128xf32, #tpu.memory_space<vmem>>)
      %scan3A_485 = arith.constant 0 : i32
      %scan3A_486 = arith.constant 0 : i32
      %scan3A_487 = arith.constant 40 : i32
      %scan3A_488 = arith.addi %scan3A_486, %scan3A_487 : i32
      %scan3A_489 = arith.constant 1 : i32
      %scan3A_490 = scf.for %scan3A_496 = %scan3A_486 to %scan3A_488 step %scan3A_489 iter_args(%scan3A_497 = %scan3A_485) -> (i32)  : i32 {
        %get3A = arith.index_cast %scan3A_496 : i32 to index
        %get3A_498 = arith.constant 0 : index
        %get3A_499 = tpu.vector_load %arg21[%get3A, %get3A_498] {strides = array<i32>} : memref<40x128xf32, #tpu.memory_space<vmem>>, vector<1x16xf32>,
        %get3A_500 = vector.shape_cast %get3A_499 : vector<1x16xf32> to vector<16xf32>
        %max3A = arith.constant 0.000000e+00 : f32
        %max3A_501 = vector.broadcast %max3A : f32 to vector<16xf32>
        %max3A_502 = arith.maximumf %get3A_500, %max3A_501 : vector<16xf32>
        %swap3A = arith.index_cast %scan3A_496 : i32 to index
        %swap3A_503 = arith.constant 0 : index
        %swap3A_504 = tpu.vector_load %arg21[%swap3A, %swap3A_503] {strides = array<i32>} : memref<40x128xf32, #tpu.memory_space<vmem>>, vector<1x16xf32>,
        %swap3A_505 = vector.shape_cast %swap3A_504 : vector<1x16xf32> to vector<16xf32>
        %swap3A_506 = vector.shape_cast %max3A_502 : vector<16xf32> to vector<1x16xf32>
        tpu.vector_store %arg21[%swap3A, %swap3A_503], %swap3A_506 {strides = array<i32>} : memref<40x128xf32, #tpu.memory_space<vmem>>, vector<1x16xf32>,
        %get3A_507 = arith.index_cast %scan3A_496 : i32 to index
        %get3A_508 = arith.constant 16 : index
        %get3A_509 = tpu.vector_load %arg21[%get3A_507, %get3A_508] {strides = array<i32>} : memref<40x128xf32, #tpu.memory_space<vmem>>, vector<1x16xf32>,
        %get3A_510 = vector.shape_cast %get3A_509 : vector<1x16xf32> to vector<16xf32>
        %max3A_511 = arith.constant 0.000000e+00 : f32
        %max3A_512 = vector.broadcast %max3A_511 : f32 to vector<16xf32>
        %max3A_513 = arith.maximumf %get3A_510, %max3A_512 : vector<16xf32>
        %swap3A_514 = arith.index_cast %scan3A_496 : i32 to index
        %swap3A_515 = arith.constant 16 : index
        %swap3A_516 = tpu.vector_load %arg21[%swap3A_514, %swap3A_515] {strides = array<i32>} : memref<40x128xf32, #tpu.memory_space<vmem>>, vector<1x16xf32>,
        %swap3A_517 = vector.shape_cast %swap3A_516 : vector<1x16xf32> to vector<16xf32>
        %swap3A_518 = vector.shape_cast %max3A_513 : vector<16xf32> to vector<1x16xf32>
        tpu.vector_store %arg21[%swap3A_514, %swap3A_515], %swap3A_518 {strides = array<i32>} : memref<40x128xf32, #tpu.memory_space<vmem>>, vector<1x16xf32>,
        %get3A_519 = arith.index_cast %scan3A_496 : i32 to index
        %get3A_520 = arith.constant 32 : index
        %get3A_521 = tpu.vector_load %arg21[%get3A_519, %get3A_520] {strides = array<i32>} : memref<40x128xf32, #tpu.memory_space<vmem>>, vector<1x16xf32>,
        %get3A_522 = vector.shape_cast %get3A_521 : vector<1x16xf32> to vector<16xf32>
        %max3A_523 = arith.constant 0.000000e+00 : f32
        %max3A_524 = vector.broadcast %max3A_523 : f32 to vector<16xf32>
        %max3A_525 = arith.maximumf %get3A_522, %max3A_524 : vector<16xf32>
        %swap3A_526 = arith.index_cast %scan3A_496 : i32 to index
        %swap3A_527 = arith.constant 32 : index
        %swap3A_528 = tpu.vector_load %arg21[%swap3A_526, %swap3A_527] {strides = array<i32>} : memref<40x128xf32, #tpu.memory_space<vmem>>, vector<1x16xf32>,
        %swap3A_529 = vector.shape_cast %swap3A_528 : vector<1x16xf32> to vector<16xf32>
        %swap3A_530 = vector.shape_cast %max3A_525 : vector<16xf32> to vector<1x16xf32>
        tpu.vector_store %arg21[%swap3A_526, %swap3A_527], %swap3A_530 {strides = array<i32>} : memref<40x128xf32, #tpu.memory_space<vmem>>, vector<1x16xf32>,
        %get3A_531 = arith.index_cast %scan3A_496 : i32 to index
        %get3A_532 = arith.constant 48 : index
        %get3A_533 = tpu.vector_load %arg21[%get3A_531, %get3A_532] {strides = array<i32>} : memref<40x128xf32, #tpu.memory_space<vmem>>, vector<1x16xf32>,
        %get3A_534 = vector.shape_cast %get3A_533 : vector<1x16xf32> to vector<16xf32>
        %max3A_535 = arith.constant 0.000000e+00 : f32
        %max3A_536 = vector.broadcast %max3A_535 : f32 to vector<16xf32>
        %max3A_537 = arith.maximumf %get3A_534, %max3A_536 : vector<16xf32>
        %swap3A_538 = arith.index_cast %scan3A_496 : i32 to index
        %swap3A_539 = arith.constant 48 : index
        %swap3A_540 = tpu.vector_load %arg21[%swap3A_538, %swap3A_539] {strides = array<i32>} : memref<40x128xf32, #tpu.memory_space<vmem>>, vector<1x16xf32>,
        %swap3A_541 = vector.shape_cast %swap3A_540 : vector<1x16xf32> to vector<16xf32>
        %swap3A_542 = vector.shape_cast %max3A_537 : vector<16xf32> to vector<1x16xf32>
        tpu.vector_store %arg21[%swap3A_538, %swap3A_539], %swap3A_542 {strides = array<i32>} : memref<40x128xf32, #tpu.memory_space<vmem>>, vector<1x16xf32>,
        %get3A_543 = arith.index_cast %scan3A_496 : i32 to index
        %get3A_544 = arith.constant 64 : index
        %get3A_545 = tpu.vector_load %arg21[%get3A_543, %get3A_544] {strides = array<i32>} : memref<40x128xf32, #tpu.memory_space<vmem>>, vector<1x16xf32>,
        %get3A_546 = vector.shape_cast %get3A_545 : vector<1x16xf32> to vector<16xf32>
        %max3A_547 = arith.constant 0.000000e+00 : f32
        %max3A_548 = vector.broadcast %max3A_547 : f32 to vector<16xf32>
        %max3A_549 = arith.maximumf %get3A_546, %max3A_548 : vector<16xf32>
        %swap3A_550 = arith.index_cast %scan3A_496 : i32 to index
        %swap3A_551 = arith.constant 64 : index
        %swap3A_552 = tpu.vector_load %arg21[%swap3A_550, %swap3A_551] {strides = array<i32>} : memref<40x128xf32, #tpu.memory_space<vmem>>, vector<1x16xf32>,
        %swap3A_553 = vector.shape_cast %swap3A_552 : vector<1x16xf32> to vector<16xf32>
        %swap3A_554 = vector.shape_cast %max3A_549 : vector<16xf32> to vector<1x16xf32>
        tpu.vector_store %arg21[%swap3A_550, %swap3A_551], %swap3A_554 {strides = array<i32>} : memref<40x128xf32, #tpu.memory_space<vmem>>, vector<1x16xf32>,
        %get3A_555 = arith.index_cast %scan3A_496 : i32 to index
        %get3A_556 = arith.constant 80 : index
        %get3A_557 = tpu.vector_load %arg21[%get3A_555, %get3A_556] {strides = array<i32>} : memref<40x128xf32, #tpu.memory_space<vmem>>, vector<1x16xf32>,
        %get3A_558 = vector.shape_cast %get3A_557 : vector<1x16xf32> to vector<16xf32>
        %max3A_559 = arith.constant 0.000000e+00 : f32
        %max3A_560 = vector.broadcast %max3A_559 : f32 to vector<16xf32>
        %max3A_561 = arith.maximumf %get3A_558, %max3A_560 : vector<16xf32>
        %swap3A_562 = arith.index_cast %scan3A_496 : i32 to index
        %swap3A_563 = arith.constant 80 : index
        %swap3A_564 = tpu.vector_load %arg21[%swap3A_562, %swap3A_563] {strides = array<i32>} : memref<40x128xf32, #tpu.memory_space<vmem>>, vector<1x16xf32>,
        %swap3A_565 = vector.shape_cast %swap3A_564 : vector<1x16xf32> to vector<16xf32>
        %swap3A_566 = vector.shape_cast %max3A_561 : vector<16xf32> to vector<1x16xf32>
        tpu.vector_store %arg21[%swap3A_562, %swap3A_563], %swap3A_566 {strides = array<i32>} : memref<40x128xf32, #tpu.memory_space<vmem>>, vector<1x16xf32>,
        %get3A_567 = arith.index_cast %scan3A_496 : i32 to index
        %get3A_568 = arith.constant 96 : index
        %get3A_569 = tpu.vector_load %arg21[%get3A_567, %get3A_568] {strides = array<i32>} : memref<40x128xf32, #tpu.memory_space<vmem>>, vector<1x16xf32>,
        %get3A_570 = vector.shape_cast %get3A_569 : vector<1x16xf32> to vector<16xf32>
        %max3A_571 = arith.constant 0.000000e+00 : f32
        %max3A_572 = vector.broadcast %max3A_571 : f32 to vector<16xf32>
        %max3A_573 = arith.maximumf %get3A_570, %max3A_572 : vector<16xf32>
        %swap3A_574 = arith.index_cast %scan3A_496 : i32 to index
        %swap3A_575 = arith.constant 96 : index
        %swap3A_576 = tpu.vector_load %arg21[%swap3A_574, %swap3A_575] {strides = array<i32>} : memref<40x128xf32, #tpu.memory_space<vmem>>, vector<1x16xf32>,
        %swap3A_577 = vector.shape_cast %swap3A_576 : vector<1x16xf32> to vector<16xf32>
        %swap3A_578 = vector.shape_cast %max3A_573 : vector<16xf32> to vector<1x16xf32>
        tpu.vector_store %arg21[%swap3A_574, %swap3A_575], %swap3A_578 {strides = array<i32>} : memref<40x128xf32, #tpu.memory_space<vmem>>, vector<1x16xf32>,
        %get3A_579 = arith.index_cast %scan3A_496 : i32 to index
        %get3A_580 = arith.constant 112 : index
        %get3A_581 = tpu.vector_load %arg21[%get3A_579, %get3A_580] {strides = array<i32>} : memref<40x128xf32, #tpu.memory_space<vmem>>, vector<1x16xf32>,
        %get3A_582 = vector.shape_cast %get3A_581 : vector<1x16xf32> to vector<16xf32>
        %max3A_583 = arith.constant 0.000000e+00 : f32
        %max3A_584 = vector.broadcast %max3A_583 : f32 to vector<16xf32>
        %max3A_585 = arith.maximumf %get3A_582, %max3A_584 : vector<16xf32>
        %swap3A_586 = arith.index_cast %scan3A_496 : i32 to index
        %swap3A_587 = arith.constant 112 : index
        %swap3A_588 = tpu.vector_load %arg21[%swap3A_586, %swap3A_587] {strides = array<i32>} : memref<40x128xf32, #tpu.memory_space<vmem>>, vector<1x16xf32>,
        %swap3A_589 = vector.shape_cast %swap3A_588 : vector<1x16xf32> to vector<16xf32>
        %swap3A_590 = vector.shape_cast %max3A_585 : vector<16xf32> to vector<1x16xf32>
        tpu.vector_store %arg21[%swap3A_586, %swap3A_587], %swap3A_590 {strides = array<i32>} : memref<40x128xf32, #tpu.memory_space<vmem>>, vector<1x16xf32>,
        %scan3A_591 = arith.constant 0 : i32
        scf.yield %scan3A_591 : i32
      }
      %scan3A_491 = arith.constant 40 : i32
      %dma_start3A_492 = arith.constant 0 : i32
      %dma_start3A_493 = arith.constant 0 : i32
      %dma_start3A_494 = tpu.memref_slice %arg22[%dma_start3A_492, %dma_start3A_493] : memref<10000x128xf32, #tpu.memory_space<vmem_shared>> -> memref<10000x128xf32, #tpu.memory_space<vmem_shared>>
      tpu.enqueue_indirect_dma source(%arg21 : memref<40x128xf32, #tpu.memory_space<vmem>>) target(%dma_start3A_494 : memref<10000x128xf32, #tpu.memory_space<vmem_shared>>) offsets(%arg16 : memref<40xi32, #tpu.memory_space<vmem>>) semaphore(%arg37 : memref<!tpu.dma_semaphore, #tpu.memory_space<semaphore_mem>>) {add = true}
      %scan3A_495 = arith.constant 0 : i32
      scf.yield %scan3A_495 : i32
    }
    %scan3A_188 = arith.constant 50 : i32
    %dma_wait3A_189 = arith.constant 0 : i32
    %dma_wait3A_190 = arith.constant 0 : i32
    %dma_wait3A_191 = tpu.memref_slice %arg22[%dma_wait3A_189, %dma_wait3A_190] : memref<10000x128xf32, #tpu.memory_space<vmem_shared>> -> memref<10000x128xf32, #tpu.memory_space<vmem_shared>>
    tpu.wait_indirect_dma semaphore(%arg37 : memref<!tpu.dma_semaphore, #tpu.memory_space<semaphore_mem>>) src(%arg21 : memref<40x128xf32, #tpu.memory_space<vmem>>) dst(%dma_wait3A_191 : memref<10000x128xf32, #tpu.memory_space<vmem_shared>>)
    %barrier3A_192 = arith.constant 0 : index
    tpu.barrier barrier_id(%barrier3A_192)
    %add3A_193 = arith.constant 0 : i32
    %add3A_194 = arith.addi %add3A_193, %arg1 : i32
    %lt3A_195 = arith.constant 250 : i32
    %lt3A_196 = arith.cmpi slt, %add3A_194, %lt3A_195 : i32
    %convert_element_type3A_197 = arith.extui %lt3A_196 : i1 to i32
    %cond3A_198 = arith.constant 0 : i32
    %cond3A_199 = arith.cmpi ne, %convert_element_type3A_197, %cond3A_198 : i32
    scf.if %cond3A_199 {
      %mul3A_305 = arith.constant 40 : i32
      %mul3A_306 = arith.muli %add3A_194, %mul3A_305 : i32
      "tpu.region"() ({
        %run_scoped3A = tpu.sem_alloc : memref<!tpu.dma_semaphore, #tpu.memory_space<semaphore_mem>>
        %dma_start3A_307 = arith.constant 0 : i32
        %dma_start3A_308 = tpu.memref_slice %arg22[%mul3A_306, %dma_start3A_307] : memref<10000x128xf32, #tpu.memory_space<vmem_shared>> -> memref<40x128xf32, #tpu.memory_space<vmem_shared>>
        %dma_start3A_309 = arith.constant 0 : i32
        %dma_start3A_310 = tpu.memref_slice %arg22[%mul3A_306, %dma_start3A_309] : memref<10000x128xf32, #tpu.memory_space<vmem_shared>> -> memref<40x128xf32, #tpu.memory_space<vmem_shared>>
        tpu.enqueue_dma source(%dma_start3A_310 : memref<40x128xf32, #tpu.memory_space<vmem_shared>>) target(%arg17 : memref<40x128xf32, #tpu.memory_space<vmem>>) target_semaphore(%run_scoped3A : memref<!tpu.dma_semaphore, #tpu.memory_space<semaphore_mem>>)
        %dma_wait3A_311 = arith.constant 0 : i32
        %dma_wait3A_312 = tpu.memref_slice %arg22[%mul3A_306, %dma_wait3A_311] : memref<10000x128xf32, #tpu.memory_space<vmem_shared>> -> memref<40x128xf32, #tpu.memory_space<vmem_shared>>
        %dma_wait3A_313 = arith.constant 0 : i32
        %dma_wait3A_314 = tpu.memref_slice %arg22[%mul3A_306, %dma_wait3A_313] : memref<10000x128xf32, #tpu.memory_space<vmem_shared>> -> memref<40x128xf32, #tpu.memory_space<vmem_shared>>
        tpu.wait_dma2 semaphore(%run_scoped3A : memref<!tpu.dma_semaphore, #tpu.memory_space<semaphore_mem>>) src(%dma_wait3A_314 : memref<40x128xf32, #tpu.memory_space<vmem_shared>>) dst(%arg17 : memref<40x128xf32, #tpu.memory_space<vmem>>)
        tpu.yield
      }) : () -> ()
      "tpu.region"() ({
        %run_scoped3A = tpu.sem_alloc : memref<!tpu.dma_semaphore, #tpu.memory_space<semaphore_mem>>
        %dma_start3A_307 = arith.constant 0 : i32
        %dma_start3A_308 = arith.constant 0 : i32
        %dma_start3A_309 = tpu.memref_slice %arg6[%arg0, %dma_start3A_307, %dma_start3A_308] : memref<2x10000x128xf32, #tpu.memory_space<hbm>> -> memref<1x10000x128xf32, #tpu.memory_space<hbm>>
        %dma_start3A_310 = tpu.memref_squeeze %dma_start3A_309 : memref<1x10000x128xf32, #tpu.memory_space<hbm>> -> memref<10000x128xf32, #tpu.memory_space<hbm>>
        %dma_start3A_311 = arith.constant 0 : i32
        %dma_start3A_312 = tpu.memref_slice %dma_start3A_310[%mul3A_306, %dma_start3A_311] : memref<10000x128xf32, #tpu.memory_space<hbm>> -> memref<40x128xf32, #tpu.memory_space<hbm>>
        %dma_start3A_313 = arith.constant 0 : i32
        %dma_start3A_314 = arith.constant 0 : i32
        %dma_start3A_315 = tpu.memref_slice %arg6[%arg0, %dma_start3A_313, %dma_start3A_314] : memref<2x10000x128xf32, #tpu.memory_space<hbm>> -> memref<1x10000x128xf32, #tpu.memory_space<hbm>>
        %dma_start3A_316 = tpu.memref_squeeze %dma_start3A_315 : memref<1x10000x128xf32, #tpu.memory_space<hbm>> -> memref<10000x128xf32, #tpu.memory_space<hbm>>
        %dma_start3A_317 = arith.constant 0 : i32
        %dma_start3A_318 = tpu.memref_slice %dma_start3A_316[%mul3A_306, %dma_start3A_317] : memref<10000x128xf32, #tpu.memory_space<hbm>> -> memref<40x128xf32, #tpu.memory_space<hbm>>
        tpu.enqueue_dma source(%arg17 : memref<40x128xf32, #tpu.memory_space<vmem>>) target(%dma_start3A_318 : memref<40x128xf32, #tpu.memory_space<hbm>>) target_semaphore(%run_scoped3A : memref<!tpu.dma_semaphore, #tpu.memory_space<semaphore_mem>>)
        %dma_wait3A_319 = arith.constant 0 : i32
        %dma_wait3A_320 = arith.constant 0 : i32
        %dma_wait3A_321 = tpu.memref_slice %arg6[%arg0, %dma_wait3A_319, %dma_wait3A_320] : memref<2x10000x128xf32, #tpu.memory_space<hbm>> -> memref<1x10000x128xf32, #tpu.memory_space<hbm>>
        %dma_wait3A_322 = tpu.memref_squeeze %dma_wait3A_321 : memref<1x10000x128xf32, #tpu.memory_space<hbm>> -> memref<10000x128xf32, #tpu.memory_space<hbm>>
        %dma_wait3A_323 = arith.constant 0 : i32
        %dma_wait3A_324 = tpu.memref_slice %dma_wait3A_322[%mul3A_306, %dma_wait3A_323] : memref<10000x128xf32, #tpu.memory_space<hbm>> -> memref<40x128xf32, #tpu.memory_space<hbm>>
        %dma_wait3A_325 = arith.constant 0 : i32
        %dma_wait3A_326 = arith.constant 0 : i32
        %dma_wait3A_327 = tpu.memref_slice %arg6[%arg0, %dma_wait3A_325, %dma_wait3A_326] : memref<2x10000x128xf32, #tpu.memory_space<hbm>> -> memref<1x10000x128xf32, #tpu.memory_space<hbm>>
        %dma_wait3A_328 = tpu.memref_squeeze %dma_wait3A_327 : memref<1x10000x128xf32, #tpu.memory_space<hbm>> -> memref<10000x128xf32, #tpu.memory_space<hbm>>
        %dma_wait3A_329 = arith.constant 0 : i32
        %dma_wait3A_330 = tpu.memref_slice %dma_wait3A_328[%mul3A_306, %dma_wait3A_329] : memref<10000x128xf32, #tpu.memory_space<hbm>> -> memref<40x128xf32, #tpu.memory_space<hbm>>
        tpu.wait_dma2 semaphore(%run_scoped3A : memref<!tpu.dma_semaphore, #tpu.memory_space<semaphore_mem>>) src(%arg17 : memref<40x128xf32, #tpu.memory_space<vmem>>) dst(%dma_wait3A_330 : memref<40x128xf32, #tpu.memory_space<hbm>>)
        tpu.yield
      }) : () -> ()
    } else {
    }
    %add3A_200 = arith.constant 16 : i32
    %add3A_201 = arith.addi %add3A_200, %arg1 : i32
    %lt3A_202 = arith.constant 250 : i32
    %lt3A_203 = arith.cmpi slt, %add3A_201, %lt3A_202 : i32
    %convert_element_type3A_204 = arith.extui %lt3A_203 : i1 to i32
    %cond3A_205 = arith.constant 0 : i32
    %cond3A_206 = arith.cmpi ne, %convert_element_type3A_204, %cond3A_205 : i32
    scf.if %cond3A_206 {
      %mul3A_305 = arith.constant 40 : i32
      %mul3A_306 = arith.muli %add3A_201, %mul3A_305 : i32
      "tpu.region"() ({
        %run_scoped3A = tpu.sem_alloc : memref<!tpu.dma_semaphore, #tpu.memory_space<semaphore_mem>>
        %dma_start3A_307 = arith.constant 0 : i32
        %dma_start3A_308 = tpu.memref_slice %arg22[%mul3A_306, %dma_start3A_307] : memref<10000x128xf32, #tpu.memory_space<vmem_shared>> -> memref<40x128xf32, #tpu.memory_space<vmem_shared>>
        %dma_start3A_309 = arith.constant 0 : i32
        %dma_start3A_310 = tpu.memref_slice %arg22[%mul3A_306, %dma_start3A_309] : memref<10000x128xf32, #tpu.memory_space<vmem_shared>> -> memref<40x128xf32, #tpu.memory_space<vmem_shared>>
        tpu.enqueue_dma source(%dma_start3A_310 : memref<40x128xf32, #tpu.memory_space<vmem_shared>>) target(%arg17 : memref<40x128xf32, #tpu.memory_space<vmem>>) target_semaphore(%run_scoped3A : memref<!tpu.dma_semaphore, #tpu.memory_space<semaphore_mem>>)
        %dma_wait3A_311 = arith.constant 0 : i32
        %dma_wait3A_312 = tpu.memref_slice %arg22[%mul3A_306, %dma_wait3A_311] : memref<10000x128xf32, #tpu.memory_space<vmem_shared>> -> memref<40x128xf32, #tpu.memory_space<vmem_shared>>
        %dma_wait3A_313 = arith.constant 0 : i32
        %dma_wait3A_314 = tpu.memref_slice %arg22[%mul3A_306, %dma_wait3A_313] : memref<10000x128xf32, #tpu.memory_space<vmem_shared>> -> memref<40x128xf32, #tpu.memory_space<vmem_shared>>
        tpu.wait_dma2 semaphore(%run_scoped3A : memref<!tpu.dma_semaphore, #tpu.memory_space<semaphore_mem>>) src(%dma_wait3A_314 : memref<40x128xf32, #tpu.memory_space<vmem_shared>>) dst(%arg17 : memref<40x128xf32, #tpu.memory_space<vmem>>)
        tpu.yield
      }) : () -> ()
      "tpu.region"() ({
        %run_scoped3A = tpu.sem_alloc : memref<!tpu.dma_semaphore, #tpu.memory_space<semaphore_mem>>
        %dma_start3A_307 = arith.constant 0 : i32
        %dma_start3A_308 = arith.constant 0 : i32
        %dma_start3A_309 = tpu.memref_slice %arg6[%arg0, %dma_start3A_307, %dma_start3A_308] : memref<2x10000x128xf32, #tpu.memory_space<hbm>> -> memref<1x10000x128xf32, #tpu.memory_space<hbm>>
        %dma_start3A_310 = tpu.memref_squeeze %dma_start3A_309 : memref<1x10000x128xf32, #tpu.memory_space<hbm>> -> memref<10000x128xf32, #tpu.memory_space<hbm>>
        %dma_start3A_311 = arith.constant 0 : i32
        %dma_start3A_312 = tpu.memref_slice %dma_start3A_310[%mul3A_306, %dma_start3A_311] : memref<10000x128xf32, #tpu.memory_space<hbm>> -> memref<40x128xf32, #tpu.memory_space<hbm>>
        %dma_start3A_313 = arith.constant 0 : i32
        %dma_start3A_314 = arith.constant 0 : i32
        %dma_start3A_315 = tpu.memref_slice %arg6[%arg0, %dma_start3A_313, %dma_start3A_314] : memref<2x10000x128xf32, #tpu.memory_space<hbm>> -> memref<1x10000x128xf32, #tpu.memory_space<hbm>>
        %dma_start3A_316 = tpu.memref_squeeze %dma_start3A_315 : memref<1x10000x128xf32, #tpu.memory_space<hbm>> -> memref<10000x128xf32, #tpu.memory_space<hbm>>
        %dma_start3A_317 = arith.constant 0 : i32
        %dma_start3A_318 = tpu.memref_slice %dma_start3A_316[%mul3A_306, %dma_start3A_317] : memref<10000x128xf32, #tpu.memory_space<hbm>> -> memref<40x128xf32, #tpu.memory_space<hbm>>
        tpu.enqueue_dma source(%arg17 : memref<40x128xf32, #tpu.memory_space<vmem>>) target(%dma_start3A_318 : memref<40x128xf32, #tpu.memory_space<hbm>>) target_semaphore(%run_scoped3A : memref<!tpu.dma_semaphore, #tpu.memory_space<semaphore_mem>>)
        %dma_wait3A_319 = arith.constant 0 : i32
        %dma_wait3A_320 = arith.constant 0 : i32
        %dma_wait3A_321 = tpu.memref_slice %arg6[%arg0, %dma_wait3A_319, %dma_wait3A_320] : memref<2x10000x128xf32, #tpu.memory_space<hbm>> -> memref<1x10000x128xf32, #tpu.memory_space<hbm>>
        %dma_wait3A_322 = tpu.memref_squeeze %dma_wait3A_321 : memref<1x10000x128xf32, #tpu.memory_space<hbm>> -> memref<10000x128xf32, #tpu.memory_space<hbm>>
        %dma_wait3A_323 = arith.constant 0 : i32
        %dma_wait3A_324 = tpu.memref_slice %dma_wait3A_322[%mul3A_306, %dma_wait3A_323] : memref<10000x128xf32, #tpu.memory_space<hbm>> -> memref<40x128xf32, #tpu.memory_space<hbm>>
        %dma_wait3A_325 = arith.constant 0 : i32
        %dma_wait3A_326 = arith.constant 0 : i32
        %dma_wait3A_327 = tpu.memref_slice %arg6[%arg0, %dma_wait3A_325, %dma_wait3A_326] : memref<2x10000x128xf32, #tpu.memory_space<hbm>> -> memref<1x10000x128xf32, #tpu.memory_space<hbm>>
        %dma_wait3A_328 = tpu.memref_squeeze %dma_wait3A_327 : memref<1x10000x128xf32, #tpu.memory_space<hbm>> -> memref<10000x128xf32, #tpu.memory_space<hbm>>
        %dma_wait3A_329 = arith.constant 0 : i32
        %dma_wait3A_330 = tpu.memref_slice %dma_wait3A_328[%mul3A_306, %dma_wait3A_329] : memref<10000x128xf32, #tpu.memory_space<hbm>> -> memref<40x128xf32, #tpu.memory_space<hbm>>
        tpu.wait_dma2 semaphore(%run_scoped3A : memref<!tpu.dma_semaphore, #tpu.memory_space<semaphore_mem>>) src(%arg17 : memref<40x128xf32, #tpu.memory_space<vmem>>) dst(%dma_wait3A_330 : memref<40x128xf32, #tpu.memory_space<hbm>>)
        tpu.yield
      }) : () -> ()
    } else {
    }
    %add3A_207 = arith.constant 32 : i32
    %add3A_208 = arith.addi %add3A_207, %arg1 : i32
    %lt3A_209 = arith.constant 250 : i32
    %lt3A_210 = arith.cmpi slt, %add3A_208, %lt3A_209 : i32
    %convert_element_type3A_211 = arith.extui %lt3A_210 : i1 to i32
    %cond3A_212 = arith.constant 0 : i32
    %cond3A_213 = arith.cmpi ne, %convert_element_type3A_211, %cond3A_212 : i32
    scf.if %cond3A_213 {
      %mul3A_305 = arith.constant 40 : i32
      %mul3A_306 = arith.muli %add3A_208, %mul3A_305 : i32
      "tpu.region"() ({
        %run_scoped3A = tpu.sem_alloc : memref<!tpu.dma_semaphore, #tpu.memory_space<semaphore_mem>>
        %dma_start3A_307 = arith.constant 0 : i32
        %dma_start3A_308 = tpu.memref_slice %arg22[%mul3A_306, %dma_start3A_307] : memref<10000x128xf32, #tpu.memory_space<vmem_shared>> -> memref<40x128xf32, #tpu.memory_space<vmem_shared>>
        %dma_start3A_309 = arith.constant 0 : i32
        %dma_start3A_310 = tpu.memref_slice %arg22[%mul3A_306, %dma_start3A_309] : memref<10000x128xf32, #tpu.memory_space<vmem_shared>> -> memref<40x128xf32, #tpu.memory_space<vmem_shared>>
        tpu.enqueue_dma source(%dma_start3A_310 : memref<40x128xf32, #tpu.memory_space<vmem_shared>>) target(%arg17 : memref<40x128xf32, #tpu.memory_space<vmem>>) target_semaphore(%run_scoped3A : memref<!tpu.dma_semaphore, #tpu.memory_space<semaphore_mem>>)
        %dma_wait3A_311 = arith.constant 0 : i32
        %dma_wait3A_312 = tpu.memref_slice %arg22[%mul3A_306, %dma_wait3A_311] : memref<10000x128xf32, #tpu.memory_space<vmem_shared>> -> memref<40x128xf32, #tpu.memory_space<vmem_shared>>
        %dma_wait3A_313 = arith.constant 0 : i32
        %dma_wait3A_314 = tpu.memref_slice %arg22[%mul3A_306, %dma_wait3A_313] : memref<10000x128xf32, #tpu.memory_space<vmem_shared>> -> memref<40x128xf32, #tpu.memory_space<vmem_shared>>
        tpu.wait_dma2 semaphore(%run_scoped3A : memref<!tpu.dma_semaphore, #tpu.memory_space<semaphore_mem>>) src(%dma_wait3A_314 : memref<40x128xf32, #tpu.memory_space<vmem_shared>>) dst(%arg17 : memref<40x128xf32, #tpu.memory_space<vmem>>)
        tpu.yield
      }) : () -> ()
      "tpu.region"() ({
        %run_scoped3A = tpu.sem_alloc : memref<!tpu.dma_semaphore, #tpu.memory_space<semaphore_mem>>
        %dma_start3A_307 = arith.constant 0 : i32
        %dma_start3A_308 = arith.constant 0 : i32
        %dma_start3A_309 = tpu.memref_slice %arg6[%arg0, %dma_start3A_307, %dma_start3A_308] : memref<2x10000x128xf32, #tpu.memory_space<hbm>> -> memref<1x10000x128xf32, #tpu.memory_space<hbm>>
        %dma_start3A_310 = tpu.memref_squeeze %dma_start3A_309 : memref<1x10000x128xf32, #tpu.memory_space<hbm>> -> memref<10000x128xf32, #tpu.memory_space<hbm>>
        %dma_start3A_311 = arith.constant 0 : i32
        %dma_start3A_312 = tpu.memref_slice %dma_start3A_310[%mul3A_306, %dma_start3A_311] : memref<10000x128xf32, #tpu.memory_space<hbm>> -> memref<40x128xf32, #tpu.memory_space<hbm>>
        %dma_start3A_313 = arith.constant 0 : i32
        %dma_start3A_314 = arith.constant 0 : i32
        %dma_start3A_315 = tpu.memref_slice %arg6[%arg0, %dma_start3A_313, %dma_start3A_314] : memref<2x10000x128xf32, #tpu.memory_space<hbm>> -> memref<1x10000x128xf32, #tpu.memory_space<hbm>>
        %dma_start3A_316 = tpu.memref_squeeze %dma_start3A_315 : memref<1x10000x128xf32, #tpu.memory_space<hbm>> -> memref<10000x128xf32, #tpu.memory_space<hbm>>
        %dma_start3A_317 = arith.constant 0 : i32
        %dma_start3A_318 = tpu.memref_slice %dma_start3A_316[%mul3A_306, %dma_start3A_317] : memref<10000x128xf32, #tpu.memory_space<hbm>> -> memref<40x128xf32, #tpu.memory_space<hbm>>
        tpu.enqueue_dma source(%arg17 : memref<40x128xf32, #tpu.memory_space<vmem>>) target(%dma_start3A_318 : memref<40x128xf32, #tpu.memory_space<hbm>>) target_semaphore(%run_scoped3A : memref<!tpu.dma_semaphore, #tpu.memory_space<semaphore_mem>>)
        %dma_wait3A_319 = arith.constant 0 : i32
        %dma_wait3A_320 = arith.constant 0 : i32
        %dma_wait3A_321 = tpu.memref_slice %arg6[%arg0, %dma_wait3A_319, %dma_wait3A_320] : memref<2x10000x128xf32, #tpu.memory_space<hbm>> -> memref<1x10000x128xf32, #tpu.memory_space<hbm>>
        %dma_wait3A_322 = tpu.memref_squeeze %dma_wait3A_321 : memref<1x10000x128xf32, #tpu.memory_space<hbm>> -> memref<10000x128xf32, #tpu.memory_space<hbm>>
        %dma_wait3A_323 = arith.constant 0 : i32
        %dma_wait3A_324 = tpu.memref_slice %dma_wait3A_322[%mul3A_306, %dma_wait3A_323] : memref<10000x128xf32, #tpu.memory_space<hbm>> -> memref<40x128xf32, #tpu.memory_space<hbm>>
        %dma_wait3A_325 = arith.constant 0 : i32
        %dma_wait3A_326 = arith.constant 0 : i32
        %dma_wait3A_327 = tpu.memref_slice %arg6[%arg0, %dma_wait3A_325, %dma_wait3A_326] : memref<2x10000x128xf32, #tpu.memory_space<hbm>> -> memref<1x10000x128xf32, #tpu.memory_space<hbm>>
        %dma_wait3A_328 = tpu.memref_squeeze %dma_wait3A_327 : memref<1x10000x128xf32, #tpu.memory_space<hbm>> -> memref<10000x128xf32, #tpu.memory_space<hbm>>
        %dma_wait3A_329 = arith.constant 0 : i32
        %dma_wait3A_330 = tpu.memref_slice %dma_wait3A_328[%mul3A_306, %dma_wait3A_329] : memref<10000x128xf32, #tpu.memory_space<hbm>> -> memref<40x128xf32, #tpu.memory_space<hbm>>
        tpu.wait_dma2 semaphore(%run_scoped3A : memref<!tpu.dma_semaphore, #tpu.memory_space<semaphore_mem>>) src(%arg17 : memref<40x128xf32, #tpu.memory_space<vmem>>) dst(%dma_wait3A_330 : memref<40x128xf32, #tpu.memory_space<hbm>>)
        tpu.yield
      }) : () -> ()
    } else {
    }
    %add3A_214 = arith.constant 48 : i32
    %add3A_215 = arith.addi %add3A_214, %arg1 : i32
    %lt3A_216 = arith.constant 250 : i32
    %lt3A_217 = arith.cmpi slt, %add3A_215, %lt3A_216 : i32
    %convert_element_type3A_218 = arith.extui %lt3A_217 : i1 to i32
    %cond3A_219 = arith.constant 0 : i32
    %cond3A_220 = arith.cmpi ne, %convert_element_type3A_218, %cond3A_219 : i32
    scf.if %cond3A_220 {
      %mul3A_305 = arith.constant 40 : i32
      %mul3A_306 = arith.muli %add3A_215, %mul3A_305 : i32
      "tpu.region"() ({
        %run_scoped3A = tpu.sem_alloc : memref<!tpu.dma_semaphore, #tpu.memory_space<semaphore_mem>>
        %dma_start3A_307 = arith.constant 0 : i32
        %dma_start3A_308 = tpu.memref_slice %arg22[%mul3A_306, %dma_start3A_307] : memref<10000x128xf32, #tpu.memory_space<vmem_shared>> -> memref<40x128xf32, #tpu.memory_space<vmem_shared>>
        %dma_start3A_309 = arith.constant 0 : i32
        %dma_start3A_310 = tpu.memref_slice %arg22[%mul3A_306, %dma_start3A_309] : memref<10000x128xf32, #tpu.memory_space<vmem_shared>> -> memref<40x128xf32, #tpu.memory_space<vmem_shared>>
        tpu.enqueue_dma source(%dma_start3A_310 : memref<40x128xf32, #tpu.memory_space<vmem_shared>>) target(%arg17 : memref<40x128xf32, #tpu.memory_space<vmem>>) target_semaphore(%run_scoped3A : memref<!tpu.dma_semaphore, #tpu.memory_space<semaphore_mem>>)
        %dma_wait3A_311 = arith.constant 0 : i32
        %dma_wait3A_312 = tpu.memref_slice %arg22[%mul3A_306, %dma_wait3A_311] : memref<10000x128xf32, #tpu.memory_space<vmem_shared>> -> memref<40x128xf32, #tpu.memory_space<vmem_shared>>
        %dma_wait3A_313 = arith.constant 0 : i32
        %dma_wait3A_314 = tpu.memref_slice %arg22[%mul3A_306, %dma_wait3A_313] : memref<10000x128xf32, #tpu.memory_space<vmem_shared>> -> memref<40x128xf32, #tpu.memory_space<vmem_shared>>
        tpu.wait_dma2 semaphore(%run_scoped3A : memref<!tpu.dma_semaphore, #tpu.memory_space<semaphore_mem>>) src(%dma_wait3A_314 : memref<40x128xf32, #tpu.memory_space<vmem_shared>>) dst(%arg17 : memref<40x128xf32, #tpu.memory_space<vmem>>)
        tpu.yield
      }) : () -> ()
      "tpu.region"() ({
        %run_scoped3A = tpu.sem_alloc : memref<!tpu.dma_semaphore, #tpu.memory_space<semaphore_mem>>
        %dma_start3A_307 = arith.constant 0 : i32
        %dma_start3A_308 = arith.constant 0 : i32
        %dma_start3A_309 = tpu.memref_slice %arg6[%arg0, %dma_start3A_307, %dma_start3A_308] : memref<2x10000x128xf32, #tpu.memory_space<hbm>> -> memref<1x10000x128xf32, #tpu.memory_space<hbm>>
        %dma_start3A_310 = tpu.memref_squeeze %dma_start3A_309 : memref<1x10000x128xf32, #tpu.memory_space<hbm>> -> memref<10000x128xf32, #tpu.memory_space<hbm>>
        %dma_start3A_311 = arith.constant 0 : i32
        %dma_start3A_312 = tpu.memref_slice %dma_start3A_310[%mul3A_306, %dma_start3A_311] : memref<10000x128xf32, #tpu.memory_space<hbm>> -> memref<40x128xf32, #tpu.memory_space<hbm>>
        %dma_start3A_313 = arith.constant 0 : i32
        %dma_start3A_314 = arith.constant 0 : i32
        %dma_start3A_315 = tpu.memref_slice %arg6[%arg0, %dma_start3A_313, %dma_start3A_314] : memref<2x10000x128xf32, #tpu.memory_space<hbm>> -> memref<1x10000x128xf32, #tpu.memory_space<hbm>>
        %dma_start3A_316 = tpu.memref_squeeze %dma_start3A_315 : memref<1x10000x128xf32, #tpu.memory_space<hbm>> -> memref<10000x128xf32, #tpu.memory_space<hbm>>
        %dma_start3A_317 = arith.constant 0 : i32
        %dma_start3A_318 = tpu.memref_slice %dma_start3A_316[%mul3A_306, %dma_start3A_317] : memref<10000x128xf32, #tpu.memory_space<hbm>> -> memref<40x128xf32, #tpu.memory_space<hbm>>
        tpu.enqueue_dma source(%arg17 : memref<40x128xf32, #tpu.memory_space<vmem>>) target(%dma_start3A_318 : memref<40x128xf32, #tpu.memory_space<hbm>>) target_semaphore(%run_scoped3A : memref<!tpu.dma_semaphore, #tpu.memory_space<semaphore_mem>>)
        %dma_wait3A_319 = arith.constant 0 : i32
        %dma_wait3A_320 = arith.constant 0 : i32
        %dma_wait3A_321 = tpu.memref_slice %arg6[%arg0, %dma_wait3A_319, %dma_wait3A_320] : memref<2x10000x128xf32, #tpu.memory_space<hbm>> -> memref<1x10000x128xf32, #tpu.memory_space<hbm>>
        %dma_wait3A_322 = tpu.memref_squeeze %dma_wait3A_321 : memref<1x10000x128xf32, #tpu.memory_space<hbm>> -> memref<10000x128xf32, #tpu.memory_space<hbm>>
        %dma_wait3A_323 = arith.constant 0 : i32
        %dma_wait3A_324 = tpu.memref_slice %dma_wait3A_322[%mul3A_306, %dma_wait3A_323] : memref<10000x128xf32, #tpu.memory_space<hbm>> -> memref<40x128xf32, #tpu.memory_space<hbm>>
        %dma_wait3A_325 = arith.constant 0 : i32
        %dma_wait3A_326 = arith.constant 0 : i32
        %dma_wait3A_327 = tpu.memref_slice %arg6[%arg0, %dma_wait3A_325, %dma_wait3A_326] : memref<2x10000x128xf32, #tpu.memory_space<hbm>> -> memref<1x10000x128xf32, #tpu.memory_space<hbm>>
        %dma_wait3A_328 = tpu.memref_squeeze %dma_wait3A_327 : memref<1x10000x128xf32, #tpu.memory_space<hbm>> -> memref<10000x128xf32, #tpu.memory_space<hbm>>
        %dma_wait3A_329 = arith.constant 0 : i32
        %dma_wait3A_330 = tpu.memref_slice %dma_wait3A_328[%mul3A_306, %dma_wait3A_329] : memref<10000x128xf32, #tpu.memory_space<hbm>> -> memref<40x128xf32, #tpu.memory_space<hbm>>
        tpu.wait_dma2 semaphore(%run_scoped3A : memref<!tpu.dma_semaphore, #tpu.memory_space<semaphore_mem>>) src(%arg17 : memref<40x128xf32, #tpu.memory_space<vmem>>) dst(%dma_wait3A_330 : memref<40x128xf32, #tpu.memory_space<hbm>>)
        tpu.yield
      }) : () -> ()
    } else {
    }
    %add3A_221 = arith.constant 64 : i32
    %add3A_222 = arith.addi %add3A_221, %arg1 : i32
    %lt3A_223 = arith.constant 250 : i32
    %lt3A_224 = arith.cmpi slt, %add3A_222, %lt3A_223 : i32
    %convert_element_type3A_225 = arith.extui %lt3A_224 : i1 to i32
    %cond3A_226 = arith.constant 0 : i32
    %cond3A_227 = arith.cmpi ne, %convert_element_type3A_225, %cond3A_226 : i32
    scf.if %cond3A_227 {
      %mul3A_305 = arith.constant 40 : i32
      %mul3A_306 = arith.muli %add3A_222, %mul3A_305 : i32
      "tpu.region"() ({
        %run_scoped3A = tpu.sem_alloc : memref<!tpu.dma_semaphore, #tpu.memory_space<semaphore_mem>>
        %dma_start3A_307 = arith.constant 0 : i32
        %dma_start3A_308 = tpu.memref_slice %arg22[%mul3A_306, %dma_start3A_307] : memref<10000x128xf32, #tpu.memory_space<vmem_shared>> -> memref<40x128xf32, #tpu.memory_space<vmem_shared>>
        %dma_start3A_309 = arith.constant 0 : i32
        %dma_start3A_310 = tpu.memref_slice %arg22[%mul3A_306, %dma_start3A_309] : memref<10000x128xf32, #tpu.memory_space<vmem_shared>> -> memref<40x128xf32, #tpu.memory_space<vmem_shared>>
        tpu.enqueue_dma source(%dma_start3A_310 : memref<40x128xf32, #tpu.memory_space<vmem_shared>>) target(%arg17 : memref<40x128xf32, #tpu.memory_space<vmem>>) target_semaphore(%run_scoped3A : memref<!tpu.dma_semaphore, #tpu.memory_space<semaphore_mem>>)
        %dma_wait3A_311 = arith.constant 0 : i32
        %dma_wait3A_312 = tpu.memref_slice %arg22[%mul3A_306, %dma_wait3A_311] : memref<10000x128xf32, #tpu.memory_space<vmem_shared>> -> memref<40x128xf32, #tpu.memory_space<vmem_shared>>
        %dma_wait3A_313 = arith.constant 0 : i32
        %dma_wait3A_314 = tpu.memref_slice %arg22[%mul3A_306, %dma_wait3A_313] : memref<10000x128xf32, #tpu.memory_space<vmem_shared>> -> memref<40x128xf32, #tpu.memory_space<vmem_shared>>
        tpu.wait_dma2 semaphore(%run_scoped3A : memref<!tpu.dma_semaphore, #tpu.memory_space<semaphore_mem>>) src(%dma_wait3A_314 : memref<40x128xf32, #tpu.memory_space<vmem_shared>>) dst(%arg17 : memref<40x128xf32, #tpu.memory_space<vmem>>)
        tpu.yield
      }) : () -> ()
      "tpu.region"() ({
        %run_scoped3A = tpu.sem_alloc : memref<!tpu.dma_semaphore, #tpu.memory_space<semaphore_mem>>
        %dma_start3A_307 = arith.constant 0 : i32
        %dma_start3A_308 = arith.constant 0 : i32
        %dma_start3A_309 = tpu.memref_slice %arg6[%arg0, %dma_start3A_307, %dma_start3A_308] : memref<2x10000x128xf32, #tpu.memory_space<hbm>> -> memref<1x10000x128xf32, #tpu.memory_space<hbm>>
        %dma_start3A_310 = tpu.memref_squeeze %dma_start3A_309 : memref<1x10000x128xf32, #tpu.memory_space<hbm>> -> memref<10000x128xf32, #tpu.memory_space<hbm>>
        %dma_start3A_311 = arith.constant 0 : i32
        %dma_start3A_312 = tpu.memref_slice %dma_start3A_310[%mul3A_306, %dma_start3A_311] : memref<10000x128xf32, #tpu.memory_space<hbm>> -> memref<40x128xf32, #tpu.memory_space<hbm>>
        %dma_start3A_313 = arith.constant 0 : i32
        %dma_start3A_314 = arith.constant 0 : i32
        %dma_start3A_315 = tpu.memref_slice %arg6[%arg0, %dma_start3A_313, %dma_start3A_314] : memref<2x10000x128xf32, #tpu.memory_space<hbm>> -> memref<1x10000x128xf32, #tpu.memory_space<hbm>>
        %dma_start3A_316 = tpu.memref_squeeze %dma_start3A_315 : memref<1x10000x128xf32, #tpu.memory_space<hbm>> -> memref<10000x128xf32, #tpu.memory_space<hbm>>
        %dma_start3A_317 = arith.constant 0 : i32
        %dma_start3A_318 = tpu.memref_slice %dma_start3A_316[%mul3A_306, %dma_start3A_317] : memref<10000x128xf32, #tpu.memory_space<hbm>> -> memref<40x128xf32, #tpu.memory_space<hbm>>
        tpu.enqueue_dma source(%arg17 : memref<40x128xf32, #tpu.memory_space<vmem>>) target(%dma_start3A_318 : memref<40x128xf32, #tpu.memory_space<hbm>>) target_semaphore(%run_scoped3A : memref<!tpu.dma_semaphore, #tpu.memory_space<semaphore_mem>>)
        %dma_wait3A_319 = arith.constant 0 : i32
        %dma_wait3A_320 = arith.constant 0 : i32
        %dma_wait3A_321 = tpu.memref_slice %arg6[%arg0, %dma_wait3A_319, %dma_wait3A_320] : memref<2x10000x128xf32, #tpu.memory_space<hbm>> -> memref<1x10000x128xf32, #tpu.memory_space<hbm>>
        %dma_wait3A_322 = tpu.memref_squeeze %dma_wait3A_321 : memref<1x10000x128xf32, #tpu.memory_space<hbm>> -> memref<10000x128xf32, #tpu.memory_space<hbm>>
        %dma_wait3A_323 = arith.constant 0 : i32
        %dma_wait3A_324 = tpu.memref_slice %dma_wait3A_322[%mul3A_306, %dma_wait3A_323] : memref<10000x128xf32, #tpu.memory_space<hbm>> -> memref<40x128xf32, #tpu.memory_space<hbm>>
        %dma_wait3A_325 = arith.constant 0 : i32
        %dma_wait3A_326 = arith.constant 0 : i32
        %dma_wait3A_327 = tpu.memref_slice %arg6[%arg0, %dma_wait3A_325, %dma_wait3A_326] : memref<2x10000x128xf32, #tpu.memory_space<hbm>> -> memref<1x10000x128xf32, #tpu.memory_space<hbm>>
        %dma_wait3A_328 = tpu.memref_squeeze %dma_wait3A_327 : memref<1x10000x128xf32, #tpu.memory_space<hbm>> -> memref<10000x128xf32, #tpu.memory_space<hbm>>
        %dma_wait3A_329 = arith.constant 0 : i32
        %dma_wait3A_330 = tpu.memref_slice %dma_wait3A_328[%mul3A_306, %dma_wait3A_329] : memref<10000x128xf32, #tpu.memory_space<hbm>> -> memref<40x128xf32, #tpu.memory_space<hbm>>
        tpu.wait_dma2 semaphore(%run_scoped3A : memref<!tpu.dma_semaphore, #tpu.memory_space<semaphore_mem>>) src(%arg17 : memref<40x128xf32, #tpu.memory_space<vmem>>) dst(%dma_wait3A_330 : memref<40x128xf32, #tpu.memory_space<hbm>>)
        tpu.yield
      }) : () -> ()
    } else {
    }
    %add3A_228 = arith.constant 80 : i32
    %add3A_229 = arith.addi %add3A_228, %arg1 : i32
    %lt3A_230 = arith.constant 250 : i32
    %lt3A_231 = arith.cmpi slt, %add3A_229, %lt3A_230 : i32
    %convert_element_type3A_232 = arith.extui %lt3A_231 : i1 to i32
    %cond3A_233 = arith.constant 0 : i32
    %cond3A_234 = arith.cmpi ne, %convert_element_type3A_232, %cond3A_233 : i32
    scf.if %cond3A_234 {
      %mul3A_305 = arith.constant 40 : i32
      %mul3A_306 = arith.muli %add3A_229, %mul3A_305 : i32
      "tpu.region"() ({
        %run_scoped3A = tpu.sem_alloc : memref<!tpu.dma_semaphore, #tpu.memory_space<semaphore_mem>>
        %dma_start3A_307 = arith.constant 0 : i32
        %dma_start3A_308 = tpu.memref_slice %arg22[%mul3A_306, %dma_start3A_307] : memref<10000x128xf32, #tpu.memory_space<vmem_shared>> -> memref<40x128xf32, #tpu.memory_space<vmem_shared>>
        %dma_start3A_309 = arith.constant 0 : i32
        %dma_start3A_310 = tpu.memref_slice %arg22[%mul3A_306, %dma_start3A_309] : memref<10000x128xf32, #tpu.memory_space<vmem_shared>> -> memref<40x128xf32, #tpu.memory_space<vmem_shared>>
        tpu.enqueue_dma source(%dma_start3A_310 : memref<40x128xf32, #tpu.memory_space<vmem_shared>>) target(%arg17 : memref<40x128xf32, #tpu.memory_space<vmem>>) target_semaphore(%run_scoped3A : memref<!tpu.dma_semaphore, #tpu.memory_space<semaphore_mem>>)
        %dma_wait3A_311 = arith.constant 0 : i32
        %dma_wait3A_312 = tpu.memref_slice %arg22[%mul3A_306, %dma_wait3A_311] : memref<10000x128xf32, #tpu.memory_space<vmem_shared>> -> memref<40x128xf32, #tpu.memory_space<vmem_shared>>
        %dma_wait3A_313 = arith.constant 0 : i32
        %dma_wait3A_314 = tpu.memref_slice %arg22[%mul3A_306, %dma_wait3A_313] : memref<10000x128xf32, #tpu.memory_space<vmem_shared>> -> memref<40x128xf32, #tpu.memory_space<vmem_shared>>
        tpu.wait_dma2 semaphore(%run_scoped3A : memref<!tpu.dma_semaphore, #tpu.memory_space<semaphore_mem>>) src(%dma_wait3A_314 : memref<40x128xf32, #tpu.memory_space<vmem_shared>>) dst(%arg17 : memref<40x128xf32, #tpu.memory_space<vmem>>)
        tpu.yield
      }) : () -> ()
      "tpu.region"() ({
        %run_scoped3A = tpu.sem_alloc : memref<!tpu.dma_semaphore, #tpu.memory_space<semaphore_mem>>
        %dma_start3A_307 = arith.constant 0 : i32
        %dma_start3A_308 = arith.constant 0 : i32
        %dma_start3A_309 = tpu.memref_slice %arg6[%arg0, %dma_start3A_307, %dma_start3A_308] : memref<2x10000x128xf32, #tpu.memory_space<hbm>> -> memref<1x10000x128xf32, #tpu.memory_space<hbm>>
        %dma_start3A_310 = tpu.memref_squeeze %dma_start3A_309 : memref<1x10000x128xf32, #tpu.memory_space<hbm>> -> memref<10000x128xf32, #tpu.memory_space<hbm>>
        %dma_start3A_311 = arith.constant 0 : i32
        %dma_start3A_312 = tpu.memref_slice %dma_start3A_310[%mul3A_306, %dma_start3A_311] : memref<10000x128xf32, #tpu.memory_space<hbm>> -> memref<40x128xf32, #tpu.memory_space<hbm>>
        %dma_start3A_313 = arith.constant 0 : i32
        %dma_start3A_314 = arith.constant 0 : i32
        %dma_start3A_315 = tpu.memref_slice %arg6[%arg0, %dma_start3A_313, %dma_start3A_314] : memref<2x10000x128xf32, #tpu.memory_space<hbm>> -> memref<1x10000x128xf32, #tpu.memory_space<hbm>>
        %dma_start3A_316 = tpu.memref_squeeze %dma_start3A_315 : memref<1x10000x128xf32, #tpu.memory_space<hbm>> -> memref<10000x128xf32, #tpu.memory_space<hbm>>
        %dma_start3A_317 = arith.constant 0 : i32
        %dma_start3A_318 = tpu.memref_slice %dma_start3A_316[%mul3A_306, %dma_start3A_317] : memref<10000x128xf32, #tpu.memory_space<hbm>> -> memref<40x128xf32, #tpu.memory_space<hbm>>
        tpu.enqueue_dma source(%arg17 : memref<40x128xf32, #tpu.memory_space<vmem>>) target(%dma_start3A_318 : memref<40x128xf32, #tpu.memory_space<hbm>>) target_semaphore(%run_scoped3A : memref<!tpu.dma_semaphore, #tpu.memory_space<semaphore_mem>>)
        %dma_wait3A_319 = arith.constant 0 : i32
        %dma_wait3A_320 = arith.constant 0 : i32
        %dma_wait3A_321 = tpu.memref_slice %arg6[%arg0, %dma_wait3A_319, %dma_wait3A_320] : memref<2x10000x128xf32, #tpu.memory_space<hbm>> -> memref<1x10000x128xf32, #tpu.memory_space<hbm>>
        %dma_wait3A_322 = tpu.memref_squeeze %dma_wait3A_321 : memref<1x10000x128xf32, #tpu.memory_space<hbm>> -> memref<10000x128xf32, #tpu.memory_space<hbm>>
        %dma_wait3A_323 = arith.constant 0 : i32
        %dma_wait3A_324 = tpu.memref_slice %dma_wait3A_322[%mul3A_306, %dma_wait3A_323] : memref<10000x128xf32, #tpu.memory_space<hbm>> -> memref<40x128xf32, #tpu.memory_space<hbm>>
        %dma_wait3A_325 = arith.constant 0 : i32
        %dma_wait3A_326 = arith.constant 0 : i32
        %dma_wait3A_327 = tpu.memref_slice %arg6[%arg0, %dma_wait3A_325, %dma_wait3A_326] : memref<2x10000x128xf32, #tpu.memory_space<hbm>> -> memref<1x10000x128xf32, #tpu.memory_space<hbm>>
        %dma_wait3A_328 = tpu.memref_squeeze %dma_wait3A_327 : memref<1x10000x128xf32, #tpu.memory_space<hbm>> -> memref<10000x128xf32, #tpu.memory_space<hbm>>
        %dma_wait3A_329 = arith.constant 0 : i32
        %dma_wait3A_330 = tpu.memref_slice %dma_wait3A_328[%mul3A_306, %dma_wait3A_329] : memref<10000x128xf32, #tpu.memory_space<hbm>> -> memref<40x128xf32, #tpu.memory_space<hbm>>
        tpu.wait_dma2 semaphore(%run_scoped3A : memref<!tpu.dma_semaphore, #tpu.memory_space<semaphore_mem>>) src(%arg17 : memref<40x128xf32, #tpu.memory_space<vmem>>) dst(%dma_wait3A_330 : memref<40x128xf32, #tpu.memory_space<hbm>>)
        tpu.yield
      }) : () -> ()
    } else {
    }
    %add3A_235 = arith.constant 96 : i32
    %add3A_236 = arith.addi %add3A_235, %arg1 : i32
    %lt3A_237 = arith.constant 250 : i32
    %lt3A_238 = arith.cmpi slt, %add3A_236, %lt3A_237 : i32
    %convert_element_type3A_239 = arith.extui %lt3A_238 : i1 to i32
    %cond3A_240 = arith.constant 0 : i32
    %cond3A_241 = arith.cmpi ne, %convert_element_type3A_239, %cond3A_240 : i32
    scf.if %cond3A_241 {
      %mul3A_305 = arith.constant 40 : i32
      %mul3A_306 = arith.muli %add3A_236, %mul3A_305 : i32
      "tpu.region"() ({
        %run_scoped3A = tpu.sem_alloc : memref<!tpu.dma_semaphore, #tpu.memory_space<semaphore_mem>>
        %dma_start3A_307 = arith.constant 0 : i32
        %dma_start3A_308 = tpu.memref_slice %arg22[%mul3A_306, %dma_start3A_307] : memref<10000x128xf32, #tpu.memory_space<vmem_shared>> -> memref<40x128xf32, #tpu.memory_space<vmem_shared>>
        %dma_start3A_309 = arith.constant 0 : i32
        %dma_start3A_310 = tpu.memref_slice %arg22[%mul3A_306, %dma_start3A_309] : memref<10000x128xf32, #tpu.memory_space<vmem_shared>> -> memref<40x128xf32, #tpu.memory_space<vmem_shared>>
        tpu.enqueue_dma source(%dma_start3A_310 : memref<40x128xf32, #tpu.memory_space<vmem_shared>>) target(%arg17 : memref<40x128xf32, #tpu.memory_space<vmem>>) target_semaphore(%run_scoped3A : memref<!tpu.dma_semaphore, #tpu.memory_space<semaphore_mem>>)
        %dma_wait3A_311 = arith.constant 0 : i32
        %dma_wait3A_312 = tpu.memref_slice %arg22[%mul3A_306, %dma_wait3A_311] : memref<10000x128xf32, #tpu.memory_space<vmem_shared>> -> memref<40x128xf32, #tpu.memory_space<vmem_shared>>
        %dma_wait3A_313 = arith.constant 0 : i32
        %dma_wait3A_314 = tpu.memref_slice %arg22[%mul3A_306, %dma_wait3A_313] : memref<10000x128xf32, #tpu.memory_space<vmem_shared>> -> memref<40x128xf32, #tpu.memory_space<vmem_shared>>
        tpu.wait_dma2 semaphore(%run_scoped3A : memref<!tpu.dma_semaphore, #tpu.memory_space<semaphore_mem>>) src(%dma_wait3A_314 : memref<40x128xf32, #tpu.memory_space<vmem_shared>>) dst(%arg17 : memref<40x128xf32, #tpu.memory_space<vmem>>)
        tpu.yield
      }) : () -> ()
      "tpu.region"() ({
        %run_scoped3A = tpu.sem_alloc : memref<!tpu.dma_semaphore, #tpu.memory_space<semaphore_mem>>
        %dma_start3A_307 = arith.constant 0 : i32
        %dma_start3A_308 = arith.constant 0 : i32
        %dma_start3A_309 = tpu.memref_slice %arg6[%arg0, %dma_start3A_307, %dma_start3A_308] : memref<2x10000x128xf32, #tpu.memory_space<hbm>> -> memref<1x10000x128xf32, #tpu.memory_space<hbm>>
        %dma_start3A_310 = tpu.memref_squeeze %dma_start3A_309 : memref<1x10000x128xf32, #tpu.memory_space<hbm>> -> memref<10000x128xf32, #tpu.memory_space<hbm>>
        %dma_start3A_311 = arith.constant 0 : i32
        %dma_start3A_312 = tpu.memref_slice %dma_start3A_310[%mul3A_306, %dma_start3A_311] : memref<10000x128xf32, #tpu.memory_space<hbm>> -> memref<40x128xf32, #tpu.memory_space<hbm>>
        %dma_start3A_313 = arith.constant 0 : i32
        %dma_start3A_314 = arith.constant 0 : i32
        %dma_start3A_315 = tpu.memref_slice %arg6[%arg0, %dma_start3A_313, %dma_start3A_314] : memref<2x10000x128xf32, #tpu.memory_space<hbm>> -> memref<1x10000x128xf32, #tpu.memory_space<hbm>>
        %dma_start3A_316 = tpu.memref_squeeze %dma_start3A_315 : memref<1x10000x128xf32, #tpu.memory_space<hbm>> -> memref<10000x128xf32, #tpu.memory_space<hbm>>
        %dma_start3A_317 = arith.constant 0 : i32
        %dma_start3A_318 = tpu.memref_slice %dma_start3A_316[%mul3A_306, %dma_start3A_317] : memref<10000x128xf32, #tpu.memory_space<hbm>> -> memref<40x128xf32, #tpu.memory_space<hbm>>
        tpu.enqueue_dma source(%arg17 : memref<40x128xf32, #tpu.memory_space<vmem>>) target(%dma_start3A_318 : memref<40x128xf32, #tpu.memory_space<hbm>>) target_semaphore(%run_scoped3A : memref<!tpu.dma_semaphore, #tpu.memory_space<semaphore_mem>>)
        %dma_wait3A_319 = arith.constant 0 : i32
        %dma_wait3A_320 = arith.constant 0 : i32
        %dma_wait3A_321 = tpu.memref_slice %arg6[%arg0, %dma_wait3A_319, %dma_wait3A_320] : memref<2x10000x128xf32, #tpu.memory_space<hbm>> -> memref<1x10000x128xf32, #tpu.memory_space<hbm>>
        %dma_wait3A_322 = tpu.memref_squeeze %dma_wait3A_321 : memref<1x10000x128xf32, #tpu.memory_space<hbm>> -> memref<10000x128xf32, #tpu.memory_space<hbm>>
        %dma_wait3A_323 = arith.constant 0 : i32
        %dma_wait3A_324 = tpu.memref_slice %dma_wait3A_322[%mul3A_306, %dma_wait3A_323] : memref<10000x128xf32, #tpu.memory_space<hbm>> -> memref<40x128xf32, #tpu.memory_space<hbm>>
        %dma_wait3A_325 = arith.constant 0 : i32
        %dma_wait3A_326 = arith.constant 0 : i32
        %dma_wait3A_327 = tpu.memref_slice %arg6[%arg0, %dma_wait3A_325, %dma_wait3A_326] : memref<2x10000x128xf32, #tpu.memory_space<hbm>> -> memref<1x10000x128xf32, #tpu.memory_space<hbm>>
        %dma_wait3A_328 = tpu.memref_squeeze %dma_wait3A_327 : memref<1x10000x128xf32, #tpu.memory_space<hbm>> -> memref<10000x128xf32, #tpu.memory_space<hbm>>
        %dma_wait3A_329 = arith.constant 0 : i32
        %dma_wait3A_330 = tpu.memref_slice %dma_wait3A_328[%mul3A_306, %dma_wait3A_329] : memref<10000x128xf32, #tpu.memory_space<hbm>> -> memref<40x128xf32, #tpu.memory_space<hbm>>
        tpu.wait_dma2 semaphore(%run_scoped3A : memref<!tpu.dma_semaphore, #tpu.memory_space<semaphore_mem>>) src(%arg17 : memref<40x128xf32, #tpu.memory_space<vmem>>) dst(%dma_wait3A_330 : memref<40x128xf32, #tpu.memory_space<hbm>>)
        tpu.yield
      }) : () -> ()
    } else {
    }
    %add3A_242 = arith.constant 112 : i32
    %add3A_243 = arith.addi %add3A_242, %arg1 : i32
    %lt3A_244 = arith.constant 250 : i32
    %lt3A_245 = arith.cmpi slt, %add3A_243, %lt3A_244 : i32
    %convert_element_type3A_246 = arith.extui %lt3A_245 : i1 to i32
    %cond3A_247 = arith.constant 0 : i32
    %cond3A_248 = arith.cmpi ne, %convert_element_type3A_246, %cond3A_247 : i32
    scf.if %cond3A_248 {
      %mul3A_305 = arith.constant 40 : i32
      %mul3A_306 = arith.muli %add3A_243, %mul3A_305 : i32
      "tpu.region"() ({
        %run_scoped3A = tpu.sem_alloc : memref<!tpu.dma_semaphore, #tpu.memory_space<semaphore_mem>>
        %dma_start3A_307 = arith.constant 0 : i32
        %dma_start3A_308 = tpu.memref_slice %arg22[%mul3A_306, %dma_start3A_307] : memref<10000x128xf32, #tpu.memory_space<vmem_shared>> -> memref<40x128xf32, #tpu.memory_space<vmem_shared>>
        %dma_start3A_309 = arith.constant 0 : i32
        %dma_start3A_310 = tpu.memref_slice %arg22[%mul3A_306, %dma_start3A_309] : memref<10000x128xf32, #tpu.memory_space<vmem_shared>> -> memref<40x128xf32, #tpu.memory_space<vmem_shared>>
        tpu.enqueue_dma source(%dma_start3A_310 : memref<40x128xf32, #tpu.memory_space<vmem_shared>>) target(%arg17 : memref<40x128xf32, #tpu.memory_space<vmem>>) target_semaphore(%run_scoped3A : memref<!tpu.dma_semaphore, #tpu.memory_space<semaphore_mem>>)
        %dma_wait3A_311 = arith.constant 0 : i32
        %dma_wait3A_312 = tpu.memref_slice %arg22[%mul3A_306, %dma_wait3A_311] : memref<10000x128xf32, #tpu.memory_space<vmem_shared>> -> memref<40x128xf32, #tpu.memory_space<vmem_shared>>
        %dma_wait3A_313 = arith.constant 0 : i32
        %dma_wait3A_314 = tpu.memref_slice %arg22[%mul3A_306, %dma_wait3A_313] : memref<10000x128xf32, #tpu.memory_space<vmem_shared>> -> memref<40x128xf32, #tpu.memory_space<vmem_shared>>
        tpu.wait_dma2 semaphore(%run_scoped3A : memref<!tpu.dma_semaphore, #tpu.memory_space<semaphore_mem>>) src(%dma_wait3A_314 : memref<40x128xf32, #tpu.memory_space<vmem_shared>>) dst(%arg17 : memref<40x128xf32, #tpu.memory_space<vmem>>)
        tpu.yield
      }) : () -> ()
      "tpu.region"() ({
        %run_scoped3A = tpu.sem_alloc : memref<!tpu.dma_semaphore, #tpu.memory_space<semaphore_mem>>
        %dma_start3A_307 = arith.constant 0 : i32
        %dma_start3A_308 = arith.constant 0 : i32
        %dma_start3A_309 = tpu.memref_slice %arg6[%arg0, %dma_start3A_307, %dma_start3A_308] : memref<2x10000x128xf32, #tpu.memory_space<hbm>> -> memref<1x10000x128xf32, #tpu.memory_space<hbm>>
        %dma_start3A_310 = tpu.memref_squeeze %dma_start3A_309 : memref<1x10000x128xf32, #tpu.memory_space<hbm>> -> memref<10000x128xf32, #tpu.memory_space<hbm>>
        %dma_start3A_311 = arith.constant 0 : i32
        %dma_start3A_312 = tpu.memref_slice %dma_start3A_310[%mul3A_306, %dma_start3A_311] : memref<10000x128xf32, #tpu.memory_space<hbm>> -> memref<40x128xf32, #tpu.memory_space<hbm>>
        %dma_start3A_313 = arith.constant 0 : i32
        %dma_start3A_314 = arith.constant 0 : i32
        %dma_start3A_315 = tpu.memref_slice %arg6[%arg0, %dma_start3A_313, %dma_start3A_314] : memref<2x10000x128xf32, #tpu.memory_space<hbm>> -> memref<1x10000x128xf32, #tpu.memory_space<hbm>>
        %dma_start3A_316 = tpu.memref_squeeze %dma_start3A_315 : memref<1x10000x128xf32, #tpu.memory_space<hbm>> -> memref<10000x128xf32, #tpu.memory_space<hbm>>
        %dma_start3A_317 = arith.constant 0 : i32
        %dma_start3A_318 = tpu.memref_slice %dma_start3A_316[%mul3A_306, %dma_start3A_317] : memref<10000x128xf32, #tpu.memory_space<hbm>> -> memref<40x128xf32, #tpu.memory_space<hbm>>
        tpu.enqueue_dma source(%arg17 : memref<40x128xf32, #tpu.memory_space<vmem>>) target(%dma_start3A_318 : memref<40x128xf32, #tpu.memory_space<hbm>>) target_semaphore(%run_scoped3A : memref<!tpu.dma_semaphore, #tpu.memory_space<semaphore_mem>>)
        %dma_wait3A_319 = arith.constant 0 : i32
        %dma_wait3A_320 = arith.constant 0 : i32
        %dma_wait3A_321 = tpu.memref_slice %arg6[%arg0, %dma_wait3A_319, %dma_wait3A_320] : memref<2x10000x128xf32, #tpu.memory_space<hbm>> -> memref<1x10000x128xf32, #tpu.memory_space<hbm>>
        %dma_wait3A_322 = tpu.memref_squeeze %dma_wait3A_321 : memref<1x10000x128xf32, #tpu.memory_space<hbm>> -> memref<10000x128xf32, #tpu.memory_space<hbm>>
        %dma_wait3A_323 = arith.constant 0 : i32
        %dma_wait3A_324 = tpu.memref_slice %dma_wait3A_322[%mul3A_306, %dma_wait3A_323] : memref<10000x128xf32, #tpu.memory_space<hbm>> -> memref<40x128xf32, #tpu.memory_space<hbm>>
        %dma_wait3A_325 = arith.constant 0 : i32
        %dma_wait3A_326 = arith.constant 0 : i32
        %dma_wait3A_327 = tpu.memref_slice %arg6[%arg0, %dma_wait3A_325, %dma_wait3A_326] : memref<2x10000x128xf32, #tpu.memory_space<hbm>> -> memref<1x10000x128xf32, #tpu.memory_space<hbm>>
        %dma_wait3A_328 = tpu.memref_squeeze %dma_wait3A_327 : memref<1x10000x128xf32, #tpu.memory_space<hbm>> -> memref<10000x128xf32, #tpu.memory_space<hbm>>
        %dma_wait3A_329 = arith.constant 0 : i32
        %dma_wait3A_330 = tpu.memref_slice %dma_wait3A_328[%mul3A_306, %dma_wait3A_329] : memref<10000x128xf32, #tpu.memory_space<hbm>> -> memref<40x128xf32, #tpu.memory_space<hbm>>
        tpu.wait_dma2 semaphore(%run_scoped3A : memref<!tpu.dma_semaphore, #tpu.memory_space<semaphore_mem>>) src(%arg17 : memref<40x128xf32, #tpu.memory_space<vmem>>) dst(%dma_wait3A_330 : memref<40x128xf32, #tpu.memory_space<hbm>>)
        tpu.yield
      }) : () -> ()
    } else {
    }
    %add3A_249 = arith.constant 128 : i32
    %add3A_250 = arith.addi %add3A_249, %arg1 : i32
    %lt3A_251 = arith.constant 250 : i32
    %lt3A_252 = arith.cmpi slt, %add3A_250, %lt3A_251 : i32
    %convert_element_type3A_253 = arith.extui %lt3A_252 : i1 to i32
    %cond3A_254 = arith.constant 0 : i32
    %cond3A_255 = arith.cmpi ne, %convert_element_type3A_253, %cond3A_254 : i32
    scf.if %cond3A_255 {
      %mul3A_305 = arith.constant 40 : i32
      %mul3A_306 = arith.muli %add3A_250, %mul3A_305 : i32
      "tpu.region"() ({
        %run_scoped3A = tpu.sem_alloc : memref<!tpu.dma_semaphore, #tpu.memory_space<semaphore_mem>>
        %dma_start3A_307 = arith.constant 0 : i32
        %dma_start3A_308 = tpu.memref_slice %arg22[%mul3A_306, %dma_start3A_307] : memref<10000x128xf32, #tpu.memory_space<vmem_shared>> -> memref<40x128xf32, #tpu.memory_space<vmem_shared>>
        %dma_start3A_309 = arith.constant 0 : i32
        %dma_start3A_310 = tpu.memref_slice %arg22[%mul3A_306, %dma_start3A_309] : memref<10000x128xf32, #tpu.memory_space<vmem_shared>> -> memref<40x128xf32, #tpu.memory_space<vmem_shared>>
        tpu.enqueue_dma source(%dma_start3A_310 : memref<40x128xf32, #tpu.memory_space<vmem_shared>>) target(%arg17 : memref<40x128xf32, #tpu.memory_space<vmem>>) target_semaphore(%run_scoped3A : memref<!tpu.dma_semaphore, #tpu.memory_space<semaphore_mem>>)
        %dma_wait3A_311 = arith.constant 0 : i32
        %dma_wait3A_312 = tpu.memref_slice %arg22[%mul3A_306, %dma_wait3A_311] : memref<10000x128xf32, #tpu.memory_space<vmem_shared>> -> memref<40x128xf32, #tpu.memory_space<vmem_shared>>
        %dma_wait3A_313 = arith.constant 0 : i32
        %dma_wait3A_314 = tpu.memref_slice %arg22[%mul3A_306, %dma_wait3A_313] : memref<10000x128xf32, #tpu.memory_space<vmem_shared>> -> memref<40x128xf32, #tpu.memory_space<vmem_shared>>
        tpu.wait_dma2 semaphore(%run_scoped3A : memref<!tpu.dma_semaphore, #tpu.memory_space<semaphore_mem>>) src(%dma_wait3A_314 : memref<40x128xf32, #tpu.memory_space<vmem_shared>>) dst(%arg17 : memref<40x128xf32, #tpu.memory_space<vmem>>)
        tpu.yield
      }) : () -> ()
      "tpu.region"() ({
        %run_scoped3A = tpu.sem_alloc : memref<!tpu.dma_semaphore, #tpu.memory_space<semaphore_mem>>
        %dma_start3A_307 = arith.constant 0 : i32
        %dma_start3A_308 = arith.constant 0 : i32
        %dma_start3A_309 = tpu.memref_slice %arg6[%arg0, %dma_start3A_307, %dma_start3A_308] : memref<2x10000x128xf32, #tpu.memory_space<hbm>> -> memref<1x10000x128xf32, #tpu.memory_space<hbm>>
        %dma_start3A_310 = tpu.memref_squeeze %dma_start3A_309 : memref<1x10000x128xf32, #tpu.memory_space<hbm>> -> memref<10000x128xf32, #tpu.memory_space<hbm>>
        %dma_start3A_311 = arith.constant 0 : i32
        %dma_start3A_312 = tpu.memref_slice %dma_start3A_310[%mul3A_306, %dma_start3A_311] : memref<10000x128xf32, #tpu.memory_space<hbm>> -> memref<40x128xf32, #tpu.memory_space<hbm>>
        %dma_start3A_313 = arith.constant 0 : i32
        %dma_start3A_314 = arith.constant 0 : i32
        %dma_start3A_315 = tpu.memref_slice %arg6[%arg0, %dma_start3A_313, %dma_start3A_314] : memref<2x10000x128xf32, #tpu.memory_space<hbm>> -> memref<1x10000x128xf32, #tpu.memory_space<hbm>>
        %dma_start3A_316 = tpu.memref_squeeze %dma_start3A_315 : memref<1x10000x128xf32, #tpu.memory_space<hbm>> -> memref<10000x128xf32, #tpu.memory_space<hbm>>
        %dma_start3A_317 = arith.constant 0 : i32
        %dma_start3A_318 = tpu.memref_slice %dma_start3A_316[%mul3A_306, %dma_start3A_317] : memref<10000x128xf32, #tpu.memory_space<hbm>> -> memref<40x128xf32, #tpu.memory_space<hbm>>
        tpu.enqueue_dma source(%arg17 : memref<40x128xf32, #tpu.memory_space<vmem>>) target(%dma_start3A_318 : memref<40x128xf32, #tpu.memory_space<hbm>>) target_semaphore(%run_scoped3A : memref<!tpu.dma_semaphore, #tpu.memory_space<semaphore_mem>>)
        %dma_wait3A_319 = arith.constant 0 : i32
        %dma_wait3A_320 = arith.constant 0 : i32
        %dma_wait3A_321 = tpu.memref_slice %arg6[%arg0, %dma_wait3A_319, %dma_wait3A_320] : memref<2x10000x128xf32, #tpu.memory_space<hbm>> -> memref<1x10000x128xf32, #tpu.memory_space<hbm>>
        %dma_wait3A_322 = tpu.memref_squeeze %dma_wait3A_321 : memref<1x10000x128xf32, #tpu.memory_space<hbm>> -> memref<10000x128xf32, #tpu.memory_space<hbm>>
        %dma_wait3A_323 = arith.constant 0 : i32
        %dma_wait3A_324 = tpu.memref_slice %dma_wait3A_322[%mul3A_306, %dma_wait3A_323] : memref<10000x128xf32, #tpu.memory_space<hbm>> -> memref<40x128xf32, #tpu.memory_space<hbm>>
        %dma_wait3A_325 = arith.constant 0 : i32
        %dma_wait3A_326 = arith.constant 0 : i32
        %dma_wait3A_327 = tpu.memref_slice %arg6[%arg0, %dma_wait3A_325, %dma_wait3A_326] : memref<2x10000x128xf32, #tpu.memory_space<hbm>> -> memref<1x10000x128xf32, #tpu.memory_space<hbm>>
        %dma_wait3A_328 = tpu.memref_squeeze %dma_wait3A_327 : memref<1x10000x128xf32, #tpu.memory_space<hbm>> -> memref<10000x128xf32, #tpu.memory_space<hbm>>
        %dma_wait3A_329 = arith.constant 0 : i32
        %dma_wait3A_330 = tpu.memref_slice %dma_wait3A_328[%mul3A_306, %dma_wait3A_329] : memref<10000x128xf32, #tpu.memory_space<hbm>> -> memref<40x128xf32, #tpu.memory_space<hbm>>
        tpu.wait_dma2 semaphore(%run_scoped3A : memref<!tpu.dma_semaphore, #tpu.memory_space<semaphore_mem>>) src(%arg17 : memref<40x128xf32, #tpu.memory_space<vmem>>) dst(%dma_wait3A_330 : memref<40x128xf32, #tpu.memory_space<hbm>>)
        tpu.yield
      }) : () -> ()
    } else {
    }
    %add3A_256 = arith.constant 144 : i32
    %add3A_257 = arith.addi %add3A_256, %arg1 : i32
    %lt3A_258 = arith.constant 250 : i32
    %lt3A_259 = arith.cmpi slt, %add3A_257, %lt3A_258 : i32
    %convert_element_type3A_260 = arith.extui %lt3A_259 : i1 to i32
    %cond3A_261 = arith.constant 0 : i32
    %cond3A_262 = arith.cmpi ne, %convert_element_type3A_260, %cond3A_261 : i32
    scf.if %cond3A_262 {
      %mul3A_305 = arith.constant 40 : i32
      %mul3A_306 = arith.muli %add3A_257, %mul3A_305 : i32
      "tpu.region"() ({
        %run_scoped3A = tpu.sem_alloc : memref<!tpu.dma_semaphore, #tpu.memory_space<semaphore_mem>>
        %dma_start3A_307 = arith.constant 0 : i32
        %dma_start3A_308 = tpu.memref_slice %arg22[%mul3A_306, %dma_start3A_307] : memref<10000x128xf32, #tpu.memory_space<vmem_shared>> -> memref<40x128xf32, #tpu.memory_space<vmem_shared>>
        %dma_start3A_309 = arith.constant 0 : i32
        %dma_start3A_310 = tpu.memref_slice %arg22[%mul3A_306, %dma_start3A_309] : memref<10000x128xf32, #tpu.memory_space<vmem_shared>> -> memref<40x128xf32, #tpu.memory_space<vmem_shared>>
        tpu.enqueue_dma source(%dma_start3A_310 : memref<40x128xf32, #tpu.memory_space<vmem_shared>>) target(%arg17 : memref<40x128xf32, #tpu.memory_space<vmem>>) target_semaphore(%run_scoped3A : memref<!tpu.dma_semaphore, #tpu.memory_space<semaphore_mem>>)
        %dma_wait3A_311 = arith.constant 0 : i32
        %dma_wait3A_312 = tpu.memref_slice %arg22[%mul3A_306, %dma_wait3A_311] : memref<10000x128xf32, #tpu.memory_space<vmem_shared>> -> memref<40x128xf32, #tpu.memory_space<vmem_shared>>
        %dma_wait3A_313 = arith.constant 0 : i32
        %dma_wait3A_314 = tpu.memref_slice %arg22[%mul3A_306, %dma_wait3A_313] : memref<10000x128xf32, #tpu.memory_space<vmem_shared>> -> memref<40x128xf32, #tpu.memory_space<vmem_shared>>
        tpu.wait_dma2 semaphore(%run_scoped3A : memref<!tpu.dma_semaphore, #tpu.memory_space<semaphore_mem>>) src(%dma_wait3A_314 : memref<40x128xf32, #tpu.memory_space<vmem_shared>>) dst(%arg17 : memref<40x128xf32, #tpu.memory_space<vmem>>)
        tpu.yield
      }) : () -> ()
      "tpu.region"() ({
        %run_scoped3A = tpu.sem_alloc : memref<!tpu.dma_semaphore, #tpu.memory_space<semaphore_mem>>
        %dma_start3A_307 = arith.constant 0 : i32
        %dma_start3A_308 = arith.constant 0 : i32
        %dma_start3A_309 = tpu.memref_slice %arg6[%arg0, %dma_start3A_307, %dma_start3A_308] : memref<2x10000x128xf32, #tpu.memory_space<hbm>> -> memref<1x10000x128xf32, #tpu.memory_space<hbm>>
        %dma_start3A_310 = tpu.memref_squeeze %dma_start3A_309 : memref<1x10000x128xf32, #tpu.memory_space<hbm>> -> memref<10000x128xf32, #tpu.memory_space<hbm>>
        %dma_start3A_311 = arith.constant 0 : i32
        %dma_start3A_312 = tpu.memref_slice %dma_start3A_310[%mul3A_306, %dma_start3A_311] : memref<10000x128xf32, #tpu.memory_space<hbm>> -> memref<40x128xf32, #tpu.memory_space<hbm>>
        %dma_start3A_313 = arith.constant 0 : i32
        %dma_start3A_314 = arith.constant 0 : i32
        %dma_start3A_315 = tpu.memref_slice %arg6[%arg0, %dma_start3A_313, %dma_start3A_314] : memref<2x10000x128xf32, #tpu.memory_space<hbm>> -> memref<1x10000x128xf32, #tpu.memory_space<hbm>>
        %dma_start3A_316 = tpu.memref_squeeze %dma_start3A_315 : memref<1x10000x128xf32, #tpu.memory_space<hbm>> -> memref<10000x128xf32, #tpu.memory_space<hbm>>
        %dma_start3A_317 = arith.constant 0 : i32
        %dma_start3A_318 = tpu.memref_slice %dma_start3A_316[%mul3A_306, %dma_start3A_317] : memref<10000x128xf32, #tpu.memory_space<hbm>> -> memref<40x128xf32, #tpu.memory_space<hbm>>
        tpu.enqueue_dma source(%arg17 : memref<40x128xf32, #tpu.memory_space<vmem>>) target(%dma_start3A_318 : memref<40x128xf32, #tpu.memory_space<hbm>>) target_semaphore(%run_scoped3A : memref<!tpu.dma_semaphore, #tpu.memory_space<semaphore_mem>>)
        %dma_wait3A_319 = arith.constant 0 : i32
        %dma_wait3A_320 = arith.constant 0 : i32
        %dma_wait3A_321 = tpu.memref_slice %arg6[%arg0, %dma_wait3A_319, %dma_wait3A_320] : memref<2x10000x128xf32, #tpu.memory_space<hbm>> -> memref<1x10000x128xf32, #tpu.memory_space<hbm>>
        %dma_wait3A_322 = tpu.memref_squeeze %dma_wait3A_321 : memref<1x10000x128xf32, #tpu.memory_space<hbm>> -> memref<10000x128xf32, #tpu.memory_space<hbm>>
        %dma_wait3A_323 = arith.constant 0 : i32
        %dma_wait3A_324 = tpu.memref_slice %dma_wait3A_322[%mul3A_306, %dma_wait3A_323] : memref<10000x128xf32, #tpu.memory_space<hbm>> -> memref<40x128xf32, #tpu.memory_space<hbm>>
        %dma_wait3A_325 = arith.constant 0 : i32
        %dma_wait3A_326 = arith.constant 0 : i32
        %dma_wait3A_327 = tpu.memref_slice %arg6[%arg0, %dma_wait3A_325, %dma_wait3A_326] : memref<2x10000x128xf32, #tpu.memory_space<hbm>> -> memref<1x10000x128xf32, #tpu.memory_space<hbm>>
        %dma_wait3A_328 = tpu.memref_squeeze %dma_wait3A_327 : memref<1x10000x128xf32, #tpu.memory_space<hbm>> -> memref<10000x128xf32, #tpu.memory_space<hbm>>
        %dma_wait3A_329 = arith.constant 0 : i32
        %dma_wait3A_330 = tpu.memref_slice %dma_wait3A_328[%mul3A_306, %dma_wait3A_329] : memref<10000x128xf32, #tpu.memory_space<hbm>> -> memref<40x128xf32, #tpu.memory_space<hbm>>
        tpu.wait_dma2 semaphore(%run_scoped3A : memref<!tpu.dma_semaphore, #tpu.memory_space<semaphore_mem>>) src(%arg17 : memref<40x128xf32, #tpu.memory_space<vmem>>) dst(%dma_wait3A_330 : memref<40x128xf32, #tpu.memory_space<hbm>>)
        tpu.yield
      }) : () -> ()
    } else {
    }
    %add3A_263 = arith.constant 160 : i32
    %add3A_264 = arith.addi %add3A_263, %arg1 : i32
    %lt3A_265 = arith.constant 250 : i32
    %lt3A_266 = arith.cmpi slt, %add3A_264, %lt3A_265 : i32
    %convert_element_type3A_267 = arith.extui %lt3A_266 : i1 to i32
    %cond3A_268 = arith.constant 0 : i32
    %cond3A_269 = arith.cmpi ne, %convert_element_type3A_267, %cond3A_268 : i32
    scf.if %cond3A_269 {
      %mul3A_305 = arith.constant 40 : i32
      %mul3A_306 = arith.muli %add3A_264, %mul3A_305 : i32
      "tpu.region"() ({
        %run_scoped3A = tpu.sem_alloc : memref<!tpu.dma_semaphore, #tpu.memory_space<semaphore_mem>>
        %dma_start3A_307 = arith.constant 0 : i32
        %dma_start3A_308 = tpu.memref_slice %arg22[%mul3A_306, %dma_start3A_307] : memref<10000x128xf32, #tpu.memory_space<vmem_shared>> -> memref<40x128xf32, #tpu.memory_space<vmem_shared>>
        %dma_start3A_309 = arith.constant 0 : i32
        %dma_start3A_310 = tpu.memref_slice %arg22[%mul3A_306, %dma_start3A_309] : memref<10000x128xf32, #tpu.memory_space<vmem_shared>> -> memref<40x128xf32, #tpu.memory_space<vmem_shared>>
        tpu.enqueue_dma source(%dma_start3A_310 : memref<40x128xf32, #tpu.memory_space<vmem_shared>>) target(%arg17 : memref<40x128xf32, #tpu.memory_space<vmem>>) target_semaphore(%run_scoped3A : memref<!tpu.dma_semaphore, #tpu.memory_space<semaphore_mem>>)
        %dma_wait3A_311 = arith.constant 0 : i32
        %dma_wait3A_312 = tpu.memref_slice %arg22[%mul3A_306, %dma_wait3A_311] : memref<10000x128xf32, #tpu.memory_space<vmem_shared>> -> memref<40x128xf32, #tpu.memory_space<vmem_shared>>
        %dma_wait3A_313 = arith.constant 0 : i32
        %dma_wait3A_314 = tpu.memref_slice %arg22[%mul3A_306, %dma_wait3A_313] : memref<10000x128xf32, #tpu.memory_space<vmem_shared>> -> memref<40x128xf32, #tpu.memory_space<vmem_shared>>
        tpu.wait_dma2 semaphore(%run_scoped3A : memref<!tpu.dma_semaphore, #tpu.memory_space<semaphore_mem>>) src(%dma_wait3A_314 : memref<40x128xf32, #tpu.memory_space<vmem_shared>>) dst(%arg17 : memref<40x128xf32, #tpu.memory_space<vmem>>)
        tpu.yield
      }) : () -> ()
      "tpu.region"() ({
        %run_scoped3A = tpu.sem_alloc : memref<!tpu.dma_semaphore, #tpu.memory_space<semaphore_mem>>
        %dma_start3A_307 = arith.constant 0 : i32
        %dma_start3A_308 = arith.constant 0 : i32
        %dma_start3A_309 = tpu.memref_slice %arg6[%arg0, %dma_start3A_307, %dma_start3A_308] : memref<2x10000x128xf32, #tpu.memory_space<hbm>> -> memref<1x10000x128xf32, #tpu.memory_space<hbm>>
        %dma_start3A_310 = tpu.memref_squeeze %dma_start3A_309 : memref<1x10000x128xf32, #tpu.memory_space<hbm>> -> memref<10000x128xf32, #tpu.memory_space<hbm>>
        %dma_start3A_311 = arith.constant 0 : i32
        %dma_start3A_312 = tpu.memref_slice %dma_start3A_310[%mul3A_306, %dma_start3A_311] : memref<10000x128xf32, #tpu.memory_space<hbm>> -> memref<40x128xf32, #tpu.memory_space<hbm>>
        %dma_start3A_313 = arith.constant 0 : i32
        %dma_start3A_314 = arith.constant 0 : i32
        %dma_start3A_315 = tpu.memref_slice %arg6[%arg0, %dma_start3A_313, %dma_start3A_314] : memref<2x10000x128xf32, #tpu.memory_space<hbm>> -> memref<1x10000x128xf32, #tpu.memory_space<hbm>>
        %dma_start3A_316 = tpu.memref_squeeze %dma_start3A_315 : memref<1x10000x128xf32, #tpu.memory_space<hbm>> -> memref<10000x128xf32, #tpu.memory_space<hbm>>
        %dma_start3A_317 = arith.constant 0 : i32
        %dma_start3A_318 = tpu.memref_slice %dma_start3A_316[%mul3A_306, %dma_start3A_317] : memref<10000x128xf32, #tpu.memory_space<hbm>> -> memref<40x128xf32, #tpu.memory_space<hbm>>
        tpu.enqueue_dma source(%arg17 : memref<40x128xf32, #tpu.memory_space<vmem>>) target(%dma_start3A_318 : memref<40x128xf32, #tpu.memory_space<hbm>>) target_semaphore(%run_scoped3A : memref<!tpu.dma_semaphore, #tpu.memory_space<semaphore_mem>>)
        %dma_wait3A_319 = arith.constant 0 : i32
        %dma_wait3A_320 = arith.constant 0 : i32
        %dma_wait3A_321 = tpu.memref_slice %arg6[%arg0, %dma_wait3A_319, %dma_wait3A_320] : memref<2x10000x128xf32, #tpu.memory_space<hbm>> -> memref<1x10000x128xf32, #tpu.memory_space<hbm>>
        %dma_wait3A_322 = tpu.memref_squeeze %dma_wait3A_321 : memref<1x10000x128xf32, #tpu.memory_space<hbm>> -> memref<10000x128xf32, #tpu.memory_space<hbm>>
        %dma_wait3A_323 = arith.constant 0 : i32
        %dma_wait3A_324 = tpu.memref_slice %dma_wait3A_322[%mul3A_306, %dma_wait3A_323] : memref<10000x128xf32, #tpu.memory_space<hbm>> -> memref<40x128xf32, #tpu.memory_space<hbm>>
        %dma_wait3A_325 = arith.constant 0 : i32
        %dma_wait3A_326 = arith.constant 0 : i32
        %dma_wait3A_327 = tpu.memref_slice %arg6[%arg0, %dma_wait3A_325, %dma_wait3A_326] : memref<2x10000x128xf32, #tpu.memory_space<hbm>> -> memref<1x10000x128xf32, #tpu.memory_space<hbm>>
        %dma_wait3A_328 = tpu.memref_squeeze %dma_wait3A_327 : memref<1x10000x128xf32, #tpu.memory_space<hbm>> -> memref<10000x128xf32, #tpu.memory_space<hbm>>
        %dma_wait3A_329 = arith.constant 0 : i32
        %dma_wait3A_330 = tpu.memref_slice %dma_wait3A_328[%mul3A_306, %dma_wait3A_329] : memref<10000x128xf32, #tpu.memory_space<hbm>> -> memref<40x128xf32, #tpu.memory_space<hbm>>
        tpu.wait_dma2 semaphore(%run_scoped3A : memref<!tpu.dma_semaphore, #tpu.memory_space<semaphore_mem>>) src(%arg17 : memref<40x128xf32, #tpu.memory_space<vmem>>) dst(%dma_wait3A_330 : memref<40x128xf32, #tpu.memory_space<hbm>>)
        tpu.yield
      }) : () -> ()
    } else {
    }
    %add3A_270 = arith.constant 176 : i32
    %add3A_271 = arith.addi %add3A_270, %arg1 : i32
    %lt3A_272 = arith.constant 250 : i32
    %lt3A_273 = arith.cmpi slt, %add3A_271, %lt3A_272 : i32
    %convert_element_type3A_274 = arith.extui %lt3A_273 : i1 to i32
    %cond3A_275 = arith.constant 0 : i32
    %cond3A_276 = arith.cmpi ne, %convert_element_type3A_274, %cond3A_275 : i32
    scf.if %cond3A_276 {
      %mul3A_305 = arith.constant 40 : i32
      %mul3A_306 = arith.muli %add3A_271, %mul3A_305 : i32
      "tpu.region"() ({
        %run_scoped3A = tpu.sem_alloc : memref<!tpu.dma_semaphore, #tpu.memory_space<semaphore_mem>>
        %dma_start3A_307 = arith.constant 0 : i32
        %dma_start3A_308 = tpu.memref_slice %arg22[%mul3A_306, %dma_start3A_307] : memref<10000x128xf32, #tpu.memory_space<vmem_shared>> -> memref<40x128xf32, #tpu.memory_space<vmem_shared>>
        %dma_start3A_309 = arith.constant 0 : i32
        %dma_start3A_310 = tpu.memref_slice %arg22[%mul3A_306, %dma_start3A_309] : memref<10000x128xf32, #tpu.memory_space<vmem_shared>> -> memref<40x128xf32, #tpu.memory_space<vmem_shared>>
        tpu.enqueue_dma source(%dma_start3A_310 : memref<40x128xf32, #tpu.memory_space<vmem_shared>>) target(%arg17 : memref<40x128xf32, #tpu.memory_space<vmem>>) target_semaphore(%run_scoped3A : memref<!tpu.dma_semaphore, #tpu.memory_space<semaphore_mem>>)
        %dma_wait3A_311 = arith.constant 0 : i32
        %dma_wait3A_312 = tpu.memref_slice %arg22[%mul3A_306, %dma_wait3A_311] : memref<10000x128xf32, #tpu.memory_space<vmem_shared>> -> memref<40x128xf32, #tpu.memory_space<vmem_shared>>
        %dma_wait3A_313 = arith.constant 0 : i32
        %dma_wait3A_314 = tpu.memref_slice %arg22[%mul3A_306, %dma_wait3A_313] : memref<10000x128xf32, #tpu.memory_space<vmem_shared>> -> memref<40x128xf32, #tpu.memory_space<vmem_shared>>
        tpu.wait_dma2 semaphore(%run_scoped3A : memref<!tpu.dma_semaphore, #tpu.memory_space<semaphore_mem>>) src(%dma_wait3A_314 : memref<40x128xf32, #tpu.memory_space<vmem_shared>>) dst(%arg17 : memref<40x128xf32, #tpu.memory_space<vmem>>)
        tpu.yield
      }) : () -> ()
      "tpu.region"() ({
        %run_scoped3A = tpu.sem_alloc : memref<!tpu.dma_semaphore, #tpu.memory_space<semaphore_mem>>
        %dma_start3A_307 = arith.constant 0 : i32
        %dma_start3A_308 = arith.constant 0 : i32
        %dma_start3A_309 = tpu.memref_slice %arg6[%arg0, %dma_start3A_307, %dma_start3A_308] : memref<2x10000x128xf32, #tpu.memory_space<hbm>> -> memref<1x10000x128xf32, #tpu.memory_space<hbm>>
        %dma_start3A_310 = tpu.memref_squeeze %dma_start3A_309 : memref<1x10000x128xf32, #tpu.memory_space<hbm>> -> memref<10000x128xf32, #tpu.memory_space<hbm>>
        %dma_start3A_311 = arith.constant 0 : i32
        %dma_start3A_312 = tpu.memref_slice %dma_start3A_310[%mul3A_306, %dma_start3A_311] : memref<10000x128xf32, #tpu.memory_space<hbm>> -> memref<40x128xf32, #tpu.memory_space<hbm>>
        %dma_start3A_313 = arith.constant 0 : i32
        %dma_start3A_314 = arith.constant 0 : i32
        %dma_start3A_315 = tpu.memref_slice %arg6[%arg0, %dma_start3A_313, %dma_start3A_314] : memref<2x10000x128xf32, #tpu.memory_space<hbm>> -> memref<1x10000x128xf32, #tpu.memory_space<hbm>>
        %dma_start3A_316 = tpu.memref_squeeze %dma_start3A_315 : memref<1x10000x128xf32, #tpu.memory_space<hbm>> -> memref<10000x128xf32, #tpu.memory_space<hbm>>
        %dma_start3A_317 = arith.constant 0 : i32
        %dma_start3A_318 = tpu.memref_slice %dma_start3A_316[%mul3A_306, %dma_start3A_317] : memref<10000x128xf32, #tpu.memory_space<hbm>> -> memref<40x128xf32, #tpu.memory_space<hbm>>
        tpu.enqueue_dma source(%arg17 : memref<40x128xf32, #tpu.memory_space<vmem>>) target(%dma_start3A_318 : memref<40x128xf32, #tpu.memory_space<hbm>>) target_semaphore(%run_scoped3A : memref<!tpu.dma_semaphore, #tpu.memory_space<semaphore_mem>>)
        %dma_wait3A_319 = arith.constant 0 : i32
        %dma_wait3A_320 = arith.constant 0 : i32
        %dma_wait3A_321 = tpu.memref_slice %arg6[%arg0, %dma_wait3A_319, %dma_wait3A_320] : memref<2x10000x128xf32, #tpu.memory_space<hbm>> -> memref<1x10000x128xf32, #tpu.memory_space<hbm>>
        %dma_wait3A_322 = tpu.memref_squeeze %dma_wait3A_321 : memref<1x10000x128xf32, #tpu.memory_space<hbm>> -> memref<10000x128xf32, #tpu.memory_space<hbm>>
        %dma_wait3A_323 = arith.constant 0 : i32
        %dma_wait3A_324 = tpu.memref_slice %dma_wait3A_322[%mul3A_306, %dma_wait3A_323] : memref<10000x128xf32, #tpu.memory_space<hbm>> -> memref<40x128xf32, #tpu.memory_space<hbm>>
        %dma_wait3A_325 = arith.constant 0 : i32
        %dma_wait3A_326 = arith.constant 0 : i32
        %dma_wait3A_327 = tpu.memref_slice %arg6[%arg0, %dma_wait3A_325, %dma_wait3A_326] : memref<2x10000x128xf32, #tpu.memory_space<hbm>> -> memref<1x10000x128xf32, #tpu.memory_space<hbm>>
        %dma_wait3A_328 = tpu.memref_squeeze %dma_wait3A_327 : memref<1x10000x128xf32, #tpu.memory_space<hbm>> -> memref<10000x128xf32, #tpu.memory_space<hbm>>
        %dma_wait3A_329 = arith.constant 0 : i32
        %dma_wait3A_330 = tpu.memref_slice %dma_wait3A_328[%mul3A_306, %dma_wait3A_329] : memref<10000x128xf32, #tpu.memory_space<hbm>> -> memref<40x128xf32, #tpu.memory_space<hbm>>
        tpu.wait_dma2 semaphore(%run_scoped3A : memref<!tpu.dma_semaphore, #tpu.memory_space<semaphore_mem>>) src(%arg17 : memref<40x128xf32, #tpu.memory_space<vmem>>) dst(%dma_wait3A_330 : memref<40x128xf32, #tpu.memory_space<hbm>>)
        tpu.yield
      }) : () -> ()
    } else {
    }
    %add3A_277 = arith.constant 192 : i32
    %add3A_278 = arith.addi %add3A_277, %arg1 : i32
    %lt3A_279 = arith.constant 250 : i32
    %lt3A_280 = arith.cmpi slt, %add3A_278, %lt3A_279 : i32
    %convert_element_type3A_281 = arith.extui %lt3A_280 : i1 to i32
    %cond3A_282 = arith.constant 0 : i32
    %cond3A_283 = arith.cmpi ne, %convert_element_type3A_281, %cond3A_282 : i32
    scf.if %cond3A_283 {
      %mul3A_305 = arith.constant 40 : i32
      %mul3A_306 = arith.muli %add3A_278, %mul3A_305 : i32
      "tpu.region"() ({
        %run_scoped3A = tpu.sem_alloc : memref<!tpu.dma_semaphore, #tpu.memory_space<semaphore_mem>>
        %dma_start3A_307 = arith.constant 0 : i32
        %dma_start3A_308 = tpu.memref_slice %arg22[%mul3A_306, %dma_start3A_307] : memref<10000x128xf32, #tpu.memory_space<vmem_shared>> -> memref<40x128xf32, #tpu.memory_space<vmem_shared>>
        %dma_start3A_309 = arith.constant 0 : i32
        %dma_start3A_310 = tpu.memref_slice %arg22[%mul3A_306, %dma_start3A_309] : memref<10000x128xf32, #tpu.memory_space<vmem_shared>> -> memref<40x128xf32, #tpu.memory_space<vmem_shared>>
        tpu.enqueue_dma source(%dma_start3A_310 : memref<40x128xf32, #tpu.memory_space<vmem_shared>>) target(%arg17 : memref<40x128xf32, #tpu.memory_space<vmem>>) target_semaphore(%run_scoped3A : memref<!tpu.dma_semaphore, #tpu.memory_space<semaphore_mem>>)
        %dma_wait3A_311 = arith.constant 0 : i32
        %dma_wait3A_312 = tpu.memref_slice %arg22[%mul3A_306, %dma_wait3A_311] : memref<10000x128xf32, #tpu.memory_space<vmem_shared>> -> memref<40x128xf32, #tpu.memory_space<vmem_shared>>
        %dma_wait3A_313 = arith.constant 0 : i32
        %dma_wait3A_314 = tpu.memref_slice %arg22[%mul3A_306, %dma_wait3A_313] : memref<10000x128xf32, #tpu.memory_space<vmem_shared>> -> memref<40x128xf32, #tpu.memory_space<vmem_shared>>
        tpu.wait_dma2 semaphore(%run_scoped3A : memref<!tpu.dma_semaphore, #tpu.memory_space<semaphore_mem>>) src(%dma_wait3A_314 : memref<40x128xf32, #tpu.memory_space<vmem_shared>>) dst(%arg17 : memref<40x128xf32, #tpu.memory_space<vmem>>)
        tpu.yield
      }) : () -> ()
      "tpu.region"() ({
        %run_scoped3A = tpu.sem_alloc : memref<!tpu.dma_semaphore, #tpu.memory_space<semaphore_mem>>
        %dma_start3A_307 = arith.constant 0 : i32
        %dma_start3A_308 = arith.constant 0 : i32
        %dma_start3A_309 = tpu.memref_slice %arg6[%arg0, %dma_start3A_307, %dma_start3A_308] : memref<2x10000x128xf32, #tpu.memory_space<hbm>> -> memref<1x10000x128xf32, #tpu.memory_space<hbm>>
        %dma_start3A_310 = tpu.memref_squeeze %dma_start3A_309 : memref<1x10000x128xf32, #tpu.memory_space<hbm>> -> memref<10000x128xf32, #tpu.memory_space<hbm>>
        %dma_start3A_311 = arith.constant 0 : i32
        %dma_start3A_312 = tpu.memref_slice %dma_start3A_310[%mul3A_306, %dma_start3A_311] : memref<10000x128xf32, #tpu.memory_space<hbm>> -> memref<40x128xf32, #tpu.memory_space<hbm>>
        %dma_start3A_313 = arith.constant 0 : i32
        %dma_start3A_314 = arith.constant 0 : i32
        %dma_start3A_315 = tpu.memref_slice %arg6[%arg0, %dma_start3A_313, %dma_start3A_314] : memref<2x10000x128xf32, #tpu.memory_space<hbm>> -> memref<1x10000x128xf32, #tpu.memory_space<hbm>>
        %dma_start3A_316 = tpu.memref_squeeze %dma_start3A_315 : memref<1x10000x128xf32, #tpu.memory_space<hbm>> -> memref<10000x128xf32, #tpu.memory_space<hbm>>
        %dma_start3A_317 = arith.constant 0 : i32
        %dma_start3A_318 = tpu.memref_slice %dma_start3A_316[%mul3A_306, %dma_start3A_317] : memref<10000x128xf32, #tpu.memory_space<hbm>> -> memref<40x128xf32, #tpu.memory_space<hbm>>
        tpu.enqueue_dma source(%arg17 : memref<40x128xf32, #tpu.memory_space<vmem>>) target(%dma_start3A_318 : memref<40x128xf32, #tpu.memory_space<hbm>>) target_semaphore(%run_scoped3A : memref<!tpu.dma_semaphore, #tpu.memory_space<semaphore_mem>>)
        %dma_wait3A_319 = arith.constant 0 : i32
        %dma_wait3A_320 = arith.constant 0 : i32
        %dma_wait3A_321 = tpu.memref_slice %arg6[%arg0, %dma_wait3A_319, %dma_wait3A_320] : memref<2x10000x128xf32, #tpu.memory_space<hbm>> -> memref<1x10000x128xf32, #tpu.memory_space<hbm>>
        %dma_wait3A_322 = tpu.memref_squeeze %dma_wait3A_321 : memref<1x10000x128xf32, #tpu.memory_space<hbm>> -> memref<10000x128xf32, #tpu.memory_space<hbm>>
        %dma_wait3A_323 = arith.constant 0 : i32
        %dma_wait3A_324 = tpu.memref_slice %dma_wait3A_322[%mul3A_306, %dma_wait3A_323] : memref<10000x128xf32, #tpu.memory_space<hbm>> -> memref<40x128xf32, #tpu.memory_space<hbm>>
        %dma_wait3A_325 = arith.constant 0 : i32
        %dma_wait3A_326 = arith.constant 0 : i32
        %dma_wait3A_327 = tpu.memref_slice %arg6[%arg0, %dma_wait3A_325, %dma_wait3A_326] : memref<2x10000x128xf32, #tpu.memory_space<hbm>> -> memref<1x10000x128xf32, #tpu.memory_space<hbm>>
        %dma_wait3A_328 = tpu.memref_squeeze %dma_wait3A_327 : memref<1x10000x128xf32, #tpu.memory_space<hbm>> -> memref<10000x128xf32, #tpu.memory_space<hbm>>
        %dma_wait3A_329 = arith.constant 0 : i32
        %dma_wait3A_330 = tpu.memref_slice %dma_wait3A_328[%mul3A_306, %dma_wait3A_329] : memref<10000x128xf32, #tpu.memory_space<hbm>> -> memref<40x128xf32, #tpu.memory_space<hbm>>
        tpu.wait_dma2 semaphore(%run_scoped3A : memref<!tpu.dma_semaphore, #tpu.memory_space<semaphore_mem>>) src(%arg17 : memref<40x128xf32, #tpu.memory_space<vmem>>) dst(%dma_wait3A_330 : memref<40x128xf32, #tpu.memory_space<hbm>>)
        tpu.yield
      }) : () -> ()
    } else {
    }
    %add3A_284 = arith.constant 208 : i32
    %add3A_285 = arith.addi %add3A_284, %arg1 : i32
    %lt3A_286 = arith.constant 250 : i32
    %lt3A_287 = arith.cmpi slt, %add3A_285, %lt3A_286 : i32
    %convert_element_type3A_288 = arith.extui %lt3A_287 : i1 to i32
    %cond3A_289 = arith.constant 0 : i32
    %cond3A_290 = arith.cmpi ne, %convert_element_type3A_288, %cond3A_289 : i32
    scf.if %cond3A_290 {
      %mul3A_305 = arith.constant 40 : i32
      %mul3A_306 = arith.muli %add3A_285, %mul3A_305 : i32
      "tpu.region"() ({
        %run_scoped3A = tpu.sem_alloc : memref<!tpu.dma_semaphore, #tpu.memory_space<semaphore_mem>>
        %dma_start3A_307 = arith.constant 0 : i32
        %dma_start3A_308 = tpu.memref_slice %arg22[%mul3A_306, %dma_start3A_307] : memref<10000x128xf32, #tpu.memory_space<vmem_shared>> -> memref<40x128xf32, #tpu.memory_space<vmem_shared>>
        %dma_start3A_309 = arith.constant 0 : i32
        %dma_start3A_310 = tpu.memref_slice %arg22[%mul3A_306, %dma_start3A_309] : memref<10000x128xf32, #tpu.memory_space<vmem_shared>> -> memref<40x128xf32, #tpu.memory_space<vmem_shared>>
        tpu.enqueue_dma source(%dma_start3A_310 : memref<40x128xf32, #tpu.memory_space<vmem_shared>>) target(%arg17 : memref<40x128xf32, #tpu.memory_space<vmem>>) target_semaphore(%run_scoped3A : memref<!tpu.dma_semaphore, #tpu.memory_space<semaphore_mem>>)
        %dma_wait3A_311 = arith.constant 0 : i32
        %dma_wait3A_312 = tpu.memref_slice %arg22[%mul3A_306, %dma_wait3A_311] : memref<10000x128xf32, #tpu.memory_space<vmem_shared>> -> memref<40x128xf32, #tpu.memory_space<vmem_shared>>
        %dma_wait3A_313 = arith.constant 0 : i32
        %dma_wait3A_314 = tpu.memref_slice %arg22[%mul3A_306, %dma_wait3A_313] : memref<10000x128xf32, #tpu.memory_space<vmem_shared>> -> memref<40x128xf32, #tpu.memory_space<vmem_shared>>
        tpu.wait_dma2 semaphore(%run_scoped3A : memref<!tpu.dma_semaphore, #tpu.memory_space<semaphore_mem>>) src(%dma_wait3A_314 : memref<40x128xf32, #tpu.memory_space<vmem_shared>>) dst(%arg17 : memref<40x128xf32, #tpu.memory_space<vmem>>)
        tpu.yield
      }) : () -> ()
      "tpu.region"() ({
        %run_scoped3A = tpu.sem_alloc : memref<!tpu.dma_semaphore, #tpu.memory_space<semaphore_mem>>
        %dma_start3A_307 = arith.constant 0 : i32
        %dma_start3A_308 = arith.constant 0 : i32
        %dma_start3A_309 = tpu.memref_slice %arg6[%arg0, %dma_start3A_307, %dma_start3A_308] : memref<2x10000x128xf32, #tpu.memory_space<hbm>> -> memref<1x10000x128xf32, #tpu.memory_space<hbm>>
        %dma_start3A_310 = tpu.memref_squeeze %dma_start3A_309 : memref<1x10000x128xf32, #tpu.memory_space<hbm>> -> memref<10000x128xf32, #tpu.memory_space<hbm>>
        %dma_start3A_311 = arith.constant 0 : i32
        %dma_start3A_312 = tpu.memref_slice %dma_start3A_310[%mul3A_306, %dma_start3A_311] : memref<10000x128xf32, #tpu.memory_space<hbm>> -> memref<40x128xf32, #tpu.memory_space<hbm>>
        %dma_start3A_313 = arith.constant 0 : i32
        %dma_start3A_314 = arith.constant 0 : i32
        %dma_start3A_315 = tpu.memref_slice %arg6[%arg0, %dma_start3A_313, %dma_start3A_314] : memref<2x10000x128xf32, #tpu.memory_space<hbm>> -> memref<1x10000x128xf32, #tpu.memory_space<hbm>>
        %dma_start3A_316 = tpu.memref_squeeze %dma_start3A_315 : memref<1x10000x128xf32, #tpu.memory_space<hbm>> -> memref<10000x128xf32, #tpu.memory_space<hbm>>
        %dma_start3A_317 = arith.constant 0 : i32
        %dma_start3A_318 = tpu.memref_slice %dma_start3A_316[%mul3A_306, %dma_start3A_317] : memref<10000x128xf32, #tpu.memory_space<hbm>> -> memref<40x128xf32, #tpu.memory_space<hbm>>
        tpu.enqueue_dma source(%arg17 : memref<40x128xf32, #tpu.memory_space<vmem>>) target(%dma_start3A_318 : memref<40x128xf32, #tpu.memory_space<hbm>>) target_semaphore(%run_scoped3A : memref<!tpu.dma_semaphore, #tpu.memory_space<semaphore_mem>>)
        %dma_wait3A_319 = arith.constant 0 : i32
        %dma_wait3A_320 = arith.constant 0 : i32
        %dma_wait3A_321 = tpu.memref_slice %arg6[%arg0, %dma_wait3A_319, %dma_wait3A_320] : memref<2x10000x128xf32, #tpu.memory_space<hbm>> -> memref<1x10000x128xf32, #tpu.memory_space<hbm>>
        %dma_wait3A_322 = tpu.memref_squeeze %dma_wait3A_321 : memref<1x10000x128xf32, #tpu.memory_space<hbm>> -> memref<10000x128xf32, #tpu.memory_space<hbm>>
        %dma_wait3A_323 = arith.constant 0 : i32
        %dma_wait3A_324 = tpu.memref_slice %dma_wait3A_322[%mul3A_306, %dma_wait3A_323] : memref<10000x128xf32, #tpu.memory_space<hbm>> -> memref<40x128xf32, #tpu.memory_space<hbm>>
        %dma_wait3A_325 = arith.constant 0 : i32
        %dma_wait3A_326 = arith.constant 0 : i32
        %dma_wait3A_327 = tpu.memref_slice %arg6[%arg0, %dma_wait3A_325, %dma_wait3A_326] : memref<2x10000x128xf32, #tpu.memory_space<hbm>> -> memref<1x10000x128xf32, #tpu.memory_space<hbm>>
        %dma_wait3A_328 = tpu.memref_squeeze %dma_wait3A_327 : memref<1x10000x128xf32, #tpu.memory_space<hbm>> -> memref<10000x128xf32, #tpu.memory_space<hbm>>
        %dma_wait3A_329 = arith.constant 0 : i32
        %dma_wait3A_330 = tpu.memref_slice %dma_wait3A_328[%mul3A_306, %dma_wait3A_329] : memref<10000x128xf32, #tpu.memory_space<hbm>> -> memref<40x128xf32, #tpu.memory_space<hbm>>
        tpu.wait_dma2 semaphore(%run_scoped3A : memref<!tpu.dma_semaphore, #tpu.memory_space<semaphore_mem>>) src(%arg17 : memref<40x128xf32, #tpu.memory_space<vmem>>) dst(%dma_wait3A_330 : memref<40x128xf32, #tpu.memory_space<hbm>>)
        tpu.yield
      }) : () -> ()
    } else {
    }
    %add3A_291 = arith.constant 224 : i32
    %add3A_292 = arith.addi %add3A_291, %arg1 : i32
    %lt3A_293 = arith.constant 250 : i32
    %lt3A_294 = arith.cmpi slt, %add3A_292, %lt3A_293 : i32
    %convert_element_type3A_295 = arith.extui %lt3A_294 : i1 to i32
    %cond3A_296 = arith.constant 0 : i32
    %cond3A_297 = arith.cmpi ne, %convert_element_type3A_295, %cond3A_296 : i32
    scf.if %cond3A_297 {
      %mul3A_305 = arith.constant 40 : i32
      %mul3A_306 = arith.muli %add3A_292, %mul3A_305 : i32
      "tpu.region"() ({
        %run_scoped3A = tpu.sem_alloc : memref<!tpu.dma_semaphore, #tpu.memory_space<semaphore_mem>>
        %dma_start3A_307 = arith.constant 0 : i32
        %dma_start3A_308 = tpu.memref_slice %arg22[%mul3A_306, %dma_start3A_307] : memref<10000x128xf32, #tpu.memory_space<vmem_shared>> -> memref<40x128xf32, #tpu.memory_space<vmem_shared>>
        %dma_start3A_309 = arith.constant 0 : i32
        %dma_start3A_310 = tpu.memref_slice %arg22[%mul3A_306, %dma_start3A_309] : memref<10000x128xf32, #tpu.memory_space<vmem_shared>> -> memref<40x128xf32, #tpu.memory_space<vmem_shared>>
        tpu.enqueue_dma source(%dma_start3A_310 : memref<40x128xf32, #tpu.memory_space<vmem_shared>>) target(%arg17 : memref<40x128xf32, #tpu.memory_space<vmem>>) target_semaphore(%run_scoped3A : memref<!tpu.dma_semaphore, #tpu.memory_space<semaphore_mem>>)
        %dma_wait3A_311 = arith.constant 0 : i32
        %dma_wait3A_312 = tpu.memref_slice %arg22[%mul3A_306, %dma_wait3A_311] : memref<10000x128xf32, #tpu.memory_space<vmem_shared>> -> memref<40x128xf32, #tpu.memory_space<vmem_shared>>
        %dma_wait3A_313 = arith.constant 0 : i32
        %dma_wait3A_314 = tpu.memref_slice %arg22[%mul3A_306, %dma_wait3A_313] : memref<10000x128xf32, #tpu.memory_space<vmem_shared>> -> memref<40x128xf32, #tpu.memory_space<vmem_shared>>
        tpu.wait_dma2 semaphore(%run_scoped3A : memref<!tpu.dma_semaphore, #tpu.memory_space<semaphore_mem>>) src(%dma_wait3A_314 : memref<40x128xf32, #tpu.memory_space<vmem_shared>>) dst(%arg17 : memref<40x128xf32, #tpu.memory_space<vmem>>)
        tpu.yield
      }) : () -> ()
      "tpu.region"() ({
        %run_scoped3A = tpu.sem_alloc : memref<!tpu.dma_semaphore, #tpu.memory_space<semaphore_mem>>
        %dma_start3A_307 = arith.constant 0 : i32
        %dma_start3A_308 = arith.constant 0 : i32
        %dma_start3A_309 = tpu.memref_slice %arg6[%arg0, %dma_start3A_307, %dma_start3A_308] : memref<2x10000x128xf32, #tpu.memory_space<hbm>> -> memref<1x10000x128xf32, #tpu.memory_space<hbm>>
        %dma_start3A_310 = tpu.memref_squeeze %dma_start3A_309 : memref<1x10000x128xf32, #tpu.memory_space<hbm>> -> memref<10000x128xf32, #tpu.memory_space<hbm>>
        %dma_start3A_311 = arith.constant 0 : i32
        %dma_start3A_312 = tpu.memref_slice %dma_start3A_310[%mul3A_306, %dma_start3A_311] : memref<10000x128xf32, #tpu.memory_space<hbm>> -> memref<40x128xf32, #tpu.memory_space<hbm>>
        %dma_start3A_313 = arith.constant 0 : i32
        %dma_start3A_314 = arith.constant 0 : i32
        %dma_start3A_315 = tpu.memref_slice %arg6[%arg0, %dma_start3A_313, %dma_start3A_314] : memref<2x10000x128xf32, #tpu.memory_space<hbm>> -> memref<1x10000x128xf32, #tpu.memory_space<hbm>>
        %dma_start3A_316 = tpu.memref_squeeze %dma_start3A_315 : memref<1x10000x128xf32, #tpu.memory_space<hbm>> -> memref<10000x128xf32, #tpu.memory_space<hbm>>
        %dma_start3A_317 = arith.constant 0 : i32
        %dma_start3A_318 = tpu.memref_slice %dma_start3A_316[%mul3A_306, %dma_start3A_317] : memref<10000x128xf32, #tpu.memory_space<hbm>> -> memref<40x128xf32, #tpu.memory_space<hbm>>
        tpu.enqueue_dma source(%arg17 : memref<40x128xf32, #tpu.memory_space<vmem>>) target(%dma_start3A_318 : memref<40x128xf32, #tpu.memory_space<hbm>>) target_semaphore(%run_scoped3A : memref<!tpu.dma_semaphore, #tpu.memory_space<semaphore_mem>>)
        %dma_wait3A_319 = arith.constant 0 : i32
        %dma_wait3A_320 = arith.constant 0 : i32
        %dma_wait3A_321 = tpu.memref_slice %arg6[%arg0, %dma_wait3A_319, %dma_wait3A_320] : memref<2x10000x128xf32, #tpu.memory_space<hbm>> -> memref<1x10000x128xf32, #tpu.memory_space<hbm>>
        %dma_wait3A_322 = tpu.memref_squeeze %dma_wait3A_321 : memref<1x10000x128xf32, #tpu.memory_space<hbm>> -> memref<10000x128xf32, #tpu.memory_space<hbm>>
        %dma_wait3A_323 = arith.constant 0 : i32
        %dma_wait3A_324 = tpu.memref_slice %dma_wait3A_322[%mul3A_306, %dma_wait3A_323] : memref<10000x128xf32, #tpu.memory_space<hbm>> -> memref<40x128xf32, #tpu.memory_space<hbm>>
        %dma_wait3A_325 = arith.constant 0 : i32
        %dma_wait3A_326 = arith.constant 0 : i32
        %dma_wait3A_327 = tpu.memref_slice %arg6[%arg0, %dma_wait3A_325, %dma_wait3A_326] : memref<2x10000x128xf32, #tpu.memory_space<hbm>> -> memref<1x10000x128xf32, #tpu.memory_space<hbm>>
        %dma_wait3A_328 = tpu.memref_squeeze %dma_wait3A_327 : memref<1x10000x128xf32, #tpu.memory_space<hbm>> -> memref<10000x128xf32, #tpu.memory_space<hbm>>
        %dma_wait3A_329 = arith.constant 0 : i32
        %dma_wait3A_330 = tpu.memref_slice %dma_wait3A_328[%mul3A_306, %dma_wait3A_329] : memref<10000x128xf32, #tpu.memory_space<hbm>> -> memref<40x128xf32, #tpu.memory_space<hbm>>
        tpu.wait_dma2 semaphore(%run_scoped3A : memref<!tpu.dma_semaphore, #tpu.memory_space<semaphore_mem>>) src(%arg17 : memref<40x128xf32, #tpu.memory_space<vmem>>) dst(%dma_wait3A_330 : memref<40x128xf32, #tpu.memory_space<hbm>>)
        tpu.yield
      }) : () -> ()
    } else {
    }
    %add3A_298 = arith.constant 240 : i32
    %add3A_299 = arith.addi %add3A_298, %arg1 : i32
    %lt3A_300 = arith.constant 250 : i32
    %lt3A_301 = arith.cmpi slt, %add3A_299, %lt3A_300 : i32
    %convert_element_type3A_302 = arith.extui %lt3A_301 : i1 to i32
    %cond3A_303 = arith.constant 0 : i32
    %cond3A_304 = arith.cmpi ne, %convert_element_type3A_302, %cond3A_303 : i32
    scf.if %cond3A_304 {
      %mul3A_305 = arith.constant 40 : i32
      %mul3A_306 = arith.muli %add3A_299, %mul3A_305 : i32
      "tpu.region"() ({
        %run_scoped3A = tpu.sem_alloc : memref<!tpu.dma_semaphore, #tpu.memory_space<semaphore_mem>>
        %dma_start3A_307 = arith.constant 0 : i32
        %dma_start3A_308 = tpu.memref_slice %arg22[%mul3A_306, %dma_start3A_307] : memref<10000x128xf32, #tpu.memory_space<vmem_shared>> -> memref<40x128xf32, #tpu.memory_space<vmem_shared>>
        %dma_start3A_309 = arith.constant 0 : i32
        %dma_start3A_310 = tpu.memref_slice %arg22[%mul3A_306, %dma_start3A_309] : memref<10000x128xf32, #tpu.memory_space<vmem_shared>> -> memref<40x128xf32, #tpu.memory_space<vmem_shared>>
        tpu.enqueue_dma source(%dma_start3A_310 : memref<40x128xf32, #tpu.memory_space<vmem_shared>>) target(%arg17 : memref<40x128xf32, #tpu.memory_space<vmem>>) target_semaphore(%run_scoped3A : memref<!tpu.dma_semaphore, #tpu.memory_space<semaphore_mem>>)
        %dma_wait3A_311 = arith.constant 0 : i32
        %dma_wait3A_312 = tpu.memref_slice %arg22[%mul3A_306, %dma_wait3A_311] : memref<10000x128xf32, #tpu.memory_space<vmem_shared>> -> memref<40x128xf32, #tpu.memory_space<vmem_shared>>
        %dma_wait3A_313 = arith.constant 0 : i32
        %dma_wait3A_314 = tpu.memref_slice %arg22[%mul3A_306, %dma_wait3A_313] : memref<10000x128xf32, #tpu.memory_space<vmem_shared>> -> memref<40x128xf32, #tpu.memory_space<vmem_shared>>
        tpu.wait_dma2 semaphore(%run_scoped3A : memref<!tpu.dma_semaphore, #tpu.memory_space<semaphore_mem>>) src(%dma_wait3A_314 : memref<40x128xf32, #tpu.memory_space<vmem_shared>>) dst(%arg17 : memref<40x128xf32, #tpu.memory_space<vmem>>)
        tpu.yield
      }) : () -> ()
      "tpu.region"() ({
        %run_scoped3A = tpu.sem_alloc : memref<!tpu.dma_semaphore, #tpu.memory_space<semaphore_mem>>
        %dma_start3A_307 = arith.constant 0 : i32
        %dma_start3A_308 = arith.constant 0 : i32
        %dma_start3A_309 = tpu.memref_slice %arg6[%arg0, %dma_start3A_307, %dma_start3A_308] : memref<2x10000x128xf32, #tpu.memory_space<hbm>> -> memref<1x10000x128xf32, #tpu.memory_space<hbm>>
        %dma_start3A_310 = tpu.memref_squeeze %dma_start3A_309 : memref<1x10000x128xf32, #tpu.memory_space<hbm>> -> memref<10000x128xf32, #tpu.memory_space<hbm>>
        %dma_start3A_311 = arith.constant 0 : i32
        %dma_start3A_312 = tpu.memref_slice %dma_start3A_310[%mul3A_306, %dma_start3A_311] : memref<10000x128xf32, #tpu.memory_space<hbm>> -> memref<40x128xf32, #tpu.memory_space<hbm>>
        %dma_start3A_313 = arith.constant 0 : i32
        %dma_start3A_314 = arith.constant 0 : i32
        %dma_start3A_315 = tpu.memref_slice %arg6[%arg0, %dma_start3A_313, %dma_start3A_314] : memref<2x10000x128xf32, #tpu.memory_space<hbm>> -> memref<1x10000x128xf32, #tpu.memory_space<hbm>>
        %dma_start3A_316 = tpu.memref_squeeze %dma_start3A_315 : memref<1x10000x128xf32, #tpu.memory_space<hbm>> -> memref<10000x128xf32, #tpu.memory_space<hbm>>
        %dma_start3A_317 = arith.constant 0 : i32
        %dma_start3A_318 = tpu.memref_slice %dma_start3A_316[%mul3A_306, %dma_start3A_317] : memref<10000x128xf32, #tpu.memory_space<hbm>> -> memref<40x128xf32, #tpu.memory_space<hbm>>
        tpu.enqueue_dma source(%arg17 : memref<40x128xf32, #tpu.memory_space<vmem>>) target(%dma_start3A_318 : memref<40x128xf32, #tpu.memory_space<hbm>>) target_semaphore(%run_scoped3A : memref<!tpu.dma_semaphore, #tpu.memory_space<semaphore_mem>>)
        %dma_wait3A_319 = arith.constant 0 : i32
        %dma_wait3A_320 = arith.constant 0 : i32
        %dma_wait3A_321 = tpu.memref_slice %arg6[%arg0, %dma_wait3A_319, %dma_wait3A_320] : memref<2x10000x128xf32, #tpu.memory_space<hbm>> -> memref<1x10000x128xf32, #tpu.memory_space<hbm>>
        %dma_wait3A_322 = tpu.memref_squeeze %dma_wait3A_321 : memref<1x10000x128xf32, #tpu.memory_space<hbm>> -> memref<10000x128xf32, #tpu.memory_space<hbm>>
        %dma_wait3A_323 = arith.constant 0 : i32
        %dma_wait3A_324 = tpu.memref_slice %dma_wait3A_322[%mul3A_306, %dma_wait3A_323] : memref<10000x128xf32, #tpu.memory_space<hbm>> -> memref<40x128xf32, #tpu.memory_space<hbm>>
        %dma_wait3A_325 = arith.constant 0 : i32
        %dma_wait3A_326 = arith.constant 0 : i32
        %dma_wait3A_327 = tpu.memref_slice %arg6[%arg0, %dma_wait3A_325, %dma_wait3A_326] : memref<2x10000x128xf32, #tpu.memory_space<hbm>> -> memref<1x10000x128xf32, #tpu.memory_space<hbm>>
        %dma_wait3A_328 = tpu.memref_squeeze %dma_wait3A_327 : memref<1x10000x128xf32, #tpu.memory_space<hbm>> -> memref<10000x128xf32, #tpu.memory_space<hbm>>
        %dma_wait3A_329 = arith.constant 0 : i32
        %dma_wait3A_330 = tpu.memref_slice %dma_wait3A_328[%mul3A_306, %dma_wait3A_329] : memref<10000x128xf32, #tpu.memory_space<hbm>> -> memref<40x128xf32, #tpu.memory_space<hbm>>
        tpu.wait_dma2 semaphore(%run_scoped3A : memref<!tpu.dma_semaphore, #tpu.memory_space<semaphore_mem>>) src(%arg17 : memref<40x128xf32, #tpu.memory_space<vmem>>) dst(%dma_wait3A_330 : memref<40x128xf32, #tpu.memory_space<hbm>>)
        tpu.yield
      }) : () -> ()
    } else {
    }
    return
  }
}

module attributes {stable_mosaic.version = 14 : i64} {
  func.func @body(%arg0: i32, %arg1: memref<2x1000x128xf32, #tpu.memory_space<vmem>>, %arg2: memref<1000x128xf32, #tpu.memory_space<vmem>>, %arg3: memref<128x128xf32, #tpu.memory_space<vmem>>, %arg4: memref<1x128xf32, #tpu.memory_space<vmem>>, %arg5: memref<1000x128xf32, #tpu.memory_space<vmem>>) attributes {dimension_semantics = [#tpu.dimension_semantics<arbitrary>], iteration_bounds = array<i64: 10>, scalar_prefetch = 0 : i64, scratch_operands = 0 : i64, tpu.core_type = #tpu.core_type<tc>, window_params = [{transform_indices = @transform_0, window_bounds = array<i64: 2, 1000, 128>}, {transform_indices = @transform_1, window_bounds = array<i64: 1000, 128>}, {pipeline_mode = #tpu.pipeline_mode<synchronous>, transform_indices = @transform_2, window_bounds = array<i64: 128, 128>}, {pipeline_mode = #tpu.pipeline_mode<synchronous>, transform_indices = @transform_3, window_bounds = array<i64: 1, 128>}, {transform_indices = @transform_4, window_bounds = array<i64: 1000, 128>}]} {
    %get3A = arith.constant 0 : index
    %get3A_0 = arith.constant 0 : index
    %get3A_1 = arith.constant 0 : index
    %get3A_2 = vector.load %arg1[%get3A, %get3A_0, %get3A_1] : memref<2x1000x128xf32, #tpu.memory_space<vmem>>, vector<1x1000x128xf32>
    %get3A_3 = vector.shape_cast %get3A_2 : vector<1x1000x128xf32> to vector<1000x128xf32>
    %get3A_4 = arith.constant 1 : index
    %get3A_5 = arith.constant 0 : index
    %get3A_6 = arith.constant 0 : index
    %get3A_7 = vector.load %arg1[%get3A_4, %get3A_5, %get3A_6] : memref<2x1000x128xf32, #tpu.memory_space<vmem>>, vector<1x1000x128xf32>
    %get3A_8 = vector.shape_cast %get3A_7 : vector<1x1000x128xf32> to vector<1000x128xf32>
    %add3A = arith.addf %get3A_3, %get3A_8 : vector<1000x128xf32>
    %get3A_9 = arith.constant 0 : index
    %get3A_10 = arith.constant 0 : index
    %get3A_11 = vector.load %arg3[%get3A_9, %get3A_10] : memref<128x128xf32, #tpu.memory_space<vmem>>, vector<128x128xf32>
    %dot_general3A = arith.constant dense<0.000000e+00> : vector<1000x128xf32>
    %dot_general3A_12 = tpu.matmul %add3A, %get3A_11, %dot_general3A {dimension_numbers = #tpu.dot_dimension_numbers<[1], [0], [0], [1], [0, 0, 1, 1], [], []>, transpose_lhs_hint = false} : vector<1000x128xf32>, vector<128x128xf32>, vector<1000x128xf32> -> vector<1000x128xf32>
    %get3A_13 = arith.constant 0 : index
    %get3A_14 = arith.constant 0 : index
    %get3A_15 = vector.load %arg4[%get3A_13, %get3A_14] : memref<1x128xf32, #tpu.memory_space<vmem>>, vector<1x128xf32>
    %add3A_16 = vector.broadcast %get3A_15 : vector<1x128xf32> to vector<1000x128xf32>
    %add3A_17 = arith.addf %dot_general3A_12, %add3A_16 : vector<1000x128xf32>
    %get3A_18 = arith.constant 0 : index
    %get3A_19 = arith.constant 0 : index
    %get3A_20 = vector.load %arg2[%get3A_18, %get3A_19] : memref<1000x128xf32, #tpu.memory_space<vmem>>, vector<1000x128xf32>
    %sub3A = arith.subf %add3A_17, %get3A_20 : vector<1000x128xf32>
    %swap3A = arith.constant 0 : index
    %swap3A_21 = arith.constant 0 : index
    %swap3A_22 = vector.load %arg5[%swap3A, %swap3A_21] : memref<1000x128xf32, #tpu.memory_space<vmem>>, vector<1000x128xf32>
    tpu.vector_store %arg5[%swap3A, %swap3A_21], %sub3A {strides = array<i32>} : memref<1000x128xf32, #tpu.memory_space<vmem>>, vector<1000x128xf32>,
    return
  }
  func.func @transform_0(%arg0: i32) -> (i32, i32, i32) {
    %c0_i32 = arith.constant 0 : i32
    %c0_i32_0 = arith.constant 0 : i32
    %c0_i32_1 = arith.constant 0 : i32
    return %c0_i32, %arg0, %c0_i32_0 : i32, i32, i32
  }
  func.func @transform_1(%arg0: i32) -> (i32, i32) {
    %c0_i32 = arith.constant 0 : i32
    %c0_i32_0 = arith.constant 0 : i32
    return %arg0, %c0_i32 : i32, i32
  }
  func.func @transform_2(%arg0: i32) -> (i32, i32) {
    %c0_i32 = arith.constant 0 : i32
    %c0_i32_0 = arith.constant 0 : i32
    %c0_i32_1 = arith.constant 0 : i32
    return %c0_i32, %c0_i32_0 : i32, i32
  }
  func.func @transform_3(%arg0: i32) -> (i32, i32) {
    %c0_i32 = arith.constant 0 : i32
    %c0_i32_0 = arith.constant 0 : i32
    %c0_i32_1 = arith.constant 0 : i32
    return %c0_i32, %c0_i32_0 : i32, i32
  }
  func.func @transform_4(%arg0: i32) -> (i32, i32) {
    %c0_i32 = arith.constant 0 : i32
    %c0_i32_0 = arith.constant 0 : i32
    return %arg0, %c0_i32 : i32, i32
  }
}

module attributes {stable_mosaic.version = 14 : i64} {
  func.func @body(%arg0: i32, %arg1: memref<16000x16xf32, #tpu.memory_space<vmem>>, %arg2: memref<16x128xf32, #tpu.memory_space<vmem>>, %arg3: memref<16000x128xf32, #tpu.memory_space<vmem>>) attributes {dimension_semantics = [#tpu.dimension_semantics<arbitrary>], iteration_bounds = array<i64: 20>, scalar_prefetch = 0 : i64, scratch_operands = 0 : i64, tpu.core_type = #tpu.core_type<tc>, window_params = [{transform_indices = @transform_0, window_bounds = array<i64: 16000, 16>}, {pipeline_mode = #tpu.pipeline_mode<synchronous>, transform_indices = @transform_1, window_bounds = array<i64: 16, 128>}, {transform_indices = @transform_2, window_bounds = array<i64: 16000, 128>}]} {
    %get3A = arith.constant 0 : index
    %get3A_0 = arith.constant 0 : index
    %get3A_1 = vector.load %arg1[%get3A, %get3A_0] : memref<16000x16xf32, #tpu.memory_space<vmem>>, vector<16000x16xf32>
    %get3A_2 = arith.constant 0 : index
    %get3A_3 = arith.constant 0 : index
    %get3A_4 = vector.load %arg2[%get3A_2, %get3A_3] : memref<16x128xf32, #tpu.memory_space<vmem>>, vector<16x128xf32>
    %dot_general3A = arith.constant dense<0.000000e+00> : vector<16000x128xf32>
    %dot_general3A_5 = tpu.matmul %get3A_1, %get3A_4, %dot_general3A {dimension_numbers = #tpu.dot_dimension_numbers<[1], [0], [0], [1], [0, 0, 1, 1], [], []>, transpose_lhs_hint = false} : vector<16000x16xf32>, vector<16x128xf32>, vector<16000x128xf32> -> vector<16000x128xf32>
    %swap3A = arith.constant 0 : index
    %swap3A_6 = arith.constant 0 : index
    %swap3A_7 = vector.load %arg3[%swap3A, %swap3A_6] : memref<16000x128xf32, #tpu.memory_space<vmem>>, vector<16000x128xf32>
    tpu.vector_store %arg3[%swap3A, %swap3A_6], %dot_general3A_5 {strides = array<i32>} : memref<16000x128xf32, #tpu.memory_space<vmem>>, vector<16000x128xf32>,
    return
  }
  func.func @transform_0(%arg0: i32) -> (i32, i32) {
    %c0_i32 = arith.constant 0 : i32
    %c0_i32_0 = arith.constant 0 : i32
    return %arg0, %c0_i32 : i32, i32
  }
  func.func @transform_1(%arg0: i32) -> (i32, i32) {
    %c0_i32 = arith.constant 0 : i32
    %c0_i32_0 = arith.constant 0 : i32
    %c0_i32_1 = arith.constant 0 : i32
    return %c0_i32, %c0_i32_0 : i32, i32
  }
  func.func @transform_2(%arg0: i32) -> (i32, i32) {
    %c0_i32 = arith.constant 0 : i32
    %c0_i32_0 = arith.constant 0 : i32
    return %arg0, %c0_i32 : i32, i32
  }
}

</mosaic_0001>

<sc_bundles>
// kernel: kernel.5.cloned.1.call-start
scs
__scs_entry_jumppad:
0x0: {  	(pc) =	sbr.rel $0x88, $3  }
0x1: {  	(tag) =	ssettag $0x0;
	lr =	simm.s32 $0x1  }
0x2: {  	[smem:$0x3F9B] =	sst lr;
	_ =	strace $0xD0000000  }
0x3: {  	_ = 	snop  }
0x4: {  	_ = 	snop  }
0x5: {  	_ = 	snop  }
0x6: {  	_ = 	snop  }
0x7: {  	_ = 	snop  }
__scs_overlays_trampoline_lowered:
0x8: {  	[smem:$0x3FAA] =	sst s0  }
0x9: {  	[smem:$0x3FAB] =	sst s1  }
0xa: {  	[smem:$0x3FAC] =	sst s2  }
0xb: {  	[smem:$0x3FAD] =	sst s3  }
0xc: {  	[smem:$0x3FAE] =	sst s4  }
0xd: {  	[smem:$0x3FAF] =	sst s5  }
0xe: {  	[smem:$0x3FB0] =	sst s6  }
0xf: {  	[smem:$0x3FB1] =	sst s7  }
0x10: {  	[smem:$0x3FB2] =	sst s8  }
0x11: {  	[smem:$0x3FB3] =	sst s9;
	s0 =	simm.s32 @!p0 $0x0  }
0x12: {  	s1 =	sld [smem:$0x3F99];
	s0 =	simm.s32 @p0 $0x1  }
0x13: {  	[smem:$0x3FB4] =	sst s0;
	s0 =	simm.s32 @!p1 $0x0  }
0x14: {  	s2 =	sld [smem:$0x3F98];
	s0 =	simm.s32 @p1 $0x1  }
0x15: {  	[smem:$0x3FB5] =	sst s0;
	s0 =	simm.s32 @!p2 $0x0  }
0x16: {  	s3 =	sld [smem:$0x3FDB];
	s0 =	simm.s32 @p2 $0x1  }
0x17: {  	s4 =	simm.s32 $0x1BF5;
	[smem:$0x3FB7] =	sst s0  }
0x18: {  	s0 =	sld [smem:$0x3F9A];
	_ =	swait.ge [sflag:s4], $0x0  }
0x19: {  	s7 =	sld [smem:$0x3F9B]  }
0x1a: {  	s8 =	sadd.s32 $0xFFFFE003, lr  }
0x1b: {  	s9 =	sadd.s32 $0xFFFFFEF7, lr;
	s5 =	simm.s32 $0xFFFFFFFF;
	p2 =	slt.u32 s8, $0xFFFFF086  }
0x1c: {  	p1 =	slt.u32 s9, $0xF7A;
	s5 =	simm.s32 @!p2 $0x0  }
0x1d: {  	s5 =	simm.s32 @p1 $0x1;
	p0 =	seq.s32 s7, s2  }
0x1e: {  	s7 =	smul.u32 @!p0 $0xF7A, s2;
	p2 =	seq.s32 @!p0 s5, $0x0  }
0x1f: {  	s9 =	smul.u32 $0xF7A, s1;
	s8 =	simm.s32 @!p0 $0x1BF5;
	p2 =	por !p2, p0  }
0x20: {  	[sflag:s8] =	ssyncset.s32 @!p0 $0xFFFFF086;
	s6 =	sadd.s32 @!p0 s3, s7;
	s7 =	simm.s32 @!p0 $0x108  }
0x21: {  	s3 =	sadd.s32 s3, s9;
	s6 =	sadd.s32 @!p0 $0x88, s6;
	s7 =	simm.s32 @p2 $0x1082  }
0x22: {  	[simem:s7], [sflag:s8] =	dma.local @!p0 [hbm:s6], $0xF7A  }
0x23: {  	s9 =	sor.u32 $0xD0000000, s2;
	s6 =	simm.s32 $0x108;
	_ =	swait.ge @!p0 [sflag:s8], $0x0  }
0x24: {  	s3 =	sadd.s32 $0x88, s3;
	s6 =	simm.s32 @!p1 $0x1082;
	[sflag:s4] =	ssyncset.s32 $0xFFFFF086  }
0x25: {  	[simem:s6], [sflag:s4] =	dma.local [hbm:s3], $0xF7A  }
0x26: {  	[smem:$0x3F9B] =	sst s1;
	(tag) =	ssettag s2;
	_ =	strace s9  }
0x27: {  	s1 =	sld [smem:$0x3FAB]  }
0x28: {  	s2 =	sld [smem:$0x3FAC]  }
0x29: {  	s4 =	sld [smem:$0x3FAE]  }
0x2a: {  	p0 =	seq.s32 s5, $0x0;
	s5 =	sld [smem:$0x3FAF]  }
0x2b: {  	s6 =	sld [smem:$0x3FB0]  }
0x2c: {  	s7 =	sld [smem:$0x3FB1]  }
0x2d: {  	s3 =	simm.s32 $0x108;
	s8 =	sld [smem:$0x3FB2]  }
0x2e: {  	s3 =	simm.s32 @!p0 $0x1082;
	s9 =	sld [smem:$0x3FB3]  }
0x2f: {  	lr =	sadd.s32 s0, s3;
	s0 =	sld [smem:$0x3FAA]  }
0x30: {  	s3 =	sld [smem:$0x3FAD]  }
0x31: {  	[smem:$0x3FB6] =	sst s10  }
0x32: {  	s10 =	sld [smem:$0x3FB4];
	_ =	sdelay $0x3  }
0x33: {  	p0 =	seq.s32 s10, $0x1;
	s10 =	sld [smem:$0x3FB6];
	_ =	sdelay $0x3  }
0x34: {  	[smem:$0x3FB6] =	sst s10  }
0x35: {  	s10 =	sld [smem:$0x3FB5];
	_ =	sdelay $0x3  }
0x36: {  	p1 =	seq.s32 s10, $0x1;
	s10 =	sld [smem:$0x3FB6];
	_ =	sdelay $0x3  }
0x37: {  	[smem:$0x3FB6] =	sst s10  }
0x38: {  	s10 =	sld [smem:$0x3FB7]  }
0x39: {  	_ = 	snop;
	(pc) =	sbr.ind lr, $3  }
0x3a: {  	_ = 	snop  }
0x3b: {  	_ = 	snop  }
0x3c: {  	p2 =	seq.s32 s10, $0x1;
	s10 =	sld [smem:$0x3FB6]  }
0x3d: {  	_ =	shalt  }
0x3e: {  	_ =	shalt  }
0x3f: {  	_ =	shalt  }
0x40: {  	_ =	shalt  }
0x41: {  	_ =	shalt  }
0x42: {  	_ =	shalt  }
0x43: {  	_ =	shalt  }
0x44: {  	_ =	shalt  }
0x45: {  	_ =	shalt  }
0x46: {  	_ =	shalt  }
0x47: {  	_ =	shalt  }
0x48: {  	_ =	shalt  }
0x49: {  	_ =	shalt  }
0x4a: {  	_ =	shalt  }
0x4b: {  	_ =	shalt  }
0x4c: {  	_ =	shalt  }
0x4d: {  	_ =	shalt  }
0x4e: {  	_ =	shalt  }
0x4f: {  	_ =	shalt  }
0x50: {  	_ =	shalt  }
0x51: {  	_ =	shalt  }
0x52: {  	_ =	shalt  }
0x53: {  	_ =	shalt  }
0x54: {  	_ =	shalt  }
0x55: {  	_ =	shalt  }
0x56: {  	_ =	shalt  }
0x57: {  	_ =	shalt  }
0x58: {  	_ =	shalt  }
0x59: {  	_ =	shalt  }
0x5a: {  	_ =	shalt  }
0x5b: {  	_ =	shalt  }
0x5c: {  	_ =	shalt  }
0x5d: {  	_ =	shalt  }
0x5e: {  	_ =	shalt  }
0x5f: {  	_ =	shalt  }
0x60: {  	_ =	shalt  }
0x61: {  	_ =	shalt  }
0x62: {  	_ =	shalt  }
0x63: {  	_ =	shalt  }
0x64: {  	_ =	shalt  }
0x65: {  	_ =	shalt  }
0x66: {  	_ =	shalt  }
0x67: {  	_ =	shalt  }
0x68: {  	_ =	shalt  }
0x69: {  	_ =	shalt  }
0x6a: {  	_ =	shalt  }
0x6b: {  	_ =	shalt  }
0x6c: {  	_ =	shalt  }
0x6d: {  	_ =	shalt  }
0x6e: {  	_ =	shalt  }
0x6f: {  	_ =	shalt  }
0x70: {  	_ =	shalt  }
0x71: {  	_ =	shalt  }
0x72: {  	_ =	shalt  }
0x73: {  	_ =	shalt  }
0x74: {  	_ =	shalt  }
0x75: {  	_ =	shalt  }
0x76: {  	_ =	shalt  }
0x77: {  	_ =	shalt  }
0x78: {  	_ =	shalt  }
0x79: {  	_ =	shalt  }
0x7a: {  	_ =	shalt  }
0x7b: {  	_ =	shalt  }
0x7c: {  	_ =	shalt  }
0x7d: {  	_ =	shalt  }
0x7e: {  	_ =	shalt  }
0x7f: {  	_ =	shalt  }
0x80: {  	_ =	shalt  }
0x81: {  	_ =	shalt  }
0x82: {  	_ =	shalt  }
0x83: {  	_ =	shalt  }
0x84: {  	_ =	shalt  }
0x85: {  	_ =	shalt  }
0x86: {  	_ =	shalt  }
0x87: {  	_ =	shalt  }
.Lfunc_end0:
.L_simem_size_0:
called_computation_lowered:
.L_overlay_start_0:
0x88: {  	s2 =	sld [smem:$0x3FD9]  }
0x89: {  	s3 =	sld [smem:$0x3FFE];
	_ =	sdelay $0x1  }
0x8a: {  	s1 =	srdreg.scid  }
0x8b: {  	s0 =	sand.u32 $0x1, s1  }
0x8c: {  	s17 =	sshll.u32 s0, $0xA;
	s2 =	sadd.s32 s3, s2  }
0x8d: {  	s2 =	sadd.s32 s2, s17  }
0x8e: {  	[smem:$0x3FC2] =	sst s2  }
0x8f: {  	_ = 	snop  }
0x90: {  	s2 =	sld [smem:$0x3FC9]  }
0x91: {  	s18 =	sld [smem:$0x3FD0];
	(tm) =	ssettm $0x1  }
0x92: {  	s4 =	sld [smem:$0x3FFB];
	_ =	sdelay $0x3  }
0x93: {  	_ =	strace s4  }
0x94: {  	s4 =	sld [smem:$0x3FFC];
	_ =	sdelay $0x3  }
0x95: {  	_ =	strace s4  }
0x96: {  	s4 =	sld [smem:$0x3FFD];
	_ =	sdelay $0x3  }
0x97: {  	_ =	strace s4  }
0x98: {  	_ =	strace $0x8FFFFFFF  }
0x99: {  	s19 =	sld [smem:$0x3FDB];
	_ =	sdelay $0x1  }
0x9a: {  	s5 =	simm.s32 $_scs_section_size  }
0x9b: {  	s6 =	simm.s32 $_size__tile_overlayer_lowered;
	s7 =	simm.s32 $_tile_overlayer_lowered  }
0x9c: {  	s22 =	simm.s32 $0x1BFF;
	s21 =	sshll.u32 s7, $0x1;
	s4 =	sadd.s32 s5, s19  }
0x9d: {  	s8 =	simm.s32 $0x0;
	s20 =	sshll.u32 s6, $0x1;
	s6 =	sadd.s32 s21, s4  }
0x9e: {  	[timem:s8], [sflag:s22] =	dma.local [hbm:s6], s20  }
0x9f: {  	_ =	swait.ge [sflag:s22], s20  }
0xa0: {  	s5 =	ssub.s32 $0x0, s20;
	[sflag:s22] =	ssyncset.done $0x0  }
0xa1: {  	[sflag:s22] =	ssyncadd.s32 s5;
	_ =	sdelay $0x1  }
0xa2: {  	s23 =	simm.s32 $0x1B8B  }
0xa3: {  	_ =	swait.ge [sflag:s23], $0x1  }
0xa4: {  	[sflag:s23] =	ssyncset.done $0x0  }
0xa5: {  	s25 =	simm.s32 $0x1B8E;
	s24 =	sld [smem:$0x3FFE];
	[sflag:s23] =	ssyncadd.s32 $0xFFFFFFFF  }
0xa6: {  	s26 =	simm.s32 $execute0_lowered;
	[smem:$0x3FD2] =	sst s25  }
0xa7: {  	s6 =	sshll.u32 s26, $0x1;
	_ =	strace $0x80000046;
	[dreg:$0x1] =	wrdreg $0xFFFFFFFF  }
0xa8: {  	s28 =	simm.s32 $_size_execute0_lowered;
	s4 =	sadd.s32 s4, s6;
	[dreg:$0x0] =	wrdreg $0x0  }
0xa9: {  	s6 =	sshll.u32 s28, $0x1;
	[dreg:$0x2] =	wrdreg s4  }
0xaa: {  	[dreg:$0x3] =	wrdreg s6  }
0xab: {  	[dreg:$0x4] =	wrdreg $0xC0  }
0xac: {  	_ =	task [dreg:s8], $0x5FFFF  }
0xad: {  	[dreg:$0x1] =	wrdreg $0xFFFFFFFF  }
0xae: {  	[dreg:$0x0] =	wrdreg $0x60  }
0xaf: {  	[dreg:$0x2] =	wrdreg s2  }
0xb0: {  	[dreg:$0x3] =	wrdreg s24  }
0xb1: {  	[dreg:$0x4] =	wrdreg s18  }
0xb2: {  	[dreg:$0x5] =	wrdreg $0x69000  }
0xb3: {  	[dreg:$0x6] =	wrdreg $0x9  }
0xb4: {  	_ =	task.clear_ibuf [dreg:s8], $0x7FFFF;
	_ =	strace $0x90000046  }
0xb5: {  	s29 =	simm.s32 $0x9;
	_ =	strace $0x80000048  }
0xb6: {  	_ =	swait.ge [sflag:s29], $0x1  }
0xb7: {  	[sflag:s29] =	ssyncadd.s32 $0xFFFFFFFF  }
0xb8: {  	_ =	strace $0x90000048  }
0xb9: {  	_ =	sfence  }
0xba: {  	s30 =	sld [smem:$0x0];
	_ =	sdelay $0x2  }
0xbb: {  	s31 =	sshll.u32 s1, $0xD;
	s1 =	sshrl.u32 s1, $0x2  }
0xbc: {  	s3 =	sand.u32 $0x4000, s31;
	s1 =	sadd.s32 s1, s30  }
0xbd: {  	s0 =	sor.u32 s3, s0;
	s1 =	sshll.u32 s1, $0x11  }
0xbe: {  	s0 =	sor.u32 s1, s0  }
0xbf: {  	s0 =	sadd.s32 $0x8F2B, s0  }
0xc0: {  	[sflag:s0] =	ssyncadd.remote.s32 $0x1  }
0xc1: {  	_ =	sfence.sel $0xFFFF  }
0xc2: {  	[dreg:$0x0] =	wrdreg $0xFFFFFFFF;
	(pc) =	sbr.abs _section_cstart, $3  }
0xc3: {  	[dreg:$0x1] =	wrdreg $0xFFFFFFFF  }
0xc4: {  	_ =	task.clear_ibuf [dreg:s8], $0x2FFFF;
	_ =	strace $0x9FFFFFFF  }
0xc5: {  	(tm) =	ssettm $0x7FFFFFFF  }
tec
execute0_lowered:
.L_overlay_start_1:
0x0: {  	(tag) =	ssettag $0x1  }
0x1: {  	s0 =	srdreg.scid;
	s23 =	stileid.u32  }
0x2: {  	s3 =	rddreg [dreg:$0x1];
	s7 =	simm.s32 $0x0;
	s28 =	simm.s32 $0x2D00  }
0x3: {  	s31 =	simm.s32 $0x4100;
	s1 =	sand.u32 $0x1, s0;
	s5 =	smul.u32 $0x280, s23  }
0x4: {  	s29 =	simm.s32 $0xE;
	s4 =	sor.u32 $0x10, s23;
	s0 =	smul.u32 $0x27100, s1  }
0x5: {  	s30 =	simm.s32 $0xA;
	s6 =	sor.u32 $0x20, s23;
	s2 =	smul.u32 $0x5000, s4  }
0x6: {  	[smem:$0x7FF] =	sst s7;
	s7 =	sor.u32 $0x30, s23;
	s4 =	smul.u32 $0x280, s4  }
0x7: {  	s10 =	sor.u32 $0x40, s23;
	s12 =	sor.u32 $0x50, s23;
	s8 =	smul.u32 $0x280, s6  }
0x8: {  	s15 =	sor.u32 $0x60, s23;
	s18 =	sor.u32 $0x70, s23;
	s11 =	smul.u32 $0x280, s7  }
0x9: {  	s17 =	sshll.u32 s23, $0x1;
	s19 =	sor.u32 $0x80, s23;
	s13 =	smul.u32 $0x280, s10  }
0xa: {  	s21 =	sor.u32 $0x90, s23;
	s24 =	sor.u32 $0xA0, s23;
	s16 =	smul.u32 $0x280, s12  }
0xb: {  	s26 =	ssub.s32 $0x2, s1;
	s20 =	smul.u32 $0x280, s18;
	s9 =	sadd.s32 s0, s3  }
0xc: {  	s1 =	sor.u32 s1, s17;
	s17 =	smul.u32 $0x280, s19;
	s9 =	sadd.s32 $0xA400, s9  }
0xd: {  	p0 =	sgt.u32 s23, $0x9;
	s22 =	smul.u32 $0x280, s21;
	s5 =	sadd.s32 s5, s9  }
0xe: {  	s6 =	smul.u32 $0x5000, s6;
	s4 =	sadd.s32 s4, s9;
	[dreg:$0x5] =	wrdreg s5  }
0xf: {  	s7 =	smul.u32 $0x5000, s7;
	s8 =	sadd.s32 s8, s9;
	[dreg:$0x6] =	wrdreg s4  }
0x10: {  	s14 =	sshrl.u32 s26, $0x1;
	s25 =	sadd.s32 s11, s9;
	[dreg:$0x7] =	wrdreg s8  }
0x11: {  	s0 =	ssub.s32 s26, s14;
	s26 =	sadd.s32 s13, s9;
	[dreg:$0x8] =	wrdreg s25  }
0x12: {  	s14 =	smul.u32 $0x280, s15;
	s11 =	sadd.s32 s20, s9;
	[dreg:$0x9] =	wrdreg s26  }
0x13: {  	s2 =	sshrl.u32 s2, $0x2;
	s13 =	sadd.s32 s17, s9;
	[dreg:$0xc] =	wrdreg s11  }
0x14: {  	s7 =	sshrl.u32 s7, $0x2;
	s5 =	sadd.s32 s16, s9;
	[dreg:$0xd] =	wrdreg s13  }
0x15: {  	s0 =	smax.u32 s0, $0x1;
	s8 =	sadd.s32 s14, s9;
	[dreg:$0xa] =	wrdreg s5  }
0x16: {  	s14 =	smul.u32 $0x280, s24;
	s16 =	sadd.s32 s22, s9;
	[dreg:$0xb] =	wrdreg s8  }
0x17: {  	s4 =	sor.u32 $0xB0, s23;
	s25 =	sor.u32 $0xF0, s23;
	[dreg:$0xe] =	wrdreg s16  }
0x18: {  	s17 =	smul.u32 $0x280, s4;
	s5 =	sadd.s32 s14, s9;
	s14 =	rddreg [dreg:$0x0]  }
0x19: {  	s8 =	sor.u32 $0xC0, s23;
	s4 =	smul.u32 $0x5000, s4;
	[dreg:$0xf] =	wrdreg s5  }
0x1a: {  	s20 =	smul.u32 $0x280, s8;
	s11 =	sadd.s32 s17, s9;
	s17 =	rddreg [dreg:$0x2]  }
0x1b: {  	s5 =	sor.u32 $0xD0, s23;
	[dreg:$0x10] =	wrdreg s11;
	s11 =	sor.u32 $0xE0, s23  }
0x1c: {  	s22 =	smul.u32 $0x280, s5;
	s13 =	sadd.s32 s20, s9;
	s20 =	rddreg [dreg:$0x3]  }
0x1d: {  	s4 =	sshrl.u32 s4, $0x2;
	s26 =	smul.u32 $0x280, s11;
	[dreg:$0x11] =	wrdreg s13  }
0x1e: {  	s13 =	smul.u32 $0x280, s25;
	s2 =	sadd.s32 s2, s20;
	s16 =	sadd.s32 s22, s9  }
0x1f: {  	[dreg:$0x12] =	wrdreg s16;
	s22 =	sadd.s32 s26, s9;
	s26 =	smul.u32 $0x5000, s23  }
0x20: {  	s9 =	sadd.s32 @!p0 s13, s9;
	s23 =	sadd.s32 $0x4EC400, s3;
	s13 =	smul.u32 $0x5000, s10  }
0x21: {  	s16 =	sshrl.u32 s6, $0x2;
	s6 =	smul.u32 $0x2710, s1;
	[dreg:$0x13] =	wrdreg s22  }
0x22: {  	s1 =	smul.u32 $0x27100, s1;
	[dreg:$0x14] =	wrdreg s9;
	s22 =	sadd.s32 $0x600, s3  }
0x23: {  	_ =	strace $0x80000047;
	s9 =	sshrl.u32 s26, $0x2;
	s26 =	smul.u32 $0x5000, s12  }
0x24: {  	[dreg:$0x16] =	wrdreg s2;
	s2 =	sadd.s32 s16, s20;
	s12 =	smul.u32 $0x5000, s18  }
0x25: {  	s10 =	sshrl.u32 s13, $0x2;
	s16 =	smul.u32 $0x5000, s19;
	[smem:$0x7FD] =	sst s0  }
0x26: {  	s1 =	sadd.s32 s23, s1;
	s0 =	simm.s32 $0x28;
	[dreg:$0x17] =	wrdreg s2  }
0x27: {  	s3 =	sadd.s32 s9, s20;
	s9 =	smul.u32 $0x5000, s15;
	[smem:$0x7EE] =	sst s1  }
0x28: {  	s15 =	sadd.s32 s7, s20;
	s18 =	sadd.s32 s10, s20;
	[dreg:$0x15] =	wrdreg s3  }
0x29: {  	s10 =	smul.u32 $0x5000, s24;
	s13 =	sshrl.u32 s26, $0x2;
	[dreg:$0x18] =	wrdreg s15  }
0x2a: {  	s26 =	smul.u32 $0x5000, s21;
	[dreg:$0x19] =	wrdreg s18;
	s19 =	sshrl.u32 s9, $0x2  }
0x2b: {  	s9 =	sshrl.u32 s12, $0x2;
	s12 =	sshrl.u32 s16, $0x2;
	s16 =	smul.u32 $0x5000, s8  }
0x2c: {  	s2 =	sadd.s32 s13, s20;
	s21 =	sshrl.u32 s10, $0x2;
	s8 =	smul.u32 $0x5000, s25  }
0x2d: {  	[dreg:$0x1a] =	wrdreg s2;
	s2 =	sadd.s32 s19, s20;
	s19 =	sadd.s32 s9, s20  }
0x2e: {  	s13 =	sshrl.u32 s26, $0x2;
	s26 =	smul.u32 $0x5000, s5;
	[dreg:$0x1b] =	wrdreg s2  }
0x2f: {  	s24 =	sadd.s32 s12, s20;
	s5 =	smul.u32 $0x5000, s11;
	[dreg:$0x1c] =	wrdreg s19  }
0x30: {  	s12 =	sshrl.u32 s6, $0x3;
	s2 =	sadd.s32 s13, s20;
	[dreg:$0x1d] =	wrdreg s24  }
0x31: {  	s7 =	sshrl.u32 s16, $0x2;
	s13 =	sadd.s32 s22, s12;
	[dreg:$0x1e] =	wrdreg s2  }
0x32: {  	s11 =	sshrl.u32 s8, $0x2;
	s2 =	sadd.s32 s21, s20;
	[smem:$0x7EC] =	sst s13  }
0x33: {  	s16 =	sadd.s32 $0x28, s6;
	s13 =	sadd.s32 $0xA0, s6;
	[dreg:$0x1f] =	wrdreg s2  }
0x34: {  	s3 =	sshrl.u32 s26, $0x2;
	s2 =	sadd.s32 s4, s20;
	[smem:$0x7F8] =	sst s13  }
0x35: {  	s8 =	sadd.s32 $0x78, s6;
	s9 =	sadd.s32 s3, s20;
	[smem:$0x7E7] =	sst s2  }
0x36: {  	s21 =	sshrl.u32 s16, $0x3;
	s3 =	sadd.s32 s17, s12;
	[smem:$0x7E9] =	sst s9  }
0x37: {  	s26 =	sadd.s32 $0x50, s6;
	s25 =	sadd.s32 s22, s21;
	[smem:$0x7ED] =	sst s3  }
0x38: {  	s4 =	sshrl.u32 s5, $0x2;
	s1 =	sadd.s32 s17, s21;
	[smem:$0x7EF] =	sst s25  }
0x39: {  	s5 =	sshll.u32 s26, $0x4;
	s21 =	sadd.s32 $0xF0, s6;
	[smem:$0x7F0] =	sst s1  }
0x3a: {  	s12 =	sshll.u32 s8, $0x4;
	s2 =	sadd.s32 s7, s20;
	[smem:$0x7FA] =	sst s21  }
0x3b: {  	s10 =	sadd.s32 s4, s20;
	s4 =	sshrl.u32 s26, $0x3;
	[smem:$0x7E8] =	sst s2  }
0x3c: {  	s9 =	sadd.s32 s23, s5;
	s25 =	sadd.s32 $0x118, s6;
	[smem:$0x7EA] =	sst s10  }
0x3d: {  	s26 =	sadd.s32 $0x140, s6;
	s5 =	simm.s32 $0x5500;
	[smem:$0x7F4] =	sst s9  }
0x3e: {  	s21 =	simm.s32 $0x8;
	s2 =	sadd.s32 s11, s20;
	[smem:$0x7FB] =	sst s25  }
0x3f: {  	s7 =	sadd.s32 s22, s4;
	s1 =	sadd.s32 s17, s4;
	[smem:$0x7FC] =	sst s26  }
0x40: {  	s10 =	sshrl.u32 s8, $0x3;
	s9 =	simm.s32 $0x500;
	[smem:$0x7EB] =	sst s2  }
0x41: {  	s8 =	simm.s32 $0xB;
	s25 =	simm.s32 $0xD;
	[smem:$0x7F2] =	sst s7  }
0x42: {  	s26 =	simm.s32 $0x9;
	s2 =	sshll.u32 s16, $0x4;
	[smem:$0x7F3] =	sst s1  }
0x43: {  	s11 =	sadd.s32 s22, s10;
	s1 =	sadd.s32 s17, s10;
	s16 =	sadd.s32 $0xC8, s6  }
0x44: {  	s10 =	simm.s32 $0x10;
	s6 =	simm.s32 $0x3;
	[smem:$0x7F5] =	sst s11  }
0x45: {  	s7 =	simm.s32 $0x6;
	s2 =	sadd.s32 s23, s2;
	[smem:$0x7F6] =	sst s1  }
0x46: {  	s1 =	sadd.s32 s23, s12;
	[smem:$0x7F9] =	sst s16;
	s16 =	simm.s32 $0x4  }
0x47: {  	s11 =	simm.s32 $0x5;
	s12 =	simm.s32 $0x0;
	[smem:$0x7F1] =	sst s2  }
0x48: {  	v0 =	vimm.f32 $0.0e+00;
	[smem:$0x7F7] =	sst s1;
	s2 =	simm.s32 $0x7;
	s1 =	simm.s32 $0xC  }
.LBB2_1:
0x49: {  	[smem:$0x7E6] =	sst s12;
	s12 =	simm.s32 $0x0;
	s13 =	simm.s32 $0x200  }
.LBB2_2:
0x4a: {  	p1 =	sne.s32 s13, $0x4E00;
	[tilespmem:s12+$0x570] =	vst v0  }
0x4b: {  	[tilespmem:s12+$0x500] =	vst v0  }
0x4c: {  	[tilespmem:s12+$0x510] =	vst v0  }
.Ltmp0:
0x4d: {  	[tilespmem:s12+$0x520] =	vst v0;
	(pc) =	sbr.rel @p1 .LBB2_2-.Ltmp0, $4  }
0x4e: {  	[tilespmem:s12+$0x530] =	vst v0  }
0x4f: {  	[tilespmem:s12+$0x540] =	vst v0  }
0x50: {  	[tilespmem:s12+$0x550] =	vst v0  }
0x51: {  	[tilespmem:s12+$0x560] =	vst v0;
	s12 =	sshra.s32 s13, $0x2;
	s13 =	sadd.s32 $0x200, s13  }
0x52: {  	[tilespmem:s12+$0x570] =	vst v0  }
0x53: {  	[tilespmem:s12+$0x500] =	vst v0  }
0x54: {  	[tilespmem:s12+$0x510] =	vst v0  }
0x55: {  	[tilespmem:s12+$0x520] =	vst v0  }
0x56: {  	[tilespmem:s12+$0x530] =	vst v0  }
0x57: {  	[tilespmem:s12+$0x540] =	vst v0  }
0x58: {  	[tilespmem:s12+$0x550] =	vst v0  }
0x59: {  	[tilespmem:s12+$0x560] =	vst v0;
	s3 =	rddreg [dreg:$0x15]  }
0x5a: {  	[spmem:s3] =	stream.linear.scatter [tilespmem:s9], [sflag:$0x10], $0x1400, $0x38;
	[tilespmem:$0x1A180] =	vst v63  }
0x5b: {  	_ =	swait.ge [sflag:s10], $0x1400  }
0x5c: {  	[sflag:s10] =	ssyncset.done $0x0  }
0x5d: {  	s12 =	rddreg [dreg:$0x16];
	[sflag:s10] =	ssyncadd.s32 $0xFFFFEC00  }
0x5e: {  	[spmem:s12] =	stream.linear.scatter [tilespmem:s9], [sflag:$0x10], $0x1400, $0x38;
	[tilespmem:$0x1A180] =	vst v63  }
0x5f: {  	_ =	swait.ge [sflag:s10], $0x1400  }
0x60: {  	[sflag:s10] =	ssyncset.done $0x0  }
0x61: {  	s13 =	rddreg [dreg:$0x17];
	[sflag:s10] =	ssyncadd.s32 $0xFFFFEC00  }
0x62: {  	[spmem:s13] =	stream.linear.scatter [tilespmem:s9], [sflag:$0x10], $0x1400, $0x38;
	[tilespmem:$0x1A180] =	vst v63  }
0x63: {  	_ =	swait.ge [sflag:s10], $0x1400  }
0x64: {  	[sflag:s10] =	ssyncset.done $0x0  }
0x65: {  	[sflag:s10] =	ssyncadd.s32 $0xFFFFEC00  }
0x66: {  	[spmem:s15] =	stream.linear.scatter [tilespmem:s9], [sflag:$0x10], $0x1400, $0x38;
	[tilespmem:$0x1A180] =	vst v63  }
0x67: {  	_ =	swait.ge [sflag:s10], $0x1400  }
0x68: {  	[sflag:s10] =	ssyncset.done $0x0  }
0x69: {  	[sflag:s10] =	ssyncadd.s32 $0xFFFFEC00  }
0x6a: {  	[spmem:s18] =	stream.linear.scatter [tilespmem:s9], [sflag:$0x10], $0x1400, $0x38;
	[tilespmem:$0x1A180] =	vst v63  }
0x6b: {  	_ =	swait.ge [sflag:s10], $0x1400  }
0x6c: {  	[sflag:s10] =	ssyncset.done $0x0  }
0x6d: {  	s15 =	rddreg [dreg:$0x1a];
	[sflag:s10] =	ssyncadd.s32 $0xFFFFEC00  }
0x6e: {  	[spmem:s15] =	stream.linear.scatter [tilespmem:s9], [sflag:$0x10], $0x1400, $0x38;
	[tilespmem:$0x1A180] =	vst v63  }
0x6f: {  	_ =	swait.ge [sflag:s10], $0x1400  }
0x70: {  	[sflag:s10] =	ssyncset.done $0x0  }
0x71: {  	s18 =	rddreg [dreg:$0x1b];
	[sflag:s10] =	ssyncadd.s32 $0xFFFFEC00  }
0x72: {  	[spmem:s18] =	stream.linear.scatter [tilespmem:s9], [sflag:$0x10], $0x1400, $0x38;
	[tilespmem:$0x1A180] =	vst v63  }
0x73: {  	_ =	swait.ge [sflag:s10], $0x1400  }
0x74: {  	[sflag:s10] =	ssyncset.done $0x0  }
0x75: {  	[sflag:s10] =	ssyncadd.s32 $0xFFFFEC00  }
0x76: {  	[spmem:s19] =	stream.linear.scatter [tilespmem:s9], [sflag:$0x10], $0x1400, $0x38;
	[tilespmem:$0x1A180] =	vst v63  }
0x77: {  	_ =	swait.ge [sflag:s10], $0x1400  }
0x78: {  	[sflag:s10] =	ssyncset.done $0x0  }
0x79: {  	[sflag:s10] =	ssyncadd.s32 $0xFFFFEC00  }
0x7a: {  	[spmem:s24] =	stream.linear.scatter [tilespmem:s9], [sflag:$0x10], $0x1400, $0x38;
	[tilespmem:$0x1A180] =	vst v63  }
0x7b: {  	_ =	swait.ge [sflag:s10], $0x1400  }
0x7c: {  	[sflag:s10] =	ssyncset.done $0x0  }
0x7d: {  	s19 =	rddreg [dreg:$0x1e];
	[sflag:s10] =	ssyncadd.s32 $0xFFFFEC00  }
0x7e: {  	[spmem:s19] =	stream.linear.scatter [tilespmem:s9], [sflag:$0x10], $0x1400, $0x38;
	[tilespmem:$0x1A180] =	vst v63  }
0x7f: {  	_ =	swait.ge [sflag:s10], $0x1400  }
0x80: {  	[sflag:s10] =	ssyncset.done $0x0  }
0x81: {  	s24 =	rddreg [dreg:$0x1f];
	[sflag:s10] =	ssyncadd.s32 $0xFFFFEC00  }
0x82: {  	[spmem:s24] =	stream.linear.scatter [tilespmem:s9], [sflag:$0x10], $0x1400, $0x38;
	[tilespmem:$0x1A180] =	vst v63  }
0x83: {  	_ =	swait.ge [sflag:s10], $0x1400  }
0x84: {  	s4 =	sld [smem:$0x7E7]  }
0x85: {  	[sflag:s10] =	ssyncset.done $0x0  }
0x86: {  	[sflag:s10] =	ssyncadd.s32 $0xFFFFEC00  }
0x87: {  	[spmem:s4] =	stream.linear.scatter [tilespmem:s9], [sflag:$0x10], $0x1400, $0x38;
	[tilespmem:$0x1A180] =	vst v63  }
0x88: {  	_ =	swait.ge [sflag:s10], $0x1400  }
0x89: {  	s12 =	sld [smem:$0x7E8]  }
0x8a: {  	[sflag:s10] =	ssyncset.done $0x0  }
0x8b: {  	[sflag:s10] =	ssyncadd.s32 $0xFFFFEC00  }
0x8c: {  	[spmem:s12] =	stream.linear.scatter [tilespmem:s9], [sflag:$0x10], $0x1400, $0x38;
	[tilespmem:$0x1A180] =	vst v63  }
0x8d: {  	_ =	swait.ge [sflag:s10], $0x1400  }
0x8e: {  	s13 =	sld [smem:$0x7E9]  }
0x8f: {  	[sflag:s10] =	ssyncset.done $0x0  }
0x90: {  	[sflag:s10] =	ssyncadd.s32 $0xFFFFEC00  }
0x91: {  	[spmem:s13] =	stream.linear.scatter [tilespmem:s9], [sflag:$0x10], $0x1400, $0x38;
	[tilespmem:$0x1A180] =	vst v63  }
0x92: {  	_ =	swait.ge [sflag:s10], $0x1400  }
0x93: {  	s15 =	sld [smem:$0x7EA]  }
0x94: {  	[sflag:s10] =	ssyncset.done $0x0  }
0x95: {  	[sflag:s10] =	ssyncadd.s32 $0xFFFFEC00  }
0x96: {  	[spmem:s15] =	stream.linear.scatter [tilespmem:s9], [sflag:$0x10], $0x1400, $0x38;
	[tilespmem:$0x1A180] =	vst v63  }
0x97: {  	_ =	swait.ge [sflag:s10], $0x1400  }
0x98: {  	s3 =	sld [smem:$0x7EB]  }
0x99: {  	[sflag:s10] =	ssyncset.done $0x0  }
0x9a: {  	s12 =	simm.s32 @!p0 $0x500;
	[sflag:s10] =	ssyncadd.s32 $0xFFFFEC00  }
0x9b: {  	[spmem:s3] =	stream.linear.scatter @!p0 [tilespmem:s12], [sflag:$0x10], $0x1400, $0x38;
	[tilespmem:$0x1A180] =	vst v63  }
0x9c: {  	s12 =	simm.s32 @!p0 $0x10  }
0x9d: {  	_ =	swait.ge @!p0 [sflag:s12], $0x1400  }
0x9e: {  	[sflag:s12] =	ssyncset.done @!p0 $0x0  }
0x9f: {  	[sflag:s12] =	ssyncadd.s32 @!p0 $0xFFFFEC00  }
0xa0: {  	[bflag:$0x0] =	sbarrier.arrive $0xFFFF  }
0xa1: {  	s18 =	sld [smem:$0x7EC];
	_ =	sdelay $0x1  }
0xa2: {  	s24 =	simm.s32 $0x0;
	s19 =	sld [smem:$0x7ED]  }
0xa3: {  	[tilespmem:s24], [sflag:$0x1] =	stream.linear.gather [hbm4b:s18+s24], $0x28, $0x38;
	[tilespmem:$0x1A180] =	vst v63  }
0xa4: {  	s4 =	simm.s32 $0x280  }
0xa5: {  	[tilespmem:s4], [sflag:$0x1] =	stream.linear.gather [hbm4b:s19+s24], $0x28, $0x38;
	[tilespmem:$0x1A180] =	vst v63  }
0xa6: {  	s4 =	sld [smem:$0x7EE];
	_ =	sdelay $0x1  }
0xa7: {  	s12 =	sld [smem:$0x7EF]  }
0xa8: {  	[tilespmem:s9], [sflag:$0x1] =	stream.linear.gather [hbm4b:s4+s24], $0x1400, $0x38;
	[tilespmem:$0x1A180] =	vst v63  }
0xa9: {  	s13 =	sld [smem:$0x7F0];
	s4 =	simm.s32 $0x80  }
0xaa: {  	[tilespmem:s4], [sflag:$0x2] =	stream.linear.gather [hbm4b:s12+s24], $0x28, $0x38;
	[tilespmem:$0x1A180] =	vst v63  }
0xab: {  	s15 =	simm.s32 $0x300;
	s18 =	sld [smem:$0x7F1]  }
0xac: {  	[tilespmem:s15], [sflag:$0x2] =	stream.linear.gather [hbm4b:s13+s24], $0x28, $0x38;
	[tilespmem:$0x1A180] =	vst v63  }
0xad: {  	s19 =	sld [smem:$0x7F2];
	s12 =	simm.s32 $0x1900  }
0xae: {  	[tilespmem:s12], [sflag:$0x2] =	stream.linear.gather [hbm4b:s18+s24], $0x1400, $0x38;
	[tilespmem:$0x1A180] =	vst v63  }
0xaf: {  	s13 =	simm.s32 $0x100;
	s15 =	sld [smem:$0x7F3]  }
0xb0: {  	[tilespmem:s13], [sflag:$0x3] =	stream.linear.gather [hbm4b:s19+s24], $0x28, $0x38;
	[tilespmem:$0x1A180] =	vst v63  }
0xb1: {  	s18 =	simm.s32 $0x380;
	s19 =	sld [smem:$0x7F4]  }
0xb2: {  	[tilespmem:s18], [sflag:$0x3] =	stream.linear.gather [hbm4b:s15+s24], $0x28, $0x38;
	[tilespmem:$0x1A180] =	vst v63  }
0xb3: {  	s13 =	sld [smem:$0x7F5]  }
0xb4: {  	[tilespmem:s28], [sflag:$0x3] =	stream.linear.gather [hbm4b:s19+s24], $0x1400, $0x38;
	[tilespmem:$0x1A180] =	vst v63  }
0xb5: {  	s15 =	simm.s32 $0x180;
	s18 =	sld [smem:$0x7F6]  }
0xb6: {  	[tilespmem:s15], [sflag:$0x4] =	stream.linear.gather [hbm4b:s13+s24], $0x28, $0x38;
	[tilespmem:$0x1A180] =	vst v63  }
0xb7: {  	s19 =	simm.s32 $0x400;
	s15 =	sld [smem:$0x7F7]  }
0xb8: {  	[tilespmem:s19], [sflag:$0x4] =	stream.linear.gather [hbm4b:s18+s24], $0x28, $0x38;
	[tilespmem:$0x1A180] =	vst v63  }
0xb9: {  	s18 =	simm.s32 $0x1  }
0xba: {  	[tilespmem:s31], [sflag:$0x4] =	stream.linear.gather [hbm4b:s15+s24], $0x1400, $0x38;
	[tilespmem:$0x1A180] =	vst v63  }
0xbb: {  	_ =	swait.ge [sflag:s18], $0x28  }
0xbc: {  	[sflag:s18] =	ssyncset.done $0x0  }
0xbd: {  	[sflag:s18] =	ssyncadd.s32 $0xFFFFFFD8  }
0xbe: {  	_ =	swait.ge [sflag:s18], $0x28  }
0xbf: {  	[sflag:s18] =	ssyncset.done $0x0  }
0xc0: {  	[sflag:s18] =	ssyncadd.s32 $0xFFFFFFD8  }
0xc1: {  	_ =	swait.ge [sflag:s18], $0x1400  }
0xc2: {  	[sflag:s18] =	ssyncset.done $0x0  }
0xc3: {  	s19 =	simm.s32 $0x2;
	[sflag:s18] =	ssyncadd.s32 $0xFFFFEC00  }
0xc4: {  	[tilespmem:s9], [sflag:$0x6] =	stream.indirect.gather.add.f32 [hbm:s14], $0x80, s24, s0, $0xb8;
	[tilespmem:$0x1A180] =	vst v63  }
0xc5: {  	_ =	swait.ge [sflag:s19], $0x28  }
0xc6: {  	[sflag:s19] =	ssyncset.done $0x0  }
0xc7: {  	[sflag:s19] =	ssyncadd.s32 $0xFFFFFFD8  }
0xc8: {  	_ =	swait.ge [sflag:s19], $0x28  }
0xc9: {  	[sflag:s19] =	ssyncset.done $0x0  }
0xca: {  	[sflag:s19] =	ssyncadd.s32 $0xFFFFFFD8  }
0xcb: {  	_ =	swait.ge [sflag:s19], $0x1400  }
0xcc: {  	[sflag:s19] =	ssyncset.done $0x0  }
0xcd: {  	[sflag:s19] =	ssyncadd.s32 $0xFFFFEC00  }
0xce: {  	[tilespmem:s12], [sflag:$0x7] =	stream.indirect.gather.add.f32 [hbm:s14], $0x80, s4, s0, $0xb8;
	[tilespmem:$0x1A180] =	vst v63  }
0xcf: {  	s12 =	simm.s32 $0x0;
	s4 =	simm.s32 $0x480  }
.LBB2_4:
0xd0: {  	p1 =	seq.s32 s12, $0x0  }
0xd1: {  	s15 =	simm.s32 @!p1 $0xF  }
0xd2: {  	_ =	swait.ge @!p1 [sflag:s15], $0x1400  }
0xd3: {  	s3 =	sld [smem:$0x7F8]  }
0xd4: {  	s13 =	smul.u32 $0xC8, s12;
	_ =	sdelay $0x1  }
0xd5: {  	s18 =	sadd.s32 s13, s3  }
0xd6: {  	[sflag:s15] =	ssyncset.done @!p1 $0x0;
	s19 =	sshrl.u32 s18, $0x3  }
0xd7: {  	[sflag:s15] =	ssyncadd.s32 @!p1 $0xFFFFEC00;
	s3 =	simm.s32 $0x200;
	s15 =	sadd.s32 s22, s19  }
0xd8: {  	[tilespmem:s3], [sflag:$0x5] =	stream.linear.gather [hbm4b:s15+s24], $0x28, $0x38;
	[tilespmem:$0x1A180] =	vst v63  }
0xd9: {  	s18 =	sshll.u32 s18, $0x4;
	s3 =	sadd.s32 s17, s19  }
0xda: {  	[tilespmem:s4], [sflag:$0x5] =	stream.linear.gather [hbm4b:s3+s24], $0x28, $0x38;
	[tilespmem:$0x1A180] =	vst v63  }
0xdb: {  	s15 =	sadd.s32 s23, s18  }
0xdc: {  	[tilespmem:s5], [sflag:$0x5] =	stream.linear.gather [hbm4b:s15+s24], $0x1400, $0x38;
	[tilespmem:$0x1A180] =	vst v63  }
0xdd: {  	_ =	swait.ge [sflag:s6], $0x28  }
0xde: {  	[sflag:s6] =	ssyncset.done $0x0  }
0xdf: {  	[sflag:s6] =	ssyncadd.s32 $0xFFFFFFD8  }
0xe0: {  	_ =	swait.ge [sflag:s6], $0x28  }
0xe1: {  	[sflag:s6] =	ssyncset.done $0x0  }
0xe2: {  	[sflag:s6] =	ssyncadd.s32 $0xFFFFFFD8  }
0xe3: {  	_ =	swait.ge [sflag:s6], $0x1400  }
0xe4: {  	[sflag:s6] =	ssyncset.done $0x0  }
0xe5: {  	s19 =	simm.s32 $0x100;
	[sflag:s6] =	ssyncadd.s32 $0xFFFFEC00  }
0xe6: {  	[tilespmem:s28], [sflag:$0x8] =	stream.indirect.gather.add.f32 [hbm:s14], $0x80, s19, s0, $0xb8;
	[tilespmem:$0x1A180] =	vst v63  }
0xe7: {  	_ =	swait.ge [sflag:s7], $0x1400  }
0xe8: {  	[sflag:s7] =	ssyncset.done $0x0  }
0xe9: {  	s15 =	simm.s32 $0x0;
	[sflag:s7] =	ssyncadd.s32 $0xFFFFEC00  }
0xea: {  	v3 =	vld [tilespmem:s15+$0x500]  }
0xeb: {  	v5 =	vld [tilespmem:s15+$0x510]  }
0xec: {  	v4 =	vld [tilespmem:s15+$0x520]  }
0xed: {  	v2 =	vld [tilespmem:s15+$0x530]  }
0xee: {  	v1 =	vld [tilespmem:s15+$0x540]  }
0xef: {  	v6 =	vmax.f32 v3, $0.0e+00;
	v3 =	vld [tilespmem:s15+$0x550]  }
0xf0: {  	s18 =	simm.s32 $0x200;
	[tilespmem:s15+$0x500] =	vst v6;
	v6 =	vmax.f32 v5, $0.0e+00;
	v5 =	vld [tilespmem:s15+$0x560]  }
.LBB2_5:
0xf1: {  	s19 =	sshra.s32 s18, $0x2;
	p1 =	sne.s32 s18, $0x4E00;
	[tilespmem:s15+$0x510] =	vst v6;
	v4 =	vmax.f32 v4, $0.0e+00;
	v6 =	vld [tilespmem:s15+$0x570]  }
0xf2: {  	v7 =	vld [tilespmem:s19+$0x500];
	[tilespmem:s15+$0x520] =	vst v4;
	v2 =	vmax.f32 v2, $0.0e+00  }
0xf3: {  	v8 =	vld [tilespmem:s19+$0x510];
	[tilespmem:s15+$0x530] =	vst v2;
	v1 =	vmax.f32 v1, $0.0e+00  }
.Ltmp1:
0xf4: {  	v4 =	vld [tilespmem:s19+$0x520];
	[tilespmem:s15+$0x540] =	vst v1;
	v1 =	vmax.f32 v3, $0.0e+00;
	(pc) =	sbr.rel @p1 .LBB2_5-.Ltmp1, $4  }
0xf5: {  	v2 =	vld [tilespmem:s19+$0x530];
	[tilespmem:s15+$0x550] =	vst v1;
	v3 =	vmax.f32 v5, $0.0e+00  }
0xf6: {  	v1 =	vld [tilespmem:s19+$0x540];
	[tilespmem:s15+$0x560] =	vst v3;
	v5 =	vmax.f32 v6, $0.0e+00  }
0xf7: {  	v6 =	vmax.f32 v7, $0.0e+00;
	v3 =	vld [tilespmem:s19+$0x550];
	[tilespmem:s15+$0x570] =	vst v5;
	s15 =	smov.u32 s19  }
0xf8: {  	s18 =	sadd.s32 $0x200, s18;
	[tilespmem:s15+$0x500] =	vst v6;
	v6 =	vmax.f32 v8, $0.0e+00;
	v5 =	vld [tilespmem:s15+$0x560]  }
0xf9: {  	[tilespmem:s15+$0x510] =	vst v6;
	v4 =	vmax.f32 v4, $0.0e+00;
	v6 =	vld [tilespmem:s15+$0x570]  }
0xfa: {  	[tilespmem:s15+$0x520] =	vst v4;
	v2 =	vmax.f32 v2, $0.0e+00  }
0xfb: {  	[tilespmem:s15+$0x530] =	vst v2;
	v1 =	vmax.f32 v1, $0.0e+00  }
0xfc: {  	[tilespmem:s15+$0x540] =	vst v1;
	v1 =	vmax.f32 v3, $0.0e+00  }
0xfd: {  	[tilespmem:s15+$0x550] =	vst v1;
	v1 =	vmax.f32 v5, $0.0e+00  }
0xfe: {  	[tilespmem:s15+$0x560] =	vst v1;
	v1 =	vmax.f32 v6, $0.0e+00  }
0xff: {  	s3 =	simm.s32 $0x280;
	[tilespmem:s15+$0x570] =	vst v1  }
0x100: {  	[spmem:s20] =	stream.indirect.scatter.add.f32 [tilespmem:s9], [sflag:$0xB], $0x80, s3, s0, $0xb8;
	[tilespmem:$0x1A180] =	vst v63  }
0x101: {  	_ =	swait.ge [sflag:s8], $0x1400  }
0x102: {  	s3 =	sld [smem:$0x7F9];
	_ =	sdelay $0x1  }
0x103: {  	p1 =	seq.s32 s12, $0x31  }
0x104: {  	s15 =	sadd.s32 @!p1 s13, s3  }
0x105: {  	[sflag:s8] =	ssyncset.done $0x0;
	s18 =	sshrl.u32 @!p1 s15, $0x3  }
0x106: {  	[sflag:s8] =	ssyncadd.s32 $0xFFFFEC00;
	s3 =	simm.s32 @!p1 $0x0;
	s19 =	sadd.s32 @!p1 s22, s18  }
0x107: {  	[tilespmem:s3], [sflag:$0x1] =	stream.linear.gather @!p1 [hbm4b:s19+s3], $0x28, $0x38;
	[tilespmem:$0x1A180] =	vst v63  }
0x108: {  	s15 =	sshll.u32 @!p1 s15, $0x4;
	s18 =	sadd.s32 @!p1 s17, s18;
	s19 =	simm.s32 @!p1 $0x280  }
0x109: {  	[tilespmem:s19], [sflag:$0x1] =	stream.linear.gather @!p1 [hbm4b:s18+s3], $0x28, $0x38;
	[tilespmem:$0x1A180] =	vst v63  }
0x10a: {  	s15 =	sadd.s32 @!p1 s23, s15;
	s18 =	simm.s32 @!p1 $0x500  }
0x10b: {  	[tilespmem:s18], [sflag:$0x1] =	stream.linear.gather @!p1 [hbm4b:s15+s3], $0x1400, $0x38;
	[tilespmem:$0x1A180] =	vst v63  }
0x10c: {  	_ =	swait.ge [sflag:s16], $0x28  }
0x10d: {  	[sflag:s16] =	ssyncset.done $0x0  }
0x10e: {  	[sflag:s16] =	ssyncadd.s32 $0xFFFFFFD8  }
0x10f: {  	_ =	swait.ge [sflag:s16], $0x28  }
0x110: {  	[sflag:s16] =	ssyncset.done $0x0  }
0x111: {  	[sflag:s16] =	ssyncadd.s32 $0xFFFFFFD8  }
0x112: {  	_ =	swait.ge [sflag:s16], $0x1400  }
0x113: {  	[sflag:s16] =	ssyncset.done $0x0  }
0x114: {  	s19 =	simm.s32 $0x180;
	[sflag:s16] =	ssyncadd.s32 $0xFFFFEC00  }
0x115: {  	[tilespmem:s31], [sflag:$0x9] =	stream.indirect.gather.add.f32 [hbm:s14], $0x80, s19, s0, $0xb8;
	[tilespmem:$0x1A180] =	vst v63  }
0x116: {  	_ =	swait.ge [sflag:s2], $0x1400  }
0x117: {  	[sflag:s2] =	ssyncset.done $0x0  }
0x118: {  	s15 =	simm.s32 $0x0;
	[sflag:s2] =	ssyncadd.s32 $0xFFFFEC00  }
0x119: {  	v3 =	vld [tilespmem:s15+$0x1900]  }
0x11a: {  	v5 =	vld [tilespmem:s15+$0x1910]  }
0x11b: {  	v4 =	vld [tilespmem:s15+$0x1920]  }
0x11c: {  	v2 =	vld [tilespmem:s15+$0x1930]  }
0x11d: {  	v1 =	vld [tilespmem:s15+$0x1940]  }
0x11e: {  	v6 =	vmax.f32 v3, $0.0e+00;
	v3 =	vld [tilespmem:s15+$0x1950]  }
0x11f: {  	s18 =	simm.s32 $0x200;
	[tilespmem:s15+$0x1900] =	vst v6;
	v6 =	vmax.f32 v5, $0.0e+00;
	v5 =	vld [tilespmem:s15+$0x1960]  }
.LBB2_7:
0x120: {  	s3 =	sshra.s32 s18, $0x2;
	p2 =	sne.s32 s18, $0x4E00;
	[tilespmem:s15+$0x1910] =	vst v6;
	v4 =	vmax.f32 v4, $0.0e+00;
	v6 =	vld [tilespmem:s15+$0x1970]  }
0x121: {  	v7 =	vld [tilespmem:s3+$0x1900];
	[tilespmem:s15+$0x1920] =	vst v4;
	v2 =	vmax.f32 v2, $0.0e+00  }
0x122: {  	v8 =	vld [tilespmem:s3+$0x1910];
	[tilespmem:s15+$0x1930] =	vst v2;
	v1 =	vmax.f32 v1, $0.0e+00  }
.Ltmp2:
0x123: {  	v4 =	vld [tilespmem:s3+$0x1920];
	[tilespmem:s15+$0x1940] =	vst v1;
	v1 =	vmax.f32 v3, $0.0e+00;
	(pc) =	sbr.rel @p2 .LBB2_7-.Ltmp2, $4  }
0x124: {  	v2 =	vld [tilespmem:s3+$0x1930];
	[tilespmem:s15+$0x1950] =	vst v1;
	v3 =	vmax.f32 v5, $0.0e+00  }
0x125: {  	v1 =	vld [tilespmem:s3+$0x1940];
	[tilespmem:s15+$0x1960] =	vst v3;
	v5 =	vmax.f32 v6, $0.0e+00  }
0x126: {  	v6 =	vmax.f32 v7, $0.0e+00;
	v3 =	vld [tilespmem:s3+$0x1950];
	[tilespmem:s15+$0x1970] =	vst v5;
	s15 =	smov.u32 s3  }
0x127: {  	s18 =	sadd.s32 $0x200, s18;
	[tilespmem:s15+$0x1900] =	vst v6;
	v6 =	vmax.f32 v8, $0.0e+00;
	v5 =	vld [tilespmem:s15+$0x1960]  }
0x128: {  	[tilespmem:s15+$0x1910] =	vst v6;
	v4 =	vmax.f32 v4, $0.0e+00;
	v6 =	vld [tilespmem:s15+$0x1970]  }
0x129: {  	[tilespmem:s15+$0x1920] =	vst v4;
	v2 =	vmax.f32 v2, $0.0e+00  }
0x12a: {  	[tilespmem:s15+$0x1930] =	vst v2;
	v1 =	vmax.f32 v1, $0.0e+00  }
0x12b: {  	[tilespmem:s15+$0x1940] =	vst v1;
	v1 =	vmax.f32 v3, $0.0e+00  }
0x12c: {  	[tilespmem:s15+$0x1950] =	vst v1;
	v1 =	vmax.f32 v5, $0.0e+00  }
0x12d: {  	[tilespmem:s15+$0x1960] =	vst v1;
	v1 =	vmax.f32 v6, $0.0e+00  }
0x12e: {  	s3 =	simm.s32 $0x300;
	s4 =	simm.s32 $0x1900;
	[tilespmem:s15+$0x1970] =	vst v1  }
0x12f: {  	[spmem:s20] =	stream.indirect.scatter.add.f32 [tilespmem:s4], [sflag:$0xC], $0x80, s3, s0, $0xb8;
	[tilespmem:$0x1A180] =	vst v63  }
0x130: {  	_ =	swait.ge [sflag:s1], $0x1400  }
0x131: {  	s3 =	sld [smem:$0x7FA];
	_ =	sdelay $0x2  }
0x132: {  	s3 =	sadd.s32 @!p1 s13, s3  }
0x133: {  	s19 =	simm.s32 @!p1 $0x0;
	[sflag:s1] =	ssyncset.done $0x0;
	s15 =	sshrl.u32 @!p1 s3, $0x3  }
0x134: {  	s4 =	simm.s32 @!p1 $0x80;
	[sflag:s1] =	ssyncadd.s32 $0xFFFFEC00;
	s18 =	sadd.s32 @!p1 s22, s15  }
0x135: {  	[tilespmem:s4], [sflag:$0x2] =	stream.linear.gather @!p1 [hbm4b:s18+s19], $0x28, $0x38;
	[tilespmem:$0x1A180] =	vst v63  }
0x136: {  	s3 =	sshll.u32 @!p1 s3, $0x4;
	s4 =	sadd.s32 @!p1 s17, s15;
	s15 =	simm.s32 @!p1 $0x300  }
0x137: {  	[tilespmem:s15], [sflag:$0x2] =	stream.linear.gather @!p1 [hbm4b:s4+s19], $0x28, $0x38;
	[tilespmem:$0x1A180] =	vst v63  }
0x138: {  	s3 =	sadd.s32 @!p1 s23, s3;
	s4 =	simm.s32 @!p1 $0x1900  }
0x139: {  	[tilespmem:s4], [sflag:$0x2] =	stream.linear.gather @!p1 [hbm4b:s3+s19], $0x1400, $0x38;
	[tilespmem:$0x1A180] =	vst v63  }
0x13a: {  	_ =	swait.ge [sflag:s11], $0x28  }
0x13b: {  	[sflag:s11] =	ssyncset.done $0x0  }
0x13c: {  	[sflag:s11] =	ssyncadd.s32 $0xFFFFFFD8  }
0x13d: {  	_ =	swait.ge [sflag:s11], $0x28  }
0x13e: {  	[sflag:s11] =	ssyncset.done $0x0  }
0x13f: {  	[sflag:s11] =	ssyncadd.s32 $0xFFFFFFD8  }
0x140: {  	_ =	swait.ge [sflag:s11], $0x1400  }
0x141: {  	[sflag:s11] =	ssyncset.done $0x0  }
0x142: {  	s19 =	simm.s32 $0x200;
	[sflag:s11] =	ssyncadd.s32 $0xFFFFEC00  }
0x143: {  	[tilespmem:s5], [sflag:$0xA] =	stream.indirect.gather.add.f32 [hbm:s14], $0x80, s19, s0, $0xb8;
	[tilespmem:$0x1A180] =	vst v63  }
0x144: {  	_ =	swait.ge [sflag:s21], $0x1400  }
0x145: {  	[sflag:s21] =	ssyncset.done $0x0  }
0x146: {  	s15 =	simm.s32 $0x0;
	[sflag:s21] =	ssyncadd.s32 $0xFFFFEC00  }
0x147: {  	v3 =	vld [tilespmem:s15+$0x2D00]  }
0x148: {  	v5 =	vld [tilespmem:s15+$0x2D10]  }
0x149: {  	v4 =	vld [tilespmem:s15+$0x2D20]  }
0x14a: {  	v2 =	vld [tilespmem:s15+$0x2D30]  }
0x14b: {  	v1 =	vld [tilespmem:s15+$0x2D40]  }
0x14c: {  	v6 =	vmax.f32 v3, $0.0e+00;
	v3 =	vld [tilespmem:s15+$0x2D50]  }
0x14d: {  	s18 =	simm.s32 $0x200;
	[tilespmem:s15+$0x2D00] =	vst v6;
	v6 =	vmax.f32 v5, $0.0e+00;
	v5 =	vld [tilespmem:s15+$0x2D60]  }
.LBB2_9:
0x14e: {  	s3 =	sshra.s32 s18, $0x2;
	p2 =	sne.s32 s18, $0x4E00;
	[tilespmem:s15+$0x2D10] =	vst v6;
	v4 =	vmax.f32 v4, $0.0e+00;
	v6 =	vld [tilespmem:s15+$0x2D70]  }
0x14f: {  	v7 =	vld [tilespmem:s3+$0x2D00];
	[tilespmem:s15+$0x2D20] =	vst v4;
	v2 =	vmax.f32 v2, $0.0e+00  }
0x150: {  	v8 =	vld [tilespmem:s3+$0x2D10];
	[tilespmem:s15+$0x2D30] =	vst v2;
	v1 =	vmax.f32 v1, $0.0e+00  }
.Ltmp3:
0x151: {  	v4 =	vld [tilespmem:s3+$0x2D20];
	[tilespmem:s15+$0x2D40] =	vst v1;
	v1 =	vmax.f32 v3, $0.0e+00;
	(pc) =	sbr.rel @p2 .LBB2_9-.Ltmp3, $4  }
0x152: {  	v2 =	vld [tilespmem:s3+$0x2D30];
	[tilespmem:s15+$0x2D50] =	vst v1;
	v3 =	vmax.f32 v5, $0.0e+00  }
0x153: {  	v1 =	vld [tilespmem:s3+$0x2D40];
	[tilespmem:s15+$0x2D60] =	vst v3;
	v5 =	vmax.f32 v6, $0.0e+00  }
0x154: {  	v6 =	vmax.f32 v7, $0.0e+00;
	v3 =	vld [tilespmem:s3+$0x2D50];
	[tilespmem:s15+$0x2D70] =	vst v5;
	s15 =	smov.u32 s3  }
0x155: {  	s18 =	sadd.s32 $0x200, s18;
	[tilespmem:s15+$0x2D00] =	vst v6;
	v6 =	vmax.f32 v8, $0.0e+00;
	v5 =	vld [tilespmem:s15+$0x2D60]  }
0x156: {  	[tilespmem:s15+$0x2D10] =	vst v6;
	v4 =	vmax.f32 v4, $0.0e+00;
	v6 =	vld [tilespmem:s15+$0x2D70]  }
0x157: {  	[tilespmem:s15+$0x2D20] =	vst v4;
	v2 =	vmax.f32 v2, $0.0e+00  }
0x158: {  	[tilespmem:s15+$0x2D30] =	vst v2;
	v1 =	vmax.f32 v1, $0.0e+00  }
0x159: {  	[tilespmem:s15+$0x2D40] =	vst v1;
	v1 =	vmax.f32 v3, $0.0e+00  }
0x15a: {  	[tilespmem:s15+$0x2D50] =	vst v1;
	v1 =	vmax.f32 v5, $0.0e+00  }
0x15b: {  	[tilespmem:s15+$0x2D60] =	vst v1;
	v1 =	vmax.f32 v6, $0.0e+00  }
0x15c: {  	s3 =	simm.s32 $0x380;
	[tilespmem:s15+$0x2D70] =	vst v1  }
0x15d: {  	[spmem:s20] =	stream.indirect.scatter.add.f32 [tilespmem:s28], [sflag:$0xD], $0x80, s3, s0, $0xb8;
	[tilespmem:$0x1A180] =	vst v63  }
0x15e: {  	_ =	swait.ge [sflag:s25], $0x1400  }
0x15f: {  	s3 =	sld [smem:$0x7FB];
	_ =	sdelay $0x2  }
0x160: {  	s3 =	sadd.s32 @!p1 s13, s3  }
0x161: {  	s18 =	simm.s32 @!p1 $0x0;
	[sflag:s25] =	ssyncset.done $0x0;
	s4 =	sshrl.u32 @!p1 s3, $0x3  }
0x162: {  	s19 =	simm.s32 @!p1 $0x100;
	[sflag:s25] =	ssyncadd.s32 $0xFFFFEC00;
	s15 =	sadd.s32 @!p1 s22, s4  }
0x163: {  	[tilespmem:s19], [sflag:$0x3] =	stream.linear.gather @!p1 [hbm4b:s15+s18], $0x28, $0x38;
	[tilespmem:$0x1A180] =	vst v63  }
0x164: {  	s3 =	sshll.u32 @!p1 s3, $0x4;
	s4 =	sadd.s32 @!p1 s17, s4;
	s15 =	simm.s32 @!p1 $0x380  }
0x165: {  	[tilespmem:s15], [sflag:$0x3] =	stream.linear.gather @!p1 [hbm4b:s4+s18], $0x28, $0x38;
	[tilespmem:$0x1A180] =	vst v63  }
0x166: {  	s3 =	sadd.s32 @!p1 s23, s3;
	s4 =	simm.s32 @!p1 $0x2D00  }
0x167: {  	[tilespmem:s4], [sflag:$0x3] =	stream.linear.gather @!p1 [hbm4b:s3+s18], $0x1400, $0x38;
	[tilespmem:$0x1A180] =	vst v63  }
0x168: {  	s3 =	simm.s32 @!p1 $0x1  }
0x169: {  	_ =	swait.ge @!p1 [sflag:s3], $0x28  }
0x16a: {  	[sflag:s3] =	ssyncset.done @!p1 $0x0  }
0x16b: {  	[sflag:s3] =	ssyncadd.s32 @!p1 $0xFFFFFFD8  }
0x16c: {  	_ =	swait.ge @!p1 [sflag:s3], $0x28  }
0x16d: {  	[sflag:s3] =	ssyncset.done @!p1 $0x0  }
0x16e: {  	[sflag:s3] =	ssyncadd.s32 @!p1 $0xFFFFFFD8  }
0x16f: {  	_ =	swait.ge @!p1 [sflag:s3], $0x1400  }
0x170: {  	[sflag:s3] =	ssyncset.done @!p1 $0x0  }
0x171: {  	s4 =	simm.s32 @!p1 $0x500;
	[sflag:s3] =	ssyncadd.s32 @!p1 $0xFFFFEC00;
	s3 =	simm.s32 @!p1 $0x28  }
0x172: {  	[tilespmem:s4], [sflag:$0x6] =	stream.indirect.gather.add.f32 @!p1 [hbm:s14], $0x80, s18, s3, $0xb8;
	[tilespmem:$0x1A180] =	vst v63  }
0x173: {  	_ =	swait.ge [sflag:s26], $0x1400  }
0x174: {  	[sflag:s26] =	ssyncset.done $0x0  }
0x175: {  	s15 =	simm.s32 $0x0;
	[sflag:s26] =	ssyncadd.s32 $0xFFFFEC00  }
0x176: {  	v3 =	vld [tilespmem:s15+$0x4100]  }
0x177: {  	v5 =	vld [tilespmem:s15+$0x4110]  }
0x178: {  	v4 =	vld [tilespmem:s15+$0x4120]  }
0x179: {  	v2 =	vld [tilespmem:s15+$0x4130]  }
0x17a: {  	v1 =	vld [tilespmem:s15+$0x4140]  }
0x17b: {  	v6 =	vmax.f32 v3, $0.0e+00;
	v3 =	vld [tilespmem:s15+$0x4150]  }
0x17c: {  	s18 =	simm.s32 $0x200;
	[tilespmem:s15+$0x4100] =	vst v6;
	v6 =	vmax.f32 v5, $0.0e+00;
	v5 =	vld [tilespmem:s15+$0x4160]  }
.LBB2_11:
0x17d: {  	s3 =	sshra.s32 s18, $0x2;
	p2 =	sne.s32 s18, $0x4E00;
	[tilespmem:s15+$0x4110] =	vst v6;
	v4 =	vmax.f32 v4, $0.0e+00;
	v6 =	vld [tilespmem:s15+$0x4170]  }
0x17e: {  	v7 =	vld [tilespmem:s3+$0x4100];
	[tilespmem:s15+$0x4120] =	vst v4;
	v2 =	vmax.f32 v2, $0.0e+00  }
0x17f: {  	v8 =	vld [tilespmem:s3+$0x4110];
	[tilespmem:s15+$0x4130] =	vst v2;
	v1 =	vmax.f32 v1, $0.0e+00  }
.Ltmp4:
0x180: {  	v4 =	vld [tilespmem:s3+$0x4120];
	[tilespmem:s15+$0x4140] =	vst v1;
	v1 =	vmax.f32 v3, $0.0e+00;
	(pc) =	sbr.rel @p2 .LBB2_11-.Ltmp4, $4  }
0x181: {  	v2 =	vld [tilespmem:s3+$0x4130];
	[tilespmem:s15+$0x4150] =	vst v1;
	v3 =	vmax.f32 v5, $0.0e+00  }
0x182: {  	v1 =	vld [tilespmem:s3+$0x4140];
	[tilespmem:s15+$0x4160] =	vst v3;
	v5 =	vmax.f32 v6, $0.0e+00  }
0x183: {  	v6 =	vmax.f32 v7, $0.0e+00;
	v3 =	vld [tilespmem:s3+$0x4150];
	[tilespmem:s15+$0x4170] =	vst v5;
	s15 =	smov.u32 s3  }
0x184: {  	s18 =	sadd.s32 $0x200, s18;
	[tilespmem:s15+$0x4100] =	vst v6;
	v6 =	vmax.f32 v8, $0.0e+00;
	v5 =	vld [tilespmem:s15+$0x4160]  }
0x185: {  	[tilespmem:s15+$0x4110] =	vst v6;
	v4 =	vmax.f32 v4, $0.0e+00;
	v6 =	vld [tilespmem:s15+$0x4170]  }
0x186: {  	[tilespmem:s15+$0x4120] =	vst v4;
	v2 =	vmax.f32 v2, $0.0e+00  }
0x187: {  	[tilespmem:s15+$0x4130] =	vst v2;
	v1 =	vmax.f32 v1, $0.0e+00  }
0x188: {  	[tilespmem:s15+$0x4140] =	vst v1;
	v1 =	vmax.f32 v3, $0.0e+00  }
0x189: {  	[tilespmem:s15+$0x4150] =	vst v1;
	v1 =	vmax.f32 v5, $0.0e+00  }
0x18a: {  	[tilespmem:s15+$0x4160] =	vst v1;
	v1 =	vmax.f32 v6, $0.0e+00  }
0x18b: {  	s3 =	simm.s32 $0x400;
	[tilespmem:s15+$0x4170] =	vst v1  }
0x18c: {  	[spmem:s20] =	stream.indirect.scatter.add.f32 [tilespmem:s31], [sflag:$0xE], $0x80, s3, s0, $0xb8;
	[tilespmem:$0x1A180] =	vst v63  }
0x18d: {  	_ =	swait.ge [sflag:s29], $0x1400  }
0x18e: {  	s3 =	sld [smem:$0x7FC];
	_ =	sdelay $0x2  }
0x18f: {  	s3 =	sadd.s32 @!p1 s13, s3  }
0x190: {  	s18 =	simm.s32 @!p1 $0x180;
	[sflag:s29] =	ssyncset.done $0x0;
	s4 =	sshrl.u32 @!p1 s3, $0x3  }
0x191: {  	s15 =	simm.s32 @!p1 $0x0;
	[sflag:s29] =	ssyncadd.s32 $0xFFFFEC00;
	s13 =	sadd.s32 @!p1 s22, s4  }
0x192: {  	[tilespmem:s18], [sflag:$0x4] =	stream.linear.gather @!p1 [hbm4b:s13+s15], $0x28, $0x38;
	[tilespmem:$0x1A180] =	vst v63  }
0x193: {  	s3 =	sshll.u32 @!p1 s3, $0x4;
	s4 =	sadd.s32 @!p1 s17, s4;
	s13 =	simm.s32 @!p1 $0x400  }
0x194: {  	[tilespmem:s13], [sflag:$0x4] =	stream.linear.gather @!p1 [hbm4b:s4+s15], $0x28, $0x38;
	[tilespmem:$0x1A180] =	vst v63  }
0x195: {  	s3 =	sadd.s32 @!p1 s23, s3;
	s4 =	simm.s32 @!p1 $0x4100  }
0x196: {  	[tilespmem:s4], [sflag:$0x4] =	stream.linear.gather @!p1 [hbm4b:s3+s15], $0x1400, $0x38;
	[tilespmem:$0x1A180] =	vst v63  }
0x197: {  	s3 =	simm.s32 @!p1 $0x2  }
0x198: {  	_ =	swait.ge @!p1 [sflag:s3], $0x28  }
0x199: {  	[sflag:s3] =	ssyncset.done @!p1 $0x0  }
0x19a: {  	[sflag:s3] =	ssyncadd.s32 @!p1 $0xFFFFFFD8  }
0x19b: {  	_ =	swait.ge @!p1 [sflag:s3], $0x28  }
0x19c: {  	[sflag:s3] =	ssyncset.done @!p1 $0x0  }
0x19d: {  	[sflag:s3] =	ssyncadd.s32 @!p1 $0xFFFFFFD8  }
0x19e: {  	_ =	swait.ge @!p1 [sflag:s3], $0x1400  }
0x19f: {  	s13 =	simm.s32 @!p1 $0x1900;
	[sflag:s3] =	ssyncset.done @!p1 $0x0  }
0x1a0: {  	s4 =	simm.s32 @!p1 $0x80;
	[sflag:s3] =	ssyncadd.s32 @!p1 $0xFFFFEC00;
	s3 =	simm.s32 @!p1 $0x28  }
0x1a1: {  	[tilespmem:s13], [sflag:$0x7] =	stream.indirect.gather.add.f32 @!p1 [hbm:s14], $0x80, s4, s3, $0xb8;
	[tilespmem:$0x1A180] =	vst v63  }
0x1a2: {  	_ =	swait.ge [sflag:s30], $0x1400  }
0x1a3: {  	[sflag:s30] =	ssyncset.done $0x0  }
0x1a4: {  	s13 =	simm.s32 $0x0;
	[sflag:s30] =	ssyncadd.s32 $0xFFFFEC00  }
0x1a5: {  	v3 =	vld [tilespmem:s13+$0x5500]  }
0x1a6: {  	v5 =	vld [tilespmem:s13+$0x5510]  }
0x1a7: {  	v4 =	vld [tilespmem:s13+$0x5520]  }
0x1a8: {  	v2 =	vld [tilespmem:s13+$0x5530]  }
0x1a9: {  	v1 =	vld [tilespmem:s13+$0x5540]  }
0x1aa: {  	v6 =	vmax.f32 v3, $0.0e+00;
	v3 =	vld [tilespmem:s13+$0x5550]  }
0x1ab: {  	s15 =	simm.s32 $0x200;
	[tilespmem:s13+$0x5500] =	vst v6;
	v6 =	vmax.f32 v5, $0.0e+00;
	v5 =	vld [tilespmem:s13+$0x5560]  }
.LBB2_13:
0x1ac: {  	s3 =	sshra.s32 s15, $0x2;
	p1 =	sne.s32 s15, $0x4E00;
	[tilespmem:s13+$0x5510] =	vst v6;
	v4 =	vmax.f32 v4, $0.0e+00;
	v6 =	vld [tilespmem:s13+$0x5570]  }
0x1ad: {  	v7 =	vld [tilespmem:s3+$0x5500];
	[tilespmem:s13+$0x5520] =	vst v4;
	v2 =	vmax.f32 v2, $0.0e+00  }
0x1ae: {  	v8 =	vld [tilespmem:s3+$0x5510];
	[tilespmem:s13+$0x5530] =	vst v2;
	v1 =	vmax.f32 v1, $0.0e+00  }
.Ltmp5:
0x1af: {  	v4 =	vld [tilespmem:s3+$0x5520];
	[tilespmem:s13+$0x5540] =	vst v1;
	v1 =	vmax.f32 v3, $0.0e+00;
	(pc) =	sbr.rel @p1 .LBB2_13-.Ltmp5, $4  }
0x1b0: {  	v2 =	vld [tilespmem:s3+$0x5530];
	[tilespmem:s13+$0x5550] =	vst v1;
	v3 =	vmax.f32 v5, $0.0e+00  }
0x1b1: {  	v1 =	vld [tilespmem:s3+$0x5540];
	[tilespmem:s13+$0x5560] =	vst v3;
	v5 =	vmax.f32 v6, $0.0e+00  }
0x1b2: {  	v6 =	vmax.f32 v7, $0.0e+00;
	v3 =	vld [tilespmem:s3+$0x5550];
	[tilespmem:s13+$0x5570] =	vst v5;
	s13 =	smov.u32 s3  }
0x1b3: {  	s15 =	sadd.s32 $0x200, s15;
	[tilespmem:s13+$0x5500] =	vst v6;
	v6 =	vmax.f32 v8, $0.0e+00;
	v5 =	vld [tilespmem:s13+$0x5560]  }
0x1b4: {  	[tilespmem:s13+$0x5510] =	vst v6;
	v4 =	vmax.f32 v4, $0.0e+00;
	v63 =	vld [tilespmem:s13+$0x5570]  }
0x1b5: {  	s12 =	sadd.s32 $0x1, s12;
	[tilespmem:s13+$0x5520] =	vst v4;
	v2 =	vmax.f32 v2, $0.0e+00  }
0x1b6: {  	p1 =	sne.s32 s12, $0x32;
	[tilespmem:s13+$0x5530] =	vst v2;
	v1 =	vmax.f32 v1, $0.0e+00  }
.Ltmp6:
0x1b7: {  	[tilespmem:s13+$0x5540] =	vst v1;
	v1 =	vmax.f32 v3, $0.0e+00;
	(pc) =	sbr.rel @p1 .LBB2_4-.Ltmp6, $4  }
0x1b8: {  	[tilespmem:s13+$0x5550] =	vst v1;
	v1 =	vmax.f32 v5, $0.0e+00  }
0x1b9: {  	[tilespmem:s13+$0x5560] =	vst v1;
	v1 =	vmax.f32 v63, $0.0e+00  }
0x1ba: {  	s4 =	simm.s32 $0x480;
	[tilespmem:s13+$0x5570] =	vst v1  }
0x1bb: {  	[spmem:s20] =	stream.indirect.scatter.add.f32 [tilespmem:s5], [sflag:$0xF], $0x80, s4, s0, $0xb8;
	[tilespmem:$0x1A180] =	vst v63  }
0x1bc: {  	s3 =	simm.s32 $0xF  }
0x1bd: {  	_ =	swait.ge [sflag:s3], $0x1400  }
0x1be: {  	[sflag:s3] =	ssyncset.done $0x0  }
0x1bf: {  	[sflag:s3] =	ssyncadd.s32 $0xFFFFEC00  }
0x1c0: {  	[bflag:$0x0] =	sbarrier.arrive $0xFFFF  }
0x1c1: {  	s4 =	rddreg [dreg:$0x15]  }
0x1c2: {  	[tilespmem:s9], [sflag:$0x10] =	stream.linear.gather [spmem:s4], $0x1400, $0x38;
	[tilespmem:$0x1A180] =	vst v63  }
0x1c3: {  	_ =	swait.ge [sflag:s10], $0x1400  }
0x1c4: {  	[sflag:s10] =	ssyncset.done $0x0  }
0x1c5: {  	s3 =	simm.s32 $0x0;
	s4 =	rddreg [dreg:$0x5];
	[sflag:s10] =	ssyncadd.s32 $0xFFFFEC00  }
0x1c6: {  	[hbm4b:s4+s3] =	stream.linear.scatter [tilespmem:s9], [sflag:$0x10], $0x1400, $0x38;
	[tilespmem:$0x1A180] =	vst v63  }
0x1c7: {  	_ =	swait.ge [sflag:s10], $0x1400  }
0x1c8: {  	[sflag:s10] =	ssyncset.done $0x0  }
0x1c9: {  	s12 =	rddreg [dreg:$0x16];
	[sflag:s10] =	ssyncadd.s32 $0xFFFFEC00  }
0x1ca: {  	[tilespmem:s9], [sflag:$0x10] =	stream.linear.gather [spmem:s12], $0x1400, $0x38;
	[tilespmem:$0x1A180] =	vst v63  }
0x1cb: {  	_ =	swait.ge [sflag:s10], $0x1400  }
0x1cc: {  	[sflag:s10] =	ssyncset.done $0x0  }
0x1cd: {  	s13 =	rddreg [dreg:$0x6];
	[sflag:s10] =	ssyncadd.s32 $0xFFFFEC00  }
0x1ce: {  	[hbm4b:s13+s3] =	stream.linear.scatter [tilespmem:s9], [sflag:$0x10], $0x1400, $0x38;
	[tilespmem:$0x1A180] =	vst v63  }
0x1cf: {  	_ =	swait.ge [sflag:s10], $0x1400  }
0x1d0: {  	[sflag:s10] =	ssyncset.done $0x0  }
0x1d1: {  	s15 =	rddreg [dreg:$0x17];
	[sflag:s10] =	ssyncadd.s32 $0xFFFFEC00  }
0x1d2: {  	[tilespmem:s9], [sflag:$0x10] =	stream.linear.gather [spmem:s15], $0x1400, $0x38;
	[tilespmem:$0x1A180] =	vst v63  }
0x1d3: {  	_ =	swait.ge [sflag:s10], $0x1400  }
0x1d4: {  	[sflag:s10] =	ssyncset.done $0x0  }
0x1d5: {  	s18 =	rddreg [dreg:$0x7];
	[sflag:s10] =	ssyncadd.s32 $0xFFFFEC00  }
0x1d6: {  	[hbm4b:s18+s3] =	stream.linear.scatter [tilespmem:s9], [sflag:$0x10], $0x1400, $0x38;
	[tilespmem:$0x1A180] =	vst v63  }
0x1d7: {  	_ =	swait.ge [sflag:s10], $0x1400  }
0x1d8: {  	[sflag:s10] =	ssyncset.done $0x0  }
0x1d9: {  	s15 =	rddreg [dreg:$0x18];
	[sflag:s10] =	ssyncadd.s32 $0xFFFFEC00  }
0x1da: {  	[tilespmem:s9], [sflag:$0x10] =	stream.linear.gather [spmem:s15], $0x1400, $0x38;
	[tilespmem:$0x1A180] =	vst v63  }
0x1db: {  	_ =	swait.ge [sflag:s10], $0x1400  }
0x1dc: {  	[sflag:s10] =	ssyncset.done $0x0  }
0x1dd: {  	s19 =	rddreg [dreg:$0x8];
	[sflag:s10] =	ssyncadd.s32 $0xFFFFEC00  }
0x1de: {  	[hbm4b:s19+s3] =	stream.linear.scatter [tilespmem:s9], [sflag:$0x10], $0x1400, $0x38;
	[tilespmem:$0x1A180] =	vst v63  }
0x1df: {  	_ =	swait.ge [sflag:s10], $0x1400  }
0x1e0: {  	[sflag:s10] =	ssyncset.done $0x0  }
0x1e1: {  	s18 =	rddreg [dreg:$0x19];
	[sflag:s10] =	ssyncadd.s32 $0xFFFFEC00  }
0x1e2: {  	[tilespmem:s9], [sflag:$0x10] =	stream.linear.gather [spmem:s18], $0x1400, $0x38;
	[tilespmem:$0x1A180] =	vst v63  }
0x1e3: {  	_ =	swait.ge [sflag:s10], $0x1400  }
0x1e4: {  	[sflag:s10] =	ssyncset.done $0x0  }
0x1e5: {  	s24 =	rddreg [dreg:$0x9];
	[sflag:s10] =	ssyncadd.s32 $0xFFFFEC00  }
0x1e6: {  	[hbm4b:s24+s3] =	stream.linear.scatter [tilespmem:s9], [sflag:$0x10], $0x1400, $0x38;
	[tilespmem:$0x1A180] =	vst v63  }
0x1e7: {  	_ =	swait.ge [sflag:s10], $0x1400  }
0x1e8: {  	[sflag:s10] =	ssyncset.done $0x0  }
0x1e9: {  	s12 =	rddreg [dreg:$0x1a];
	[sflag:s10] =	ssyncadd.s32 $0xFFFFEC00  }
0x1ea: {  	[tilespmem:s9], [sflag:$0x10] =	stream.linear.gather [spmem:s12], $0x1400, $0x38;
	[tilespmem:$0x1A180] =	vst v63  }
0x1eb: {  	_ =	swait.ge [sflag:s10], $0x1400  }
0x1ec: {  	[sflag:s10] =	ssyncset.done $0x0  }
0x1ed: {  	s13 =	rddreg [dreg:$0xa];
	[sflag:s10] =	ssyncadd.s32 $0xFFFFEC00  }
0x1ee: {  	[hbm4b:s13+s3] =	stream.linear.scatter [tilespmem:s9], [sflag:$0x10], $0x1400, $0x38;
	[tilespmem:$0x1A180] =	vst v63  }
0x1ef: {  	_ =	swait.ge [sflag:s10], $0x1400  }
0x1f0: {  	[sflag:s10] =	ssyncset.done $0x0  }
0x1f1: {  	s19 =	rddreg [dreg:$0x1b];
	[sflag:s10] =	ssyncadd.s32 $0xFFFFEC00  }
0x1f2: {  	[tilespmem:s9], [sflag:$0x10] =	stream.linear.gather [spmem:s19], $0x1400, $0x38;
	[tilespmem:$0x1A180] =	vst v63  }
0x1f3: {  	_ =	swait.ge [sflag:s10], $0x1400  }
0x1f4: {  	[sflag:s10] =	ssyncset.done $0x0  }
0x1f5: {  	s24 =	rddreg [dreg:$0xb];
	[sflag:s10] =	ssyncadd.s32 $0xFFFFEC00  }
0x1f6: {  	[hbm4b:s24+s3] =	stream.linear.scatter [tilespmem:s9], [sflag:$0x10], $0x1400, $0x38;
	[tilespmem:$0x1A180] =	vst v63  }
0x1f7: {  	_ =	swait.ge [sflag:s10], $0x1400  }
0x1f8: {  	[sflag:s10] =	ssyncset.done $0x0  }
0x1f9: {  	s19 =	rddreg [dreg:$0x1c];
	[sflag:s10] =	ssyncadd.s32 $0xFFFFEC00  }
0x1fa: {  	[tilespmem:s9], [sflag:$0x10] =	stream.linear.gather [spmem:s19], $0x1400, $0x38;
	[tilespmem:$0x1A180] =	vst v63  }
0x1fb: {  	_ =	swait.ge [sflag:s10], $0x1400  }
0x1fc: {  	[sflag:s10] =	ssyncset.done $0x0  }
0x1fd: {  	s12 =	rddreg [dreg:$0xc];
	[sflag:s10] =	ssyncadd.s32 $0xFFFFEC00  }
0x1fe: {  	[hbm4b:s12+s3] =	stream.linear.scatter [tilespmem:s9], [sflag:$0x10], $0x1400, $0x38;
	[tilespmem:$0x1A180] =	vst v63  }
0x1ff: {  	_ =	swait.ge [sflag:s10], $0x1400  }
0x200: {  	[sflag:s10] =	ssyncset.done $0x0  }
0x201: {  	s24 =	rddreg [dreg:$0x1d];
	[sflag:s10] =	ssyncadd.s32 $0xFFFFEC00  }
0x202: {  	[tilespmem:s9], [sflag:$0x10] =	stream.linear.gather [spmem:s24], $0x1400, $0x38;
	[tilespmem:$0x1A180] =	vst v63  }
0x203: {  	_ =	swait.ge [sflag:s10], $0x1400  }
0x204: {  	[sflag:s10] =	ssyncset.done $0x0  }
0x205: {  	s13 =	rddreg [dreg:$0xd];
	[sflag:s10] =	ssyncadd.s32 $0xFFFFEC00  }
0x206: {  	[hbm4b:s13+s3] =	stream.linear.scatter [tilespmem:s9], [sflag:$0x10], $0x1400, $0x38;
	[tilespmem:$0x1A180] =	vst v63  }
0x207: {  	_ =	swait.ge [sflag:s10], $0x1400  }
0x208: {  	[sflag:s10] =	ssyncset.done $0x0  }
0x209: {  	s12 =	rddreg [dreg:$0x1e];
	[sflag:s10] =	ssyncadd.s32 $0xFFFFEC00  }
0x20a: {  	[tilespmem:s9], [sflag:$0x10] =	stream.linear.gather [spmem:s12], $0x1400, $0x38;
	[tilespmem:$0x1A180] =	vst v63  }
0x20b: {  	_ =	swait.ge [sflag:s10], $0x1400  }
0x20c: {  	[sflag:s10] =	ssyncset.done $0x0  }
0x20d: {  	s13 =	rddreg [dreg:$0xe];
	[sflag:s10] =	ssyncadd.s32 $0xFFFFEC00  }
0x20e: {  	[hbm4b:s13+s3] =	stream.linear.scatter [tilespmem:s9], [sflag:$0x10], $0x1400, $0x38;
	[tilespmem:$0x1A180] =	vst v63  }
0x20f: {  	_ =	swait.ge [sflag:s10], $0x1400  }
0x210: {  	[sflag:s10] =	ssyncset.done $0x0  }
0x211: {  	s12 =	rddreg [dreg:$0x1f];
	[sflag:s10] =	ssyncadd.s32 $0xFFFFEC00  }
0x212: {  	[tilespmem:s9], [sflag:$0x10] =	stream.linear.gather [spmem:s12], $0x1400, $0x38;
	[tilespmem:$0x1A180] =	vst v63  }
0x213: {  	_ =	swait.ge [sflag:s10], $0x1400  }
0x214: {  	[sflag:s10] =	ssyncset.done $0x0  }
0x215: {  	s13 =	rddreg [dreg:$0xf];
	[sflag:s10] =	ssyncadd.s32 $0xFFFFEC00  }
0x216: {  	[hbm4b:s13+s3] =	stream.linear.scatter [tilespmem:s9], [sflag:$0x10], $0x1400, $0x38;
	[tilespmem:$0x1A180] =	vst v63  }
0x217: {  	_ =	swait.ge [sflag:s10], $0x1400  }
0x218: {  	s12 =	sld [smem:$0x7E7]  }
0x219: {  	[sflag:s10] =	ssyncset.done $0x0  }
0x21a: {  	[sflag:s10] =	ssyncadd.s32 $0xFFFFEC00  }
0x21b: {  	[tilespmem:s9], [sflag:$0x10] =	stream.linear.gather [spmem:s12], $0x1400, $0x38;
	[tilespmem:$0x1A180] =	vst v63  }
0x21c: {  	_ =	swait.ge [sflag:s10], $0x1400  }
0x21d: {  	[sflag:s10] =	ssyncset.done $0x0  }
0x21e: {  	s13 =	rddreg [dreg:$0x10];
	[sflag:s10] =	ssyncadd.s32 $0xFFFFEC00  }
0x21f: {  	[hbm4b:s13+s3] =	stream.linear.scatter [tilespmem:s9], [sflag:$0x10], $0x1400, $0x38;
	[tilespmem:$0x1A180] =	vst v63  }
0x220: {  	_ =	swait.ge [sflag:s10], $0x1400  }
0x221: {  	s12 =	sld [smem:$0x7E8]  }
0x222: {  	[sflag:s10] =	ssyncset.done $0x0  }
0x223: {  	[sflag:s10] =	ssyncadd.s32 $0xFFFFEC00  }
0x224: {  	[tilespmem:s9], [sflag:$0x10] =	stream.linear.gather [spmem:s12], $0x1400, $0x38;
	[tilespmem:$0x1A180] =	vst v63  }
0x225: {  	_ =	swait.ge [sflag:s10], $0x1400  }
0x226: {  	[sflag:s10] =	ssyncset.done $0x0  }
0x227: {  	s13 =	rddreg [dreg:$0x11];
	[sflag:s10] =	ssyncadd.s32 $0xFFFFEC00  }
0x228: {  	[hbm4b:s13+s3] =	stream.linear.scatter [tilespmem:s9], [sflag:$0x10], $0x1400, $0x38;
	[tilespmem:$0x1A180] =	vst v63  }
0x229: {  	_ =	swait.ge [sflag:s10], $0x1400  }
0x22a: {  	s12 =	sld [smem:$0x7E9]  }
0x22b: {  	[sflag:s10] =	ssyncset.done $0x0  }
0x22c: {  	[sflag:s10] =	ssyncadd.s32 $0xFFFFEC00  }
0x22d: {  	[tilespmem:s9], [sflag:$0x10] =	stream.linear.gather [spmem:s12], $0x1400, $0x38;
	[tilespmem:$0x1A180] =	vst v63  }
0x22e: {  	_ =	swait.ge [sflag:s10], $0x1400  }
0x22f: {  	[sflag:s10] =	ssyncset.done $0x0  }
0x230: {  	s13 =	rddreg [dreg:$0x12];
	[sflag:s10] =	ssyncadd.s32 $0xFFFFEC00  }
0x231: {  	[hbm4b:s13+s3] =	stream.linear.scatter [tilespmem:s9], [sflag:$0x10], $0x1400, $0x38;
	[tilespmem:$0x1A180] =	vst v63  }
0x232: {  	_ =	swait.ge [sflag:s10], $0x1400  }
0x233: {  	s12 =	sld [smem:$0x7EA]  }
0x234: {  	[sflag:s10] =	ssyncset.done $0x0  }
0x235: {  	[sflag:s10] =	ssyncadd.s32 $0xFFFFEC00  }
0x236: {  	[tilespmem:s9], [sflag:$0x10] =	stream.linear.gather [spmem:s12], $0x1400, $0x38;
	[tilespmem:$0x1A180] =	vst v63  }
0x237: {  	_ =	swait.ge [sflag:s10], $0x1400  }
0x238: {  	[sflag:s10] =	ssyncset.done $0x0  }
0x239: {  	s13 =	rddreg [dreg:$0x13];
	[sflag:s10] =	ssyncadd.s32 $0xFFFFEC00  }
0x23a: {  	[hbm4b:s13+s3] =	stream.linear.scatter [tilespmem:s9], [sflag:$0x10], $0x1400, $0x38;
	[tilespmem:$0x1A180] =	vst v63  }
0x23b: {  	_ =	swait.ge [sflag:s10], $0x1400  }
0x23c: {  	s4 =	sld [smem:$0x7EB]  }
0x23d: {  	[sflag:s10] =	ssyncset.done $0x0  }
0x23e: {  	s3 =	simm.s32 @!p0 $0x500;
	[sflag:s10] =	ssyncadd.s32 $0xFFFFEC00  }
0x23f: {  	[tilespmem:s3], [sflag:$0x10] =	stream.linear.gather @!p0 [spmem:s4], $0x1400, $0x38;
	[tilespmem:$0x1A180] =	vst v63  }
0x240: {  	s4 =	simm.s32 @!p0 $0x10  }
0x241: {  	_ =	swait.ge @!p0 [sflag:s4], $0x1400  }
0x242: {  	[sflag:s4] =	ssyncset.done @!p0 $0x0  }
0x243: {  	s12 =	simm.s32 @!p0 $0x0;
	s13 =	rddreg [dreg:$0x14];
	[sflag:s4] =	ssyncadd.s32 @!p0 $0xFFFFEC00  }
0x244: {  	[hbm4b:s13+s12] =	stream.linear.scatter @!p0 [tilespmem:s3], [sflag:$0x10], $0x1400, $0x38;
	[tilespmem:$0x1A180] =	vst v63  }
0x245: {  	_ =	swait.ge @!p0 [sflag:s4], $0x1400  }
0x246: {  	s3 =	sld [smem:$0x7E6]  }
0x247: {  	s13 =	sld [smem:$0x7FD];
	_ =	sdelay $0x1  }
0x248: {  	s12 =	sadd.s32 $0x1, s3  }
0x249: {  	p1 =	sne.s32 s12, s13  }
.Ltmp7:
0x24a: {  	_ = 	snop;
	(pc) =	sbr.rel @p1 .LBB2_1-.Ltmp7, $3  }
0x24b: {  	_ =	sdelay $0x1  }
0x24c: {  	[sflag:s4] =	ssyncset.done @!p0 $0x0  }
0x24d: {  	[sflag:s4] =	ssyncadd.s32 @!p0 $0xFFFFEC00  }
0x24e: {  	_ =	sfence.sel $0x180000  }
0x24f: {  	[bflag:$0x0] =	sbarrier.arrive $0xFFFF  }
0x250: {  	_ =	strace $0x90000047  }
0x251: {  	s0 =	stileid.u32;
	[bflag:$0x2] =	sbarrier.arrive $0xFFFF  }
0x252: {  	p0 =	sne.s32 s0, $0x0;
	s0 =	rddreg [dreg:$0x4]  }
0x253: {  	s0 =	sadd.s32 @!p0 $0x100000, s0  }
0x254: {  	[sflag:s0] =	ssyncadd.tile.s32 @!p0 $0x1;
	_ =	shalt  }
.Lfunc_end2:
_tile_overlayer_lowered:
.L_overlay_start_2:
0x255: {  	(tag) =	ssettag $0x2  }
0x256: {  	s0 =	rddreg [dreg:$0x0];
	s2 =	stileid.u32  }
0x257: {  	s1 =	rddreg [dreg:$0x1];
	p0 =	sne.s32 s2, $0x0  }
0x258: {  	s3 =	rddreg [dreg:$0x2];
	[bflag:$0x3] =	sbarrier.arrive $0xFFFF;
	s2 =	simm.s32 @!p0 $0x1C10  }
0x259: {  	[timem:s3], [sflag:s2] =	dma.local @!p0 [hbm:s0], s1  }
0x25a: {  	s0 =	simm.s32 @!p0 $0x10  }
0x25b: {  	_ =	swait.ge @!p0 [sflag:s0], s1  }
0x25c: {  	s1 =	ssub.s32 @!p0 $0x0, s1;
	[sflag:s0] =	ssyncset.done @!p0 $0x0  }
0x25d: {  	[sflag:s0] =	ssyncadd.s32 @!p0 s1  }
0x25e: {  	[bflag:$0x3] =	sbarrier.arrive $0xFFFF  }
0x25f: {  	_ =	shalt  }

</sc_bundles>
